<compile_context>
chip_gen: v7x
topology: tpu7x:2x2x1
jax: 0.10.2.dev20260603
libtpu: 0.0.44.dev20260713+nightly
codegen_flags: <defaults>
</compile_context>

<pallas_src>
import jax
import jax.numpy as jnp
from jax import lax
from jax.experimental import pallas as pl
from jax.experimental.pallas import tpu as pltpu
from jax.experimental.pallas import tpu_sc as plsc

B = 1024
L = 50
H = 8
N = 10000
LANES = 16
NC = 2
NS = 16
NW = NC * NS
BBLK = B // (NW // 4)
IJTOT = L * L
IJW = IJTOT // 4
CH = 25
NCHUNKS = IJW // CH


def _sc_body(seq_hbm, table_hbm, out_hbm,
             seq_blk, ro_v, co_v, idx0, idx1, vals0, vals1, slab0, slab1,
             gsem, wsem):
    wid = lax.axis_index("s") * NC + lax.axis_index("c")
    g = wid >> 2
    q = wid & 3
    ij_base = q * IJW

    pltpu.sync_copy(seq_hbm.at[pl.ds(g * BBLK * L, BBLK * L)], seq_blk)

    iota = lax.iota(jnp.int32, LANES)
    gidx_base = iota * L

    def t_body(i, carry):
        for c in range(8):
            v = plsc.load_gather(seq_blk, [gidx_base + (c * 16 * L + i)])
            ro_v[pl.ds(i * BBLK + c * 16, 16)] = v * N
            co_v[pl.ds(i * BBLK + c * 16, 16)] = v
        return carry

    lax.fori_loop(0, L, t_body, 0)

    slots = ((idx0, vals0, slab0), (idx1, vals1, slab1))

    def build_and_fire(n, idx_v, vals_v):
        def ij_body(m, carry):
            ij = ij_base + n * CH + m
            i = ij // L
            j = ij - i * L
            for c in range(8):
                rv = ro_v[pl.ds(i * BBLK + c * 16, 16)]
                cv = co_v[pl.ds(j * BBLK + c * 16, 16)]
                idx_v[m, pl.ds(c * 16, 16)] = rv + cv
            pltpu.async_copy(
                table_hbm.at[idx_v.at[m]], vals_v.at[m], gsem)
            return carry

        lax.fori_loop(0, CH, ij_body, 0)

    def drain_gather(vals_v):
        pltpu.make_async_copy(out_hbm.at[pl.ds(0, CH), 0, 0], vals_v, gsem).wait()

    def drain_write(slab_v):
        pltpu.make_async_copy(slab_v, out_hbm.at[pl.ds(0, CH), 0], wsem).wait()

    def broadcast(vals_v, slab_v):
        def b_body(m, carry):
            for c in range(8):
                v = vals_v[m, pl.ds(c * 16, 16)]
                for h in range(H):
                    slab_v[m, h, pl.ds(c * 16, 16)] = v
            return carry

        lax.fori_loop(0, CH, b_body, 0)

    for s in range(2):
        build_and_fire(s, slots[s][0], slots[s][1])

    def chunk_body(p, carry):
        for s in range(2):
            idx_v, vals_v, slab_v = slots[s]
            n = p * 2 + s

            @pl.when(n < NCHUNKS)
            def _():
                drain_gather(vals_v)

                @pl.when(p > 0)
                def _():
                    drain_write(slab_v)

                broadcast(vals_v, slab_v)
                pltpu.async_copy(
                    slab_v, out_hbm.at[pl.ds(ij_base + n * CH, CH), g], wsem)

                @pl.when(n + 2 < NCHUNKS)
                def _():
                    build_and_fire(n + 2, idx_v, vals_v)

        return carry

    lax.fori_loop(0, (NCHUNKS + 1) // 2, chunk_body, 0)
    drain_write(slab0)
    drain_write(slab1)


@jax.jit
def _sc_call(seq_flat, table_flat):
    return pl.kernel(
        _sc_body,
        out_type=jax.ShapeDtypeStruct((IJTOT, B // BBLK, H, BBLK), jnp.int32),
        mesh=plsc.VectorSubcoreMesh(
            core_axis_name="c", subcore_axis_name="s",
            num_cores=NC, num_subcores=NS,
        ),
        scratch_types=[
            pltpu.VMEM((BBLK * L,), jnp.int32),
            pltpu.VMEM((L * BBLK,), jnp.int32),
            pltpu.VMEM((L * BBLK,), jnp.int32),
            pltpu.VMEM((CH, BBLK), jnp.int32),
            pltpu.VMEM((CH, BBLK), jnp.int32),
            pltpu.VMEM((CH, BBLK), jnp.int32),
            pltpu.VMEM((CH, BBLK), jnp.int32),
            pltpu.VMEM((CH, H, BBLK), jnp.int32),
            pltpu.VMEM((CH, H, BBLK), jnp.int32),
            pltpu.SemaphoreType.DMA,
            pltpu.SemaphoreType.DMA,
        ],
        compiler_params=pltpu.CompilerParams(needs_layout_passes=False),
    )(seq_flat, table_flat)


def kernel(user_seq, spatial_pos_table):
    out4 = _sc_call(user_seq.reshape(-1), spatial_pos_table.reshape(-1))
    return out4.transpose(1, 3, 0, 2).reshape(B, L, L, H)

# --- scband reference (transcript-rebuilt; emitter-appended) ---
"""Pipeline reference for scband-spatial-encoder-18047452578328 (READ-ONLY COPY).

The authoritative reference and input builder live on the scoring server;
editing this copy changes nothing except your own understanding.
"""

import jax, jax.numpy as jnp
import numpy as np

NUM_NODES = 10000
NUM_HEADS = 8
BATCH = 1024
SEQ_LEN = 50

def setup_inputs(seed: int = 0) -> dict:
    key = jax.random.key(seed)
    k1, k2 = jax.random.split(key)
    user_seq = jax.random.randint(k1, (BATCH, SEQ_LEN), 0, NUM_NODES, dtype=jnp.int32)
    # Stand-in for the precomputed SPD matrix loaded from <data_path>/<spd_file>.
    # Integer shortest-path distances, capped at 511 like typical Graphormer SPD tables.
    spatial_pos_table = jax.random.randint(k2, (NUM_NODES, NUM_NODES), 0, 511, dtype=jnp.int32)
    return {"user_seq": user_seq, "spatial_pos_table": spatial_pos_table}

def reference(user_seq, spatial_pos_table):
    # For each sequence b: spd_matrix = table[seq, :][:, seq]  -> [L, L]
    # Vectorized pairwise gather: table[seq[:, :, None], seq[:, None, :]] -> [B, L, L]
    spd = spatial_pos_table[user_seq[:, :, None], user_seq[:, None, :]]
    # torch: total_output.repeat(H,1,1,1).permute(1,2,3,0) == tile along a new last axis
    attn_bias = jnp.repeat(spd[..., None], NUM_HEADS, axis=-1)  # [B, L, L, H]
    return attn_bias

if __name__ == "__main__":
    import jax
    _d = setup_inputs()
    print(jax.jit(kernel)(*tuple(_d.values())))

</pallas_src>

<mosaic_0001>
#map = affine_map<(d0, d1) -> (0)>
#map1 = affine_map<(d0, d1) -> (0, 0, 0, 0)>
module attributes {stable_mosaic.version = 14 : i64} {
  func.func @_sc_body(%arg0: i32, %arg1: i32, %arg2: memref<51200xi32, #tpu.memory_space<hbm>>, %arg3: memref<100000000xi32, #tpu.memory_space<hbm>>, %arg4: memref<2500x8x8x128xi32, #tpu.memory_space<hbm>>, %arg5: memref<6400xi32, #tpu.memory_space<vmem>>, %arg6: memref<6400xi32, #tpu.memory_space<vmem>>, %arg7: memref<6400xi32, #tpu.memory_space<vmem>>, %arg8: memref<25x128xi32, #tpu.memory_space<vmem>>, %arg9: memref<25x128xi32, #tpu.memory_space<vmem>>, %arg10: memref<25x128xi32, #tpu.memory_space<vmem>>, %arg11: memref<25x128xi32, #tpu.memory_space<vmem>>, %arg12: memref<25x8x128xi32, #tpu.memory_space<vmem>>, %arg13: memref<25x8x128xi32, #tpu.memory_space<vmem>>, %arg14: memref<!tpu.dma_semaphore, #tpu.memory_space<semaphore_mem>>, %arg15: memref<!tpu.dma_semaphore, #tpu.memory_space<semaphore_mem>>) attributes {dimension_semantics = [#tpu.dimension_semantics<core_parallel>, #tpu.dimension_semantics<subcore_parallel>], iteration_bounds = array<i64: 2, 16>, scalar_prefetch = 0 : i64, scratch_operands = 11 : i64, tpu.core_type = #tpu.core_type<sc_vector_subcore>, window_params = [{transform_indices = #map}, {transform_indices = #map}, {transform_indices = #map1}]} {
    %mul3A = arith.constant 2 : i32
    %mul3A_0 = arith.muli %arg1, %mul3A : i32
    %add3A = arith.addi %mul3A_0, %arg0 : i32
    %shift_right_arithmetic3A = arith.constant 2 : i32
    %shift_right_arithmetic3A_1 = arith.shrsi %add3A, %shift_right_arithmetic3A : i32
    %and3A = arith.constant 3 : i32
    %and3A_2 = arith.andi %add3A, %and3A : i32
    %mul3A_3 = arith.constant 625 : i32
    %mul3A_4 = arith.muli %and3A_2, %mul3A_3 : i32
    %mul3A_5 = arith.constant 128 : i32
    %mul3A_6 = arith.muli %shift_right_arithmetic3A_1, %mul3A_5 : i32
    %mul3A_7 = arith.constant 50 : i32
    %mul3A_8 = arith.muli %mul3A_6, %mul3A_7 : i32
    "tpu.region"() ({
      %run_scoped3A = tpu.sem_alloc : memref<!tpu.dma_semaphore, #tpu.memory_space<semaphore_mem>>
      %dma_start3A = tpu.memref_slice %arg2[%mul3A_8] : memref<51200xi32, #tpu.memory_space<hbm>> -> memref<6400xi32, #tpu.memory_space<hbm>>
      %dma_start3A_56 = tpu.memref_slice %arg2[%mul3A_8] : memref<51200xi32, #tpu.memory_space<hbm>> -> memref<6400xi32, #tpu.memory_space<hbm>>
      tpu.enqueue_dma source(%dma_start3A_56 : memref<6400xi32, #tpu.memory_space<hbm>>) target(%arg5 : memref<6400xi32, #tpu.memory_space<vmem>>) target_semaphore(%run_scoped3A : memref<!tpu.dma_semaphore, #tpu.memory_space<semaphore_mem>>)
      %dma_wait3A_57 = tpu.memref_slice %arg2[%mul3A_8] : memref<51200xi32, #tpu.memory_space<hbm>> -> memref<6400xi32, #tpu.memory_space<hbm>>
      %dma_wait3A_58 = tpu.memref_slice %arg2[%mul3A_8] : memref<51200xi32, #tpu.memory_space<hbm>> -> memref<6400xi32, #tpu.memory_space<hbm>>
      tpu.wait_dma2 semaphore(%run_scoped3A : memref<!tpu.dma_semaphore, #tpu.memory_space<semaphore_mem>>) src(%dma_wait3A_58 : memref<6400xi32, #tpu.memory_space<hbm>>) dst(%arg5 : memref<6400xi32, #tpu.memory_space<vmem>>)
      tpu.yield
    }) : () -> ()
    %iota3A = tpu.iota {dimensions = array<i32: 0>} : vector<16xi32>
    %mul3A_9 = arith.constant 50 : i32
    %mul3A_10 = vector.broadcast %mul3A_9 : i32 to vector<16xi32>
    %mul3A_11 = arith.muli %iota3A, %mul3A_10 : vector<16xi32>
    %scan3A = arith.constant 0 : i32
    %scan3A_12 = arith.constant 0 : i32
    %scan3A_13 = arith.constant 50 : i32
    %scan3A_14 = arith.addi %scan3A_12, %scan3A_13 : i32
    %scan3A_15 = arith.constant 1 : i32
    scf.for %scan3A_56 = %scan3A_12 to %scan3A_14 step %scan3A_15  : i32 {
      %add3A_57 = arith.constant 0 : i32
      %add3A_58 = arith.addi %add3A_57, %scan3A_56 : i32
      %add3A_59 = vector.broadcast %add3A_58 : i32 to vector<16xi32>
      %add3A_60 = arith.addi %mul3A_11, %add3A_59 : vector<16xi32>
      %gather3A = tpu.vector_load_idx %arg5[%add3A_60] : memref<6400xi32, #tpu.memory_space<vmem>>[vector<16xi32>], vector<16xi32>,
      %mul3A_61 = arith.constant 10000 : i32
      %mul3A_62 = vector.broadcast %mul3A_61 : i32 to vector<16xi32>
      %mul3A_63 = arith.muli %gather3A, %mul3A_62 : vector<16xi32>
      %mul3A_64 = arith.constant 128 : i32
      %mul3A_65 = arith.muli %scan3A_56, %mul3A_64 : i32
      %add3A_66 = arith.constant 0 : i32
      %add3A_67 = arith.addi %mul3A_65, %add3A_66 : i32
      %swap3A = arith.index_cast %add3A_67 : i32 to index
      %swap3A_68 = tpu.vector_load %arg6[%swap3A] {strides = array<i32>} : memref<6400xi32, #tpu.memory_space<vmem>>, vector<16xi32>,
      tpu.vector_store %arg6[%swap3A], %mul3A_63 {strides = array<i32>} : memref<6400xi32, #tpu.memory_space<vmem>>, vector<16xi32>,
      %mul3A_69 = arith.constant 128 : i32
      %mul3A_70 = arith.muli %scan3A_56, %mul3A_69 : i32
      %add3A_71 = arith.constant 0 : i32
      %add3A_72 = arith.addi %mul3A_70, %add3A_71 : i32
      %swap3A_73 = arith.index_cast %add3A_72 : i32 to index
      %swap3A_74 = tpu.vector_load %arg7[%swap3A_73] {strides = array<i32>} : memref<6400xi32, #tpu.memory_space<vmem>>, vector<16xi32>,
      tpu.vector_store %arg7[%swap3A_73], %gather3A {strides = array<i32>} : memref<6400xi32, #tpu.memory_space<vmem>>, vector<16xi32>,
      %add3A_75 = arith.constant 800 : i32
      %add3A_76 = arith.addi %add3A_75, %scan3A_56 : i32
      %add3A_77 = vector.broadcast %add3A_76 : i32 to vector<16xi32>
      %add3A_78 = arith.addi %mul3A_11, %add3A_77 : vector<16xi32>
      %gather3A_79 = tpu.vector_load_idx %arg5[%add3A_78] : memref<6400xi32, #tpu.memory_space<vmem>>[vector<16xi32>], vector<16xi32>,
      %mul3A_80 = arith.constant 10000 : i32
      %mul3A_81 = vector.broadcast %mul3A_80 : i32 to vector<16xi32>
      %mul3A_82 = arith.muli %gather3A_79, %mul3A_81 : vector<16xi32>
      %mul3A_83 = arith.constant 128 : i32
      %mul3A_84 = arith.muli %scan3A_56, %mul3A_83 : i32
      %add3A_85 = arith.constant 16 : i32
      %add3A_86 = arith.addi %mul3A_84, %add3A_85 : i32
      %swap3A_87 = arith.index_cast %add3A_86 : i32 to index
      %swap3A_88 = tpu.vector_load %arg6[%swap3A_87] {strides = array<i32>} : memref<6400xi32, #tpu.memory_space<vmem>>, vector<16xi32>,
      tpu.vector_store %arg6[%swap3A_87], %mul3A_82 {strides = array<i32>} : memref<6400xi32, #tpu.memory_space<vmem>>, vector<16xi32>,
      %mul3A_89 = arith.constant 128 : i32
      %mul3A_90 = arith.muli %scan3A_56, %mul3A_89 : i32
      %add3A_91 = arith.constant 16 : i32
      %add3A_92 = arith.addi %mul3A_90, %add3A_91 : i32
      %swap3A_93 = arith.index_cast %add3A_92 : i32 to index
      %swap3A_94 = tpu.vector_load %arg7[%swap3A_93] {strides = array<i32>} : memref<6400xi32, #tpu.memory_space<vmem>>, vector<16xi32>,
      tpu.vector_store %arg7[%swap3A_93], %gather3A_79 {strides = array<i32>} : memref<6400xi32, #tpu.memory_space<vmem>>, vector<16xi32>,
      %add3A_95 = arith.constant 1600 : i32
      %add3A_96 = arith.addi %add3A_95, %scan3A_56 : i32
      %add3A_97 = vector.broadcast %add3A_96 : i32 to vector<16xi32>
      %add3A_98 = arith.addi %mul3A_11, %add3A_97 : vector<16xi32>
      %gather3A_99 = tpu.vector_load_idx %arg5[%add3A_98] : memref<6400xi32, #tpu.memory_space<vmem>>[vector<16xi32>], vector<16xi32>,
      %mul3A_100 = arith.constant 10000 : i32
      %mul3A_101 = vector.broadcast %mul3A_100 : i32 to vector<16xi32>
      %mul3A_102 = arith.muli %gather3A_99, %mul3A_101 : vector<16xi32>
      %mul3A_103 = arith.constant 128 : i32
      %mul3A_104 = arith.muli %scan3A_56, %mul3A_103 : i32
      %add3A_105 = arith.constant 32 : i32
      %add3A_106 = arith.addi %mul3A_104, %add3A_105 : i32
      %swap3A_107 = arith.index_cast %add3A_106 : i32 to index
      %swap3A_108 = tpu.vector_load %arg6[%swap3A_107] {strides = array<i32>} : memref<6400xi32, #tpu.memory_space<vmem>>, vector<16xi32>,
      tpu.vector_store %arg6[%swap3A_107], %mul3A_102 {strides = array<i32>} : memref<6400xi32, #tpu.memory_space<vmem>>, vector<16xi32>,
      %mul3A_109 = arith.constant 128 : i32
      %mul3A_110 = arith.muli %scan3A_56, %mul3A_109 : i32
      %add3A_111 = arith.constant 32 : i32
      %add3A_112 = arith.addi %mul3A_110, %add3A_111 : i32
      %swap3A_113 = arith.index_cast %add3A_112 : i32 to index
      %swap3A_114 = tpu.vector_load %arg7[%swap3A_113] {strides = array<i32>} : memref<6400xi32, #tpu.memory_space<vmem>>, vector<16xi32>,
      tpu.vector_store %arg7[%swap3A_113], %gather3A_99 {strides = array<i32>} : memref<6400xi32, #tpu.memory_space<vmem>>, vector<16xi32>,
      %add3A_115 = arith.constant 2400 : i32
      %add3A_116 = arith.addi %add3A_115, %scan3A_56 : i32
      %add3A_117 = vector.broadcast %add3A_116 : i32 to vector<16xi32>
      %add3A_118 = arith.addi %mul3A_11, %add3A_117 : vector<16xi32>
      %gather3A_119 = tpu.vector_load_idx %arg5[%add3A_118] : memref<6400xi32, #tpu.memory_space<vmem>>[vector<16xi32>], vector<16xi32>,
      %mul3A_120 = arith.constant 10000 : i32
      %mul3A_121 = vector.broadcast %mul3A_120 : i32 to vector<16xi32>
      %mul3A_122 = arith.muli %gather3A_119, %mul3A_121 : vector<16xi32>
      %mul3A_123 = arith.constant 128 : i32
      %mul3A_124 = arith.muli %scan3A_56, %mul3A_123 : i32
      %add3A_125 = arith.constant 48 : i32
      %add3A_126 = arith.addi %mul3A_124, %add3A_125 : i32
      %swap3A_127 = arith.index_cast %add3A_126 : i32 to index
      %swap3A_128 = tpu.vector_load %arg6[%swap3A_127] {strides = array<i32>} : memref<6400xi32, #tpu.memory_space<vmem>>, vector<16xi32>,
      tpu.vector_store %arg6[%swap3A_127], %mul3A_122 {strides = array<i32>} : memref<6400xi32, #tpu.memory_space<vmem>>, vector<16xi32>,
      %mul3A_129 = arith.constant 128 : i32
      %mul3A_130 = arith.muli %scan3A_56, %mul3A_129 : i32
      %add3A_131 = arith.constant 48 : i32
      %add3A_132 = arith.addi %mul3A_130, %add3A_131 : i32
      %swap3A_133 = arith.index_cast %add3A_132 : i32 to index
      %swap3A_134 = tpu.vector_load %arg7[%swap3A_133] {strides = array<i32>} : memref<6400xi32, #tpu.memory_space<vmem>>, vector<16xi32>,
      tpu.vector_store %arg7[%swap3A_133], %gather3A_119 {strides = array<i32>} : memref<6400xi32, #tpu.memory_space<vmem>>, vector<16xi32>,
      %add3A_135 = arith.constant 3200 : i32
      %add3A_136 = arith.addi %add3A_135, %scan3A_56 : i32
      %add3A_137 = vector.broadcast %add3A_136 : i32 to vector<16xi32>
      %add3A_138 = arith.addi %mul3A_11, %add3A_137 : vector<16xi32>
      %gather3A_139 = tpu.vector_load_idx %arg5[%add3A_138] : memref<6400xi32, #tpu.memory_space<vmem>>[vector<16xi32>], vector<16xi32>,
      %mul3A_140 = arith.constant 10000 : i32
      %mul3A_141 = vector.broadcast %mul3A_140 : i32 to vector<16xi32>
      %mul3A_142 = arith.muli %gather3A_139, %mul3A_141 : vector<16xi32>
      %mul3A_143 = arith.constant 128 : i32
      %mul3A_144 = arith.muli %scan3A_56, %mul3A_143 : i32
      %add3A_145 = arith.constant 64 : i32
      %add3A_146 = arith.addi %mul3A_144, %add3A_145 : i32
      %swap3A_147 = arith.index_cast %add3A_146 : i32 to index
      %swap3A_148 = tpu.vector_load %arg6[%swap3A_147] {strides = array<i32>} : memref<6400xi32, #tpu.memory_space<vmem>>, vector<16xi32>,
      tpu.vector_store %arg6[%swap3A_147], %mul3A_142 {strides = array<i32>} : memref<6400xi32, #tpu.memory_space<vmem>>, vector<16xi32>,
      %mul3A_149 = arith.constant 128 : i32
      %mul3A_150 = arith.muli %scan3A_56, %mul3A_149 : i32
      %add3A_151 = arith.constant 64 : i32
      %add3A_152 = arith.addi %mul3A_150, %add3A_151 : i32
      %swap3A_153 = arith.index_cast %add3A_152 : i32 to index
      %swap3A_154 = tpu.vector_load %arg7[%swap3A_153] {strides = array<i32>} : memref<6400xi32, #tpu.memory_space<vmem>>, vector<16xi32>,
      tpu.vector_store %arg7[%swap3A_153], %gather3A_139 {strides = array<i32>} : memref<6400xi32, #tpu.memory_space<vmem>>, vector<16xi32>,
      %add3A_155 = arith.constant 4000 : i32
      %add3A_156 = arith.addi %add3A_155, %scan3A_56 : i32
      %add3A_157 = vector.broadcast %add3A_156 : i32 to vector<16xi32>
      %add3A_158 = arith.addi %mul3A_11, %add3A_157 : vector<16xi32>
      %gather3A_159 = tpu.vector_load_idx %arg5[%add3A_158] : memref<6400xi32, #tpu.memory_space<vmem>>[vector<16xi32>], vector<16xi32>,
      %mul3A_160 = arith.constant 10000 : i32
      %mul3A_161 = vector.broadcast %mul3A_160 : i32 to vector<16xi32>
      %mul3A_162 = arith.muli %gather3A_159, %mul3A_161 : vector<16xi32>
      %mul3A_163 = arith.constant 128 : i32
      %mul3A_164 = arith.muli %scan3A_56, %mul3A_163 : i32
      %add3A_165 = arith.constant 80 : i32
      %add3A_166 = arith.addi %mul3A_164, %add3A_165 : i32
      %swap3A_167 = arith.index_cast %add3A_166 : i32 to index
      %swap3A_168 = tpu.vector_load %arg6[%swap3A_167] {strides = array<i32>} : memref<6400xi32, #tpu.memory_space<vmem>>, vector<16xi32>,
      tpu.vector_store %arg6[%swap3A_167], %mul3A_162 {strides = array<i32>} : memref<6400xi32, #tpu.memory_space<vmem>>, vector<16xi32>,
      %mul3A_169 = arith.constant 128 : i32
      %mul3A_170 = arith.muli %scan3A_56, %mul3A_169 : i32
      %add3A_171 = arith.constant 80 : i32
      %add3A_172 = arith.addi %mul3A_170, %add3A_171 : i32
      %swap3A_173 = arith.index_cast %add3A_172 : i32 to index
      %swap3A_174 = tpu.vector_load %arg7[%swap3A_173] {strides = array<i32>} : memref<6400xi32, #tpu.memory_space<vmem>>, vector<16xi32>,
      tpu.vector_store %arg7[%swap3A_173], %gather3A_159 {strides = array<i32>} : memref<6400xi32, #tpu.memory_space<vmem>>, vector<16xi32>,
      %add3A_175 = arith.constant 4800 : i32
      %add3A_176 = arith.addi %add3A_175, %scan3A_56 : i32
      %add3A_177 = vector.broadcast %add3A_176 : i32 to vector<16xi32>
      %add3A_178 = arith.addi %mul3A_11, %add3A_177 : vector<16xi32>
      %gather3A_179 = tpu.vector_load_idx %arg5[%add3A_178] : memref<6400xi32, #tpu.memory_space<vmem>>[vector<16xi32>], vector<16xi32>,
      %mul3A_180 = arith.constant 10000 : i32
      %mul3A_181 = vector.broadcast %mul3A_180 : i32 to vector<16xi32>
      %mul3A_182 = arith.muli %gather3A_179, %mul3A_181 : vector<16xi32>
      %mul3A_183 = arith.constant 128 : i32
      %mul3A_184 = arith.muli %scan3A_56, %mul3A_183 : i32
      %add3A_185 = arith.constant 96 : i32
      %add3A_186 = arith.addi %mul3A_184, %add3A_185 : i32
      %swap3A_187 = arith.index_cast %add3A_186 : i32 to index
      %swap3A_188 = tpu.vector_load %arg6[%swap3A_187] {strides = array<i32>} : memref<6400xi32, #tpu.memory_space<vmem>>, vector<16xi32>,
      tpu.vector_store %arg6[%swap3A_187], %mul3A_182 {strides = array<i32>} : memref<6400xi32, #tpu.memory_space<vmem>>, vector<16xi32>,
      %mul3A_189 = arith.constant 128 : i32
      %mul3A_190 = arith.muli %scan3A_56, %mul3A_189 : i32
      %add3A_191 = arith.constant 96 : i32
      %add3A_192 = arith.addi %mul3A_190, %add3A_191 : i32
      %swap3A_193 = arith.index_cast %add3A_192 : i32 to index
      %swap3A_194 = tpu.vector_load %arg7[%swap3A_193] {strides = array<i32>} : memref<6400xi32, #tpu.memory_space<vmem>>, vector<16xi32>,
      tpu.vector_store %arg7[%swap3A_193], %gather3A_179 {strides = array<i32>} : memref<6400xi32, #tpu.memory_space<vmem>>, vector<16xi32>,
      %add3A_195 = arith.constant 5600 : i32
      %add3A_196 = arith.addi %add3A_195, %scan3A_56 : i32
      %add3A_197 = vector.broadcast %add3A_196 : i32 to vector<16xi32>
      %add3A_198 = arith.addi %mul3A_11, %add3A_197 : vector<16xi32>
      %gather3A_199 = tpu.vector_load_idx %arg5[%add3A_198] : memref<6400xi32, #tpu.memory_space<vmem>>[vector<16xi32>], vector<16xi32>,
      %mul3A_200 = arith.constant 10000 : i32
      %mul3A_201 = vector.broadcast %mul3A_200 : i32 to vector<16xi32>
      %mul3A_202 = arith.muli %gather3A_199, %mul3A_201 : vector<16xi32>
      %mul3A_203 = arith.constant 128 : i32
      %mul3A_204 = arith.muli %scan3A_56, %mul3A_203 : i32
      %add3A_205 = arith.constant 112 : i32
      %add3A_206 = arith.addi %mul3A_204, %add3A_205 : i32
      %swap3A_207 = arith.index_cast %add3A_206 : i32 to index
      %swap3A_208 = tpu.vector_load %arg6[%swap3A_207] {strides = array<i32>} : memref<6400xi32, #tpu.memory_space<vmem>>, vector<16xi32>,
      tpu.vector_store %arg6[%swap3A_207], %mul3A_202 {strides = array<i32>} : memref<6400xi32, #tpu.memory_space<vmem>>, vector<16xi32>,
      %mul3A_209 = arith.constant 128 : i32
      %mul3A_210 = arith.muli %scan3A_56, %mul3A_209 : i32
      %add3A_211 = arith.constant 112 : i32
      %add3A_212 = arith.addi %mul3A_210, %add3A_211 : i32
      %swap3A_213 = arith.index_cast %add3A_212 : i32 to index
      %swap3A_214 = tpu.vector_load %arg7[%swap3A_213] {strides = array<i32>} : memref<6400xi32, #tpu.memory_space<vmem>>, vector<16xi32>,
      tpu.vector_store %arg7[%swap3A_213], %gather3A_199 {strides = array<i32>} : memref<6400xi32, #tpu.memory_space<vmem>>, vector<16xi32>,
    }
    %scan3A_16 = arith.constant 50 : i32
    %scan3A_17 = arith.constant 0 : i32
    %scan3A_18 = arith.constant 0 : i32
    %scan3A_19 = arith.constant 25 : i32
    %scan3A_20 = arith.addi %scan3A_18, %scan3A_19 : i32
    %scan3A_21 = arith.constant 1 : i32
    scf.for %scan3A_56 = %scan3A_18 to %scan3A_20 step %scan3A_21  : i32 {
      %add3A_57 = arith.constant 0 : i32
      %add3A_58 = arith.addi %mul3A_4, %add3A_57 : i32
      %add3A_59 = arith.addi %add3A_58, %scan3A_56 : i32
      %jit3A = arith.constant 50 : i32
      %div3A = arith.divsi %add3A_59, %jit3A : i32
      %sign3A = arith.constant 0 : i32
      %sign3A_60 = arith.cmpi sgt, %add3A_59, %sign3A : i32
      %sign3A_61 = arith.extui %sign3A_60 : i1 to i32
      %sign3A_62 = arith.constant 0 : i32
      %sign3A_63 = arith.cmpi slt, %add3A_59, %sign3A_62 : i32
      %sign3A_64 = arith.extui %sign3A_63 : i1 to i32
      %sign3A_65 = arith.subi %sign3A_61, %sign3A_64 : i32
      %sign3A_66 = arith.constant 0 : i32
      %sign3A_67 = arith.cmpi sgt, %jit3A, %sign3A_66 : i32
      %sign3A_68 = arith.extui %sign3A_67 : i1 to i32
      %sign3A_69 = arith.constant 0 : i32
      %sign3A_70 = arith.cmpi slt, %jit3A, %sign3A_69 : i32
      %sign3A_71 = arith.extui %sign3A_70 : i1 to i32
      %sign3A_72 = arith.subi %sign3A_68, %sign3A_71 : i32
      %ne3A = arith.cmpi ne, %sign3A_65, %sign3A_72 : i32
      %rem3A = arith.remsi %add3A_59, %jit3A : i32
      %ne3A_73 = arith.constant 0 : i32
      %ne3A_74 = arith.cmpi ne, %rem3A, %ne3A_73 : i32
      %and3A_75 = arith.andi %ne3A, %ne3A_74 : i1
      %sub3A = arith.constant 1 : i32
      %sub3A_76 = arith.subi %div3A, %sub3A : i32
      %select_n3A = arith.select %and3A_75, %sub3A_76, %div3A : i32
      %mul3A_77 = arith.constant 50 : i32
      %mul3A_78 = arith.muli %select_n3A, %mul3A_77 : i32
      %sub3A_79 = arith.subi %add3A_59, %mul3A_78 : i32
      %mul3A_80 = arith.constant 128 : i32
      %mul3A_81 = arith.muli %select_n3A, %mul3A_80 : i32
      %add3A_82 = arith.constant 0 : i32
      %add3A_83 = arith.addi %mul3A_81, %add3A_82 : i32
      %get3A = arith.index_cast %add3A_83 : i32 to index
      %get3A_84 = tpu.vector_load %arg6[%get3A] {strides = array<i32>} : memref<6400xi32, #tpu.memory_space<vmem>>, vector<16xi32>,
      %mul3A_85 = arith.constant 128 : i32
      %mul3A_86 = arith.muli %sub3A_79, %mul3A_85 : i32
      %add3A_87 = arith.constant 0 : i32
      %add3A_88 = arith.addi %mul3A_86, %add3A_87 : i32
      %get3A_89 = arith.index_cast %add3A_88 : i32 to index
      %get3A_90 = tpu.vector_load %arg7[%get3A_89] {strides = array<i32>} : memref<6400xi32, #tpu.memory_space<vmem>>, vector<16xi32>,
      %add3A_91 = arith.addi %get3A_84, %get3A_90 : vector<16xi32>
      %swap3A = arith.index_cast %scan3A_56 : i32 to index
      %swap3A_92 = arith.constant 0 : index
      %swap3A_93 = tpu.vector_load %arg8[%swap3A, %swap3A_92] {strides = array<i32>} : memref<25x128xi32, #tpu.memory_space<vmem>>, vector<16xi32>,
      tpu.vector_store %arg8[%swap3A, %swap3A_92], %add3A_91 {strides = array<i32>} : memref<25x128xi32, #tpu.memory_space<vmem>>, vector<16xi32>,
      %mul3A_94 = arith.constant 128 : i32
      %mul3A_95 = arith.muli %select_n3A, %mul3A_94 : i32
      %add3A_96 = arith.constant 16 : i32
      %add3A_97 = arith.addi %mul3A_95, %add3A_96 : i32
      %get3A_98 = arith.index_cast %add3A_97 : i32 to index
      %get3A_99 = tpu.vector_load %arg6[%get3A_98] {strides = array<i32>} : memref<6400xi32, #tpu.memory_space<vmem>>, vector<16xi32>,
      %mul3A_100 = arith.constant 128 : i32
      %mul3A_101 = arith.muli %sub3A_79, %mul3A_100 : i32
      %add3A_102 = arith.constant 16 : i32
      %add3A_103 = arith.addi %mul3A_101, %add3A_102 : i32
      %get3A_104 = arith.index_cast %add3A_103 : i32 to index
      %get3A_105 = tpu.vector_load %arg7[%get3A_104] {strides = array<i32>} : memref<6400xi32, #tpu.memory_space<vmem>>, vector<16xi32>,
      %add3A_106 = arith.addi %get3A_99, %get3A_105 : vector<16xi32>
      %swap3A_107 = arith.index_cast %scan3A_56 : i32 to index
      %swap3A_108 = arith.constant 16 : index
      %swap3A_109 = tpu.vector_load %arg8[%swap3A_107, %swap3A_108] {strides = array<i32>} : memref<25x128xi32, #tpu.memory_space<vmem>>, vector<16xi32>,
      tpu.vector_store %arg8[%swap3A_107, %swap3A_108], %add3A_106 {strides = array<i32>} : memref<25x128xi32, #tpu.memory_space<vmem>>, vector<16xi32>,
      %mul3A_110 = arith.constant 128 : i32
      %mul3A_111 = arith.muli %select_n3A, %mul3A_110 : i32
      %add3A_112 = arith.constant 32 : i32
      %add3A_113 = arith.addi %mul3A_111, %add3A_112 : i32
      %get3A_114 = arith.index_cast %add3A_113 : i32 to index
      %get3A_115 = tpu.vector_load %arg6[%get3A_114] {strides = array<i32>} : memref<6400xi32, #tpu.memory_space<vmem>>, vector<16xi32>,
      %mul3A_116 = arith.constant 128 : i32
      %mul3A_117 = arith.muli %sub3A_79, %mul3A_116 : i32
      %add3A_118 = arith.constant 32 : i32
      %add3A_119 = arith.addi %mul3A_117, %add3A_118 : i32
      %get3A_120 = arith.index_cast %add3A_119 : i32 to index
      %get3A_121 = tpu.vector_load %arg7[%get3A_120] {strides = array<i32>} : memref<6400xi32, #tpu.memory_space<vmem>>, vector<16xi32>,
      %add3A_122 = arith.addi %get3A_115, %get3A_121 : vector<16xi32>
      %swap3A_123 = arith.index_cast %scan3A_56 : i32 to index
      %swap3A_124 = arith.constant 32 : index
      %swap3A_125 = tpu.vector_load %arg8[%swap3A_123, %swap3A_124] {strides = array<i32>} : memref<25x128xi32, #tpu.memory_space<vmem>>, vector<16xi32>,
      tpu.vector_store %arg8[%swap3A_123, %swap3A_124], %add3A_122 {strides = array<i32>} : memref<25x128xi32, #tpu.memory_space<vmem>>, vector<16xi32>,
      %mul3A_126 = arith.constant 128 : i32
      %mul3A_127 = arith.muli %select_n3A, %mul3A_126 : i32
      %add3A_128 = arith.constant 48 : i32
      %add3A_129 = arith.addi %mul3A_127, %add3A_128 : i32
      %get3A_130 = arith.index_cast %add3A_129 : i32 to index
      %get3A_131 = tpu.vector_load %arg6[%get3A_130] {strides = array<i32>} : memref<6400xi32, #tpu.memory_space<vmem>>, vector<16xi32>,
      %mul3A_132 = arith.constant 128 : i32
      %mul3A_133 = arith.muli %sub3A_79, %mul3A_132 : i32
      %add3A_134 = arith.constant 48 : i32
      %add3A_135 = arith.addi %mul3A_133, %add3A_134 : i32
      %get3A_136 = arith.index_cast %add3A_135 : i32 to index
      %get3A_137 = tpu.vector_load %arg7[%get3A_136] {strides = array<i32>} : memref<6400xi32, #tpu.memory_space<vmem>>, vector<16xi32>,
      %add3A_138 = arith.addi %get3A_131, %get3A_137 : vector<16xi32>
      %swap3A_139 = arith.index_cast %scan3A_56 : i32 to index
      %swap3A_140 = arith.constant 48 : index
      %swap3A_141 = tpu.vector_load %arg8[%swap3A_139, %swap3A_140] {strides = array<i32>} : memref<25x128xi32, #tpu.memory_space<vmem>>, vector<16xi32>,
      tpu.vector_store %arg8[%swap3A_139, %swap3A_140], %add3A_138 {strides = array<i32>} : memref<25x128xi32, #tpu.memory_space<vmem>>, vector<16xi32>,
      %mul3A_142 = arith.constant 128 : i32
      %mul3A_143 = arith.muli %select_n3A, %mul3A_142 : i32
      %add3A_144 = arith.constant 64 : i32
      %add3A_145 = arith.addi %mul3A_143, %add3A_144 : i32
      %get3A_146 = arith.index_cast %add3A_145 : i32 to index
      %get3A_147 = tpu.vector_load %arg6[%get3A_146] {strides = array<i32>} : memref<6400xi32, #tpu.memory_space<vmem>>, vector<16xi32>,
      %mul3A_148 = arith.constant 128 : i32
      %mul3A_149 = arith.muli %sub3A_79, %mul3A_148 : i32
      %add3A_150 = arith.constant 64 : i32
      %add3A_151 = arith.addi %mul3A_149, %add3A_150 : i32
      %get3A_152 = arith.index_cast %add3A_151 : i32 to index
      %get3A_153 = tpu.vector_load %arg7[%get3A_152] {strides = array<i32>} : memref<6400xi32, #tpu.memory_space<vmem>>, vector<16xi32>,
      %add3A_154 = arith.addi %get3A_147, %get3A_153 : vector<16xi32>
      %swap3A_155 = arith.index_cast %scan3A_56 : i32 to index
      %swap3A_156 = arith.constant 64 : index
      %swap3A_157 = tpu.vector_load %arg8[%swap3A_155, %swap3A_156] {strides = array<i32>} : memref<25x128xi32, #tpu.memory_space<vmem>>, vector<16xi32>,
      tpu.vector_store %arg8[%swap3A_155, %swap3A_156], %add3A_154 {strides = array<i32>} : memref<25x128xi32, #tpu.memory_space<vmem>>, vector<16xi32>,
      %mul3A_158 = arith.constant 128 : i32
      %mul3A_159 = arith.muli %select_n3A, %mul3A_158 : i32
      %add3A_160 = arith.constant 80 : i32
      %add3A_161 = arith.addi %mul3A_159, %add3A_160 : i32
      %get3A_162 = arith.index_cast %add3A_161 : i32 to index
      %get3A_163 = tpu.vector_load %arg6[%get3A_162] {strides = array<i32>} : memref<6400xi32, #tpu.memory_space<vmem>>, vector<16xi32>,
      %mul3A_164 = arith.constant 128 : i32
      %mul3A_165 = arith.muli %sub3A_79, %mul3A_164 : i32
      %add3A_166 = arith.constant 80 : i32
      %add3A_167 = arith.addi %mul3A_165, %add3A_166 : i32
      %get3A_168 = arith.index_cast %add3A_167 : i32 to index
      %get3A_169 = tpu.vector_load %arg7[%get3A_168] {strides = array<i32>} : memref<6400xi32, #tpu.memory_space<vmem>>, vector<16xi32>,
      %add3A_170 = arith.addi %get3A_163, %get3A_169 : vector<16xi32>
      %swap3A_171 = arith.index_cast %scan3A_56 : i32 to index
      %swap3A_172 = arith.constant 80 : index
      %swap3A_173 = tpu.vector_load %arg8[%swap3A_171, %swap3A_172] {strides = array<i32>} : memref<25x128xi32, #tpu.memory_space<vmem>>, vector<16xi32>,
      tpu.vector_store %arg8[%swap3A_171, %swap3A_172], %add3A_170 {strides = array<i32>} : memref<25x128xi32, #tpu.memory_space<vmem>>, vector<16xi32>,
      %mul3A_174 = arith.constant 128 : i32
      %mul3A_175 = arith.muli %select_n3A, %mul3A_174 : i32
      %add3A_176 = arith.constant 96 : i32
      %add3A_177 = arith.addi %mul3A_175, %add3A_176 : i32
      %get3A_178 = arith.index_cast %add3A_177 : i32 to index
      %get3A_179 = tpu.vector_load %arg6[%get3A_178] {strides = array<i32>} : memref<6400xi32, #tpu.memory_space<vmem>>, vector<16xi32>,
      %mul3A_180 = arith.constant 128 : i32
      %mul3A_181 = arith.muli %sub3A_79, %mul3A_180 : i32
      %add3A_182 = arith.constant 96 : i32
      %add3A_183 = arith.addi %mul3A_181, %add3A_182 : i32
      %get3A_184 = arith.index_cast %add3A_183 : i32 to index
      %get3A_185 = tpu.vector_load %arg7[%get3A_184] {strides = array<i32>} : memref<6400xi32, #tpu.memory_space<vmem>>, vector<16xi32>,
      %add3A_186 = arith.addi %get3A_179, %get3A_185 : vector<16xi32>
      %swap3A_187 = arith.index_cast %scan3A_56 : i32 to index
      %swap3A_188 = arith.constant 96 : index
      %swap3A_189 = tpu.vector_load %arg8[%swap3A_187, %swap3A_188] {strides = array<i32>} : memref<25x128xi32, #tpu.memory_space<vmem>>, vector<16xi32>,
      tpu.vector_store %arg8[%swap3A_187, %swap3A_188], %add3A_186 {strides = array<i32>} : memref<25x128xi32, #tpu.memory_space<vmem>>, vector<16xi32>,
      %mul3A_190 = arith.constant 128 : i32
      %mul3A_191 = arith.muli %select_n3A, %mul3A_190 : i32
      %add3A_192 = arith.constant 112 : i32
      %add3A_193 = arith.addi %mul3A_191, %add3A_192 : i32
      %get3A_194 = arith.index_cast %add3A_193 : i32 to index
      %get3A_195 = tpu.vector_load %arg6[%get3A_194] {strides = array<i32>} : memref<6400xi32, #tpu.memory_space<vmem>>, vector<16xi32>,
      %mul3A_196 = arith.constant 128 : i32
      %mul3A_197 = arith.muli %sub3A_79, %mul3A_196 : i32
      %add3A_198 = arith.constant 112 : i32
      %add3A_199 = arith.addi %mul3A_197, %add3A_198 : i32
      %get3A_200 = arith.index_cast %add3A_199 : i32 to index
      %get3A_201 = tpu.vector_load %arg7[%get3A_200] {strides = array<i32>} : memref<6400xi32, #tpu.memory_space<vmem>>, vector<16xi32>,
      %add3A_202 = arith.addi %get3A_195, %get3A_201 : vector<16xi32>
      %swap3A_203 = arith.index_cast %scan3A_56 : i32 to index
      %swap3A_204 = arith.constant 112 : index
      %swap3A_205 = tpu.vector_load %arg8[%swap3A_203, %swap3A_204] {strides = array<i32>} : memref<25x128xi32, #tpu.memory_space<vmem>>, vector<16xi32>,
      tpu.vector_store %arg8[%swap3A_203, %swap3A_204], %add3A_202 {strides = array<i32>} : memref<25x128xi32, #tpu.memory_space<vmem>>, vector<16xi32>,
      %dma_start3A = arith.constant 0 : i32
      %dma_start3A_206 = tpu.memref_slice %arg10[%scan3A_56, %dma_start3A] : memref<25x128xi32, #tpu.memory_space<vmem>> -> memref<1x128xi32, #tpu.memory_space<vmem>>
      %dma_start3A_207 = tpu.memref_squeeze %dma_start3A_206 : memref<1x128xi32, #tpu.memory_space<vmem>> -> memref<128xi32, #tpu.memory_space<vmem>>
      %dma_start3A_208 = arith.constant 0 : i32
      %dma_start3A_209 = tpu.memref_slice %arg8[%scan3A_56, %dma_start3A_208] : memref<25x128xi32, #tpu.memory_space<vmem>> -> memref<1x128xi32, #tpu.memory_space<vmem>>
      %dma_start3A_210 = tpu.memref_squeeze %dma_start3A_209 : memref<1x128xi32, #tpu.memory_space<vmem>> -> memref<128xi32, #tpu.memory_space<vmem>>
      %dma_start3A_211 = arith.constant 0 : i32
      %dma_start3A_212 = tpu.memref_slice %arg3[%dma_start3A_211] : memref<100000000xi32, #tpu.memory_space<hbm>> -> memref<100000000xi32, #tpu.memory_space<hbm>>
      tpu.enqueue_indirect_dma source(%dma_start3A_212 : memref<100000000xi32, #tpu.memory_space<hbm>>) target(%dma_start3A_207 : memref<128xi32, #tpu.memory_space<vmem>>) offsets(%dma_start3A_210 : memref<128xi32, #tpu.memory_space<vmem>>) semaphore(%arg14 : memref<!tpu.dma_semaphore, #tpu.memory_space<semaphore_mem>>)
    }
    %scan3A_22 = arith.constant 25 : i32
    %scan3A_23 = arith.constant 0 : i32
    %scan3A_24 = arith.constant 0 : i32
    %scan3A_25 = arith.constant 25 : i32
    %scan3A_26 = arith.addi %scan3A_24, %scan3A_25 : i32
    %scan3A_27 = arith.constant 1 : i32
    scf.for %scan3A_56 = %scan3A_24 to %scan3A_26 step %scan3A_27  : i32 {
      %add3A_57 = arith.constant 25 : i32
      %add3A_58 = arith.addi %mul3A_4, %add3A_57 : i32
      %add3A_59 = arith.addi %add3A_58, %scan3A_56 : i32
      %jit3A = arith.constant 50 : i32
      %div3A = arith.divsi %add3A_59, %jit3A : i32
      %sign3A = arith.constant 0 : i32
      %sign3A_60 = arith.cmpi sgt, %add3A_59, %sign3A : i32
      %sign3A_61 = arith.extui %sign3A_60 : i1 to i32
      %sign3A_62 = arith.constant 0 : i32
      %sign3A_63 = arith.cmpi slt, %add3A_59, %sign3A_62 : i32
      %sign3A_64 = arith.extui %sign3A_63 : i1 to i32
      %sign3A_65 = arith.subi %sign3A_61, %sign3A_64 : i32
      %sign3A_66 = arith.constant 0 : i32
      %sign3A_67 = arith.cmpi sgt, %jit3A, %sign3A_66 : i32
      %sign3A_68 = arith.extui %sign3A_67 : i1 to i32
      %sign3A_69 = arith.constant 0 : i32
      %sign3A_70 = arith.cmpi slt, %jit3A, %sign3A_69 : i32
      %sign3A_71 = arith.extui %sign3A_70 : i1 to i32
      %sign3A_72 = arith.subi %sign3A_68, %sign3A_71 : i32
      %ne3A = arith.cmpi ne, %sign3A_65, %sign3A_72 : i32
      %rem3A = arith.remsi %add3A_59, %jit3A : i32
      %ne3A_73 = arith.constant 0 : i32
      %ne3A_74 = arith.cmpi ne, %rem3A, %ne3A_73 : i32
      %and3A_75 = arith.andi %ne3A, %ne3A_74 : i1
      %sub3A = arith.constant 1 : i32
      %sub3A_76 = arith.subi %div3A, %sub3A : i32
      %select_n3A = arith.select %and3A_75, %sub3A_76, %div3A : i32
      %mul3A_77 = arith.constant 50 : i32
      %mul3A_78 = arith.muli %select_n3A, %mul3A_77 : i32
      %sub3A_79 = arith.subi %add3A_59, %mul3A_78 : i32
      %mul3A_80 = arith.constant 128 : i32
      %mul3A_81 = arith.muli %select_n3A, %mul3A_80 : i32
      %add3A_82 = arith.constant 0 : i32
      %add3A_83 = arith.addi %mul3A_81, %add3A_82 : i32
      %get3A = arith.index_cast %add3A_83 : i32 to index
      %get3A_84 = tpu.vector_load %arg6[%get3A] {strides = array<i32>} : memref<6400xi32, #tpu.memory_space<vmem>>, vector<16xi32>,
      %mul3A_85 = arith.constant 128 : i32
      %mul3A_86 = arith.muli %sub3A_79, %mul3A_85 : i32
      %add3A_87 = arith.constant 0 : i32
      %add3A_88 = arith.addi %mul3A_86, %add3A_87 : i32
      %get3A_89 = arith.index_cast %add3A_88 : i32 to index
      %get3A_90 = tpu.vector_load %arg7[%get3A_89] {strides = array<i32>} : memref<6400xi32, #tpu.memory_space<vmem>>, vector<16xi32>,
      %add3A_91 = arith.addi %get3A_84, %get3A_90 : vector<16xi32>
      %swap3A = arith.index_cast %scan3A_56 : i32 to index
      %swap3A_92 = arith.constant 0 : index
      %swap3A_93 = tpu.vector_load %arg9[%swap3A, %swap3A_92] {strides = array<i32>} : memref<25x128xi32, #tpu.memory_space<vmem>>, vector<16xi32>,
      tpu.vector_store %arg9[%swap3A, %swap3A_92], %add3A_91 {strides = array<i32>} : memref<25x128xi32, #tpu.memory_space<vmem>>, vector<16xi32>,
      %mul3A_94 = arith.constant 128 : i32
      %mul3A_95 = arith.muli %select_n3A, %mul3A_94 : i32
      %add3A_96 = arith.constant 16 : i32
      %add3A_97 = arith.addi %mul3A_95, %add3A_96 : i32
      %get3A_98 = arith.index_cast %add3A_97 : i32 to index
      %get3A_99 = tpu.vector_load %arg6[%get3A_98] {strides = array<i32>} : memref<6400xi32, #tpu.memory_space<vmem>>, vector<16xi32>,
      %mul3A_100 = arith.constant 128 : i32
      %mul3A_101 = arith.muli %sub3A_79, %mul3A_100 : i32
      %add3A_102 = arith.constant 16 : i32
      %add3A_103 = arith.addi %mul3A_101, %add3A_102 : i32
      %get3A_104 = arith.index_cast %add3A_103 : i32 to index
      %get3A_105 = tpu.vector_load %arg7[%get3A_104] {strides = array<i32>} : memref<6400xi32, #tpu.memory_space<vmem>>, vector<16xi32>,
      %add3A_106 = arith.addi %get3A_99, %get3A_105 : vector<16xi32>
      %swap3A_107 = arith.index_cast %scan3A_56 : i32 to index
      %swap3A_108 = arith.constant 16 : index
      %swap3A_109 = tpu.vector_load %arg9[%swap3A_107, %swap3A_108] {strides = array<i32>} : memref<25x128xi32, #tpu.memory_space<vmem>>, vector<16xi32>,
      tpu.vector_store %arg9[%swap3A_107, %swap3A_108], %add3A_106 {strides = array<i32>} : memref<25x128xi32, #tpu.memory_space<vmem>>, vector<16xi32>,
      %mul3A_110 = arith.constant 128 : i32
      %mul3A_111 = arith.muli %select_n3A, %mul3A_110 : i32
      %add3A_112 = arith.constant 32 : i32
      %add3A_113 = arith.addi %mul3A_111, %add3A_112 : i32
      %get3A_114 = arith.index_cast %add3A_113 : i32 to index
      %get3A_115 = tpu.vector_load %arg6[%get3A_114] {strides = array<i32>} : memref<6400xi32, #tpu.memory_space<vmem>>, vector<16xi32>,
      %mul3A_116 = arith.constant 128 : i32
      %mul3A_117 = arith.muli %sub3A_79, %mul3A_116 : i32
      %add3A_118 = arith.constant 32 : i32
      %add3A_119 = arith.addi %mul3A_117, %add3A_118 : i32
      %get3A_120 = arith.index_cast %add3A_119 : i32 to index
      %get3A_121 = tpu.vector_load %arg7[%get3A_120] {strides = array<i32>} : memref<6400xi32, #tpu.memory_space<vmem>>, vector<16xi32>,
      %add3A_122 = arith.addi %get3A_115, %get3A_121 : vector<16xi32>
      %swap3A_123 = arith.index_cast %scan3A_56 : i32 to index
      %swap3A_124 = arith.constant 32 : index
      %swap3A_125 = tpu.vector_load %arg9[%swap3A_123, %swap3A_124] {strides = array<i32>} : memref<25x128xi32, #tpu.memory_space<vmem>>, vector<16xi32>,
      tpu.vector_store %arg9[%swap3A_123, %swap3A_124], %add3A_122 {strides = array<i32>} : memref<25x128xi32, #tpu.memory_space<vmem>>, vector<16xi32>,
      %mul3A_126 = arith.constant 128 : i32
      %mul3A_127 = arith.muli %select_n3A, %mul3A_126 : i32
      %add3A_128 = arith.constant 48 : i32
      %add3A_129 = arith.addi %mul3A_127, %add3A_128 : i32
      %get3A_130 = arith.index_cast %add3A_129 : i32 to index
      %get3A_131 = tpu.vector_load %arg6[%get3A_130] {strides = array<i32>} : memref<6400xi32, #tpu.memory_space<vmem>>, vector<16xi32>,
      %mul3A_132 = arith.constant 128 : i32
      %mul3A_133 = arith.muli %sub3A_79, %mul3A_132 : i32
      %add3A_134 = arith.constant 48 : i32
      %add3A_135 = arith.addi %mul3A_133, %add3A_134 : i32
      %get3A_136 = arith.index_cast %add3A_135 : i32 to index
      %get3A_137 = tpu.vector_load %arg7[%get3A_136] {strides = array<i32>} : memref<6400xi32, #tpu.memory_space<vmem>>, vector<16xi32>,
      %add3A_138 = arith.addi %get3A_131, %get3A_137 : vector<16xi32>
      %swap3A_139 = arith.index_cast %scan3A_56 : i32 to index
      %swap3A_140 = arith.constant 48 : index
      %swap3A_141 = tpu.vector_load %arg9[%swap3A_139, %swap3A_140] {strides = array<i32>} : memref<25x128xi32, #tpu.memory_space<vmem>>, vector<16xi32>,
      tpu.vector_store %arg9[%swap3A_139, %swap3A_140], %add3A_138 {strides = array<i32>} : memref<25x128xi32, #tpu.memory_space<vmem>>, vector<16xi32>,
      %mul3A_142 = arith.constant 128 : i32
      %mul3A_143 = arith.muli %select_n3A, %mul3A_142 : i32
      %add3A_144 = arith.constant 64 : i32
      %add3A_145 = arith.addi %mul3A_143, %add3A_144 : i32
      %get3A_146 = arith.index_cast %add3A_145 : i32 to index
      %get3A_147 = tpu.vector_load %arg6[%get3A_146] {strides = array<i32>} : memref<6400xi32, #tpu.memory_space<vmem>>, vector<16xi32>,
      %mul3A_148 = arith.constant 128 : i32
      %mul3A_149 = arith.muli %sub3A_79, %mul3A_148 : i32
      %add3A_150 = arith.constant 64 : i32
      %add3A_151 = arith.addi %mul3A_149, %add3A_150 : i32
      %get3A_152 = arith.index_cast %add3A_151 : i32 to index
      %get3A_153 = tpu.vector_load %arg7[%get3A_152] {strides = array<i32>} : memref<6400xi32, #tpu.memory_space<vmem>>, vector<16xi32>,
      %add3A_154 = arith.addi %get3A_147, %get3A_153 : vector<16xi32>
      %swap3A_155 = arith.index_cast %scan3A_56 : i32 to index
      %swap3A_156 = arith.constant 64 : index
      %swap3A_157 = tpu.vector_load %arg9[%swap3A_155, %swap3A_156] {strides = array<i32>} : memref<25x128xi32, #tpu.memory_space<vmem>>, vector<16xi32>,
      tpu.vector_store %arg9[%swap3A_155, %swap3A_156], %add3A_154 {strides = array<i32>} : memref<25x128xi32, #tpu.memory_space<vmem>>, vector<16xi32>,
      %mul3A_158 = arith.constant 128 : i32
      %mul3A_159 = arith.muli %select_n3A, %mul3A_158 : i32
      %add3A_160 = arith.constant 80 : i32
      %add3A_161 = arith.addi %mul3A_159, %add3A_160 : i32
      %get3A_162 = arith.index_cast %add3A_161 : i32 to index
      %get3A_163 = tpu.vector_load %arg6[%get3A_162] {strides = array<i32>} : memref<6400xi32, #tpu.memory_space<vmem>>, vector<16xi32>,
      %mul3A_164 = arith.constant 128 : i32
      %mul3A_165 = arith.muli %sub3A_79, %mul3A_164 : i32
      %add3A_166 = arith.constant 80 : i32
      %add3A_167 = arith.addi %mul3A_165, %add3A_166 : i32
      %get3A_168 = arith.index_cast %add3A_167 : i32 to index
      %get3A_169 = tpu.vector_load %arg7[%get3A_168] {strides = array<i32>} : memref<6400xi32, #tpu.memory_space<vmem>>, vector<16xi32>,
      %add3A_170 = arith.addi %get3A_163, %get3A_169 : vector<16xi32>
      %swap3A_171 = arith.index_cast %scan3A_56 : i32 to index
      %swap3A_172 = arith.constant 80 : index
      %swap3A_173 = tpu.vector_load %arg9[%swap3A_171, %swap3A_172] {strides = array<i32>} : memref<25x128xi32, #tpu.memory_space<vmem>>, vector<16xi32>,
      tpu.vector_store %arg9[%swap3A_171, %swap3A_172], %add3A_170 {strides = array<i32>} : memref<25x128xi32, #tpu.memory_space<vmem>>, vector<16xi32>,
      %mul3A_174 = arith.constant 128 : i32
      %mul3A_175 = arith.muli %select_n3A, %mul3A_174 : i32
      %add3A_176 = arith.constant 96 : i32
      %add3A_177 = arith.addi %mul3A_175, %add3A_176 : i32
      %get3A_178 = arith.index_cast %add3A_177 : i32 to index
      %get3A_179 = tpu.vector_load %arg6[%get3A_178] {strides = array<i32>} : memref<6400xi32, #tpu.memory_space<vmem>>, vector<16xi32>,
      %mul3A_180 = arith.constant 128 : i32
      %mul3A_181 = arith.muli %sub3A_79, %mul3A_180 : i32
      %add3A_182 = arith.constant 96 : i32
      %add3A_183 = arith.addi %mul3A_181, %add3A_182 : i32
      %get3A_184 = arith.index_cast %add3A_183 : i32 to index
      %get3A_185 = tpu.vector_load %arg7[%get3A_184] {strides = array<i32>} : memref<6400xi32, #tpu.memory_space<vmem>>, vector<16xi32>,
      %add3A_186 = arith.addi %get3A_179, %get3A_185 : vector<16xi32>
      %swap3A_187 = arith.index_cast %scan3A_56 : i32 to index
      %swap3A_188 = arith.constant 96 : index
      %swap3A_189 = tpu.vector_load %arg9[%swap3A_187, %swap3A_188] {strides = array<i32>} : memref<25x128xi32, #tpu.memory_space<vmem>>, vector<16xi32>,
      tpu.vector_store %arg9[%swap3A_187, %swap3A_188], %add3A_186 {strides = array<i32>} : memref<25x128xi32, #tpu.memory_space<vmem>>, vector<16xi32>,
      %mul3A_190 = arith.constant 128 : i32
      %mul3A_191 = arith.muli %select_n3A, %mul3A_190 : i32
      %add3A_192 = arith.constant 112 : i32
      %add3A_193 = arith.addi %mul3A_191, %add3A_192 : i32
      %get3A_194 = arith.index_cast %add3A_193 : i32 to index
      %get3A_195 = tpu.vector_load %arg6[%get3A_194] {strides = array<i32>} : memref<6400xi32, #tpu.memory_space<vmem>>, vector<16xi32>,
      %mul3A_196 = arith.constant 128 : i32
      %mul3A_197 = arith.muli %sub3A_79, %mul3A_196 : i32
      %add3A_198 = arith.constant 112 : i32
      %add3A_199 = arith.addi %mul3A_197, %add3A_198 : i32
      %get3A_200 = arith.index_cast %add3A_199 : i32 to index
      %get3A_201 = tpu.vector_load %arg7[%get3A_200] {strides = array<i32>} : memref<6400xi32, #tpu.memory_space<vmem>>, vector<16xi32>,
      %add3A_202 = arith.addi %get3A_195, %get3A_201 : vector<16xi32>
      %swap3A_203 = arith.index_cast %scan3A_56 : i32 to index
      %swap3A_204 = arith.constant 112 : index
      %swap3A_205 = tpu.vector_load %arg9[%swap3A_203, %swap3A_204] {strides = array<i32>} : memref<25x128xi32, #tpu.memory_space<vmem>>, vector<16xi32>,
      tpu.vector_store %arg9[%swap3A_203, %swap3A_204], %add3A_202 {strides = array<i32>} : memref<25x128xi32, #tpu.memory_space<vmem>>, vector<16xi32>,
      %dma_start3A = arith.constant 0 : i32
      %dma_start3A_206 = tpu.memref_slice %arg11[%scan3A_56, %dma_start3A] : memref<25x128xi32, #tpu.memory_space<vmem>> -> memref<1x128xi32, #tpu.memory_space<vmem>>
      %dma_start3A_207 = tpu.memref_squeeze %dma_start3A_206 : memref<1x128xi32, #tpu.memory_space<vmem>> -> memref<128xi32, #tpu.memory_space<vmem>>
      %dma_start3A_208 = arith.constant 0 : i32
      %dma_start3A_209 = tpu.memref_slice %arg9[%scan3A_56, %dma_start3A_208] : memref<25x128xi32, #tpu.memory_space<vmem>> -> memref<1x128xi32, #tpu.memory_space<vmem>>
      %dma_start3A_210 = tpu.memref_squeeze %dma_start3A_209 : memref<1x128xi32, #tpu.memory_space<vmem>> -> memref<128xi32, #tpu.memory_space<vmem>>
      %dma_start3A_211 = arith.constant 0 : i32
      %dma_start3A_212 = tpu.memref_slice %arg3[%dma_start3A_211] : memref<100000000xi32, #tpu.memory_space<hbm>> -> memref<100000000xi32, #tpu.memory_space<hbm>>
      tpu.enqueue_indirect_dma source(%dma_start3A_212 : memref<100000000xi32, #tpu.memory_space<hbm>>) target(%dma_start3A_207 : memref<128xi32, #tpu.memory_space<vmem>>) offsets(%dma_start3A_210 : memref<128xi32, #tpu.memory_space<vmem>>) semaphore(%arg14 : memref<!tpu.dma_semaphore, #tpu.memory_space<semaphore_mem>>)
    }
    %scan3A_28 = arith.constant 25 : i32
    %scan3A_29 = arith.constant 0 : i32
    %scan3A_30 = arith.constant 0 : i32
    %scan3A_31 = arith.constant 13 : i32
    %scan3A_32 = arith.addi %scan3A_30, %scan3A_31 : i32
    %scan3A_33 = arith.constant 1 : i32
    scf.for %scan3A_56 = %scan3A_30 to %scan3A_32 step %scan3A_33  : i32 {
      %mul3A_57 = arith.constant 2 : i32
      %mul3A_58 = arith.muli %scan3A_56, %mul3A_57 : i32
      %add3A_59 = arith.constant 0 : i32
      %add3A_60 = arith.addi %mul3A_58, %add3A_59 : i32
      %lt3A = arith.constant 25 : i32
      %lt3A_61 = arith.cmpi slt, %add3A_60, %lt3A : i32
      %convert_element_type3A = arith.extui %lt3A_61 : i1 to i32
      %cond3A = arith.constant 0 : i32
      %cond3A_62 = arith.cmpi ne, %convert_element_type3A, %cond3A : i32
      scf.if %cond3A_62 {
        %dma_wait3A_72 = arith.constant 0 : i32
        %dma_wait3A_73 = arith.constant 0 : i32
        %dma_wait3A_74 = arith.constant 0 : i32
        %dma_wait3A_75 = arith.constant 0 : i32
        %dma_wait3A_76 = tpu.memref_slice %arg4[%dma_wait3A_74, %dma_wait3A_72, %dma_wait3A_73, %dma_wait3A_75] : memref<2500x8x8x128xi32, #tpu.memory_space<hbm>> -> memref<25x1x1x128xi32, #tpu.memory_space<hbm>>
        %dma_wait3A_77 = tpu.memref_squeeze %dma_wait3A_76 : memref<25x1x1x128xi32, #tpu.memory_space<hbm>> -> memref<25x128xi32, #tpu.memory_space<hbm>>
        %dma_wait3A_78 = arith.constant 0 : i32
        %dma_wait3A_79 = arith.constant 0 : i32
        %dma_wait3A_80 = tpu.memref_slice %arg4[%dma_wait3A_78, %dma_wait3A_72, %dma_wait3A_73, %dma_wait3A_79] : memref<2500x8x8x128xi32, #tpu.memory_space<hbm>> -> memref<25x1x1x128xi32, #tpu.memory_space<hbm>>
        %dma_wait3A_81 = tpu.memref_squeeze %dma_wait3A_80 : memref<25x1x1x128xi32, #tpu.memory_space<hbm>> -> memref<25x128xi32, #tpu.memory_space<hbm>>
        tpu.wait_dma2 semaphore(%arg14 : memref<!tpu.dma_semaphore, #tpu.memory_space<semaphore_mem>>) src(%dma_wait3A_81 : memref<25x128xi32, #tpu.memory_space<hbm>>) dst(%arg10 : memref<25x128xi32, #tpu.memory_space<vmem>>)
        %gt3A = arith.constant 0 : i32
        %gt3A_82 = arith.cmpi sgt, %scan3A_56, %gt3A : i32
        %convert_element_type3A_83 = arith.extui %gt3A_82 : i1 to i32
        %cond3A_84 = arith.constant 0 : i32
        %cond3A_85 = arith.cmpi ne, %convert_element_type3A_83, %cond3A_84 : i32
        scf.if %cond3A_85 {
          %dma_wait3A_109 = arith.constant 0 : i32
          %dma_wait3A_110 = arith.constant 0 : i32
          %dma_wait3A_111 = arith.constant 0 : i32
          %dma_wait3A_112 = arith.constant 0 : i32
          %dma_wait3A_113 = tpu.memref_slice %arg4[%dma_wait3A_110, %dma_wait3A_109, %dma_wait3A_111, %dma_wait3A_112] : memref<2500x8x8x128xi32, #tpu.memory_space<hbm>> -> memref<25x1x8x128xi32, #tpu.memory_space<hbm>>
          %dma_wait3A_114 = tpu.memref_squeeze %dma_wait3A_113 : memref<25x1x8x128xi32, #tpu.memory_space<hbm>> -> memref<25x8x128xi32, #tpu.memory_space<hbm>>
          %dma_wait3A_115 = arith.constant 0 : i32
          %dma_wait3A_116 = arith.constant 0 : i32
          %dma_wait3A_117 = arith.constant 0 : i32
          %dma_wait3A_118 = tpu.memref_slice %arg4[%dma_wait3A_115, %dma_wait3A_109, %dma_wait3A_116, %dma_wait3A_117] : memref<2500x8x8x128xi32, #tpu.memory_space<hbm>> -> memref<25x1x8x128xi32, #tpu.memory_space<hbm>>
          %dma_wait3A_119 = tpu.memref_squeeze %dma_wait3A_118 : memref<25x1x8x128xi32, #tpu.memory_space<hbm>> -> memref<25x8x128xi32, #tpu.memory_space<hbm>>
          tpu.wait_dma2 semaphore(%arg15 : memref<!tpu.dma_semaphore, #tpu.memory_space<semaphore_mem>>) src(%arg12 : memref<25x8x128xi32, #tpu.memory_space<vmem>>) dst(%dma_wait3A_119 : memref<25x8x128xi32, #tpu.memory_space<hbm>>)
        } else {
        }
        %scan3A_86 = arith.constant 0 : i32
        %scan3A_87 = arith.constant 0 : i32
        %scan3A_88 = arith.constant 25 : i32
        %scan3A_89 = arith.addi %scan3A_87, %scan3A_88 : i32
        %scan3A_90 = arith.constant 1 : i32
        scf.for %scan3A_109 = %scan3A_87 to %scan3A_89 step %scan3A_90  : i32 {
          %get3A = arith.index_cast %scan3A_109 : i32 to index
          %get3A_110 = arith.constant 0 : index
          %get3A_111 = tpu.vector_load %arg10[%get3A, %get3A_110] {strides = array<i32>} : memref<25x128xi32, #tpu.memory_space<vmem>>, vector<16xi32>,
          %swap3A = arith.constant 0 : i32
          %swap3A_112 = arith.index_cast %scan3A_109 : i32 to index
          %swap3A_113 = arith.index_cast %swap3A : i32 to index
          %swap3A_114 = arith.constant 0 : index
          %swap3A_115 = tpu.vector_load %arg12[%swap3A_112, %swap3A_113, %swap3A_114] {strides = array<i32>} : memref<25x8x128xi32, #tpu.memory_space<vmem>>, vector<16xi32>,
          tpu.vector_store %arg12[%swap3A_112, %swap3A_113, %swap3A_114], %get3A_111 {strides = array<i32>} : memref<25x8x128xi32, #tpu.memory_space<vmem>>, vector<16xi32>,
          %swap3A_116 = arith.constant 1 : i32
          %swap3A_117 = arith.index_cast %scan3A_109 : i32 to index
          %swap3A_118 = arith.index_cast %swap3A_116 : i32 to index
          %swap3A_119 = arith.constant 0 : index
          %swap3A_120 = tpu.vector_load %arg12[%swap3A_117, %swap3A_118, %swap3A_119] {strides = array<i32>} : memref<25x8x128xi32, #tpu.memory_space<vmem>>, vector<16xi32>,
          tpu.vector_store %arg12[%swap3A_117, %swap3A_118, %swap3A_119], %get3A_111 {strides = array<i32>} : memref<25x8x128xi32, #tpu.memory_space<vmem>>, vector<16xi32>,
          %swap3A_121 = arith.constant 2 : i32
          %swap3A_122 = arith.index_cast %scan3A_109 : i32 to index
          %swap3A_123 = arith.index_cast %swap3A_121 : i32 to index
          %swap3A_124 = arith.constant 0 : index
          %swap3A_125 = tpu.vector_load %arg12[%swap3A_122, %swap3A_123, %swap3A_124] {strides = array<i32>} : memref<25x8x128xi32, #tpu.memory_space<vmem>>, vector<16xi32>,
          tpu.vector_store %arg12[%swap3A_122, %swap3A_123, %swap3A_124], %get3A_111 {strides = array<i32>} : memref<25x8x128xi32, #tpu.memory_space<vmem>>, vector<16xi32>,
          %swap3A_126 = arith.constant 3 : i32
          %swap3A_127 = arith.index_cast %scan3A_109 : i32 to index
          %swap3A_128 = arith.index_cast %swap3A_126 : i32 to index
          %swap3A_129 = arith.constant 0 : index
          %swap3A_130 = tpu.vector_load %arg12[%swap3A_127, %swap3A_128, %swap3A_129] {strides = array<i32>} : memref<25x8x128xi32, #tpu.memory_space<vmem>>, vector<16xi32>,
          tpu.vector_store %arg12[%swap3A_127, %swap3A_128, %swap3A_129], %get3A_111 {strides = array<i32>} : memref<25x8x128xi32, #tpu.memory_space<vmem>>, vector<16xi32>,
          %swap3A_131 = arith.constant 4 : i32
          %swap3A_132 = arith.index_cast %scan3A_109 : i32 to index
          %swap3A_133 = arith.index_cast %swap3A_131 : i32 to index
          %swap3A_134 = arith.constant 0 : index
          %swap3A_135 = tpu.vector_load %arg12[%swap3A_132, %swap3A_133, %swap3A_134] {strides = array<i32>} : memref<25x8x128xi32, #tpu.memory_space<vmem>>, vector<16xi32>,
          tpu.vector_store %arg12[%swap3A_132, %swap3A_133, %swap3A_134], %get3A_111 {strides = array<i32>} : memref<25x8x128xi32, #tpu.memory_space<vmem>>, vector<16xi32>,
          %swap3A_136 = arith.constant 5 : i32
          %swap3A_137 = arith.index_cast %scan3A_109 : i32 to index
          %swap3A_138 = arith.index_cast %swap3A_136 : i32 to index
          %swap3A_139 = arith.constant 0 : index
          %swap3A_140 = tpu.vector_load %arg12[%swap3A_137, %swap3A_138, %swap3A_139] {strides = array<i32>} : memref<25x8x128xi32, #tpu.memory_space<vmem>>, vector<16xi32>,
          tpu.vector_store %arg12[%swap3A_137, %swap3A_138, %swap3A_139], %get3A_111 {strides = array<i32>} : memref<25x8x128xi32, #tpu.memory_space<vmem>>, vector<16xi32>,
          %swap3A_141 = arith.constant 6 : i32
          %swap3A_142 = arith.index_cast %scan3A_109 : i32 to index
          %swap3A_143 = arith.index_cast %swap3A_141 : i32 to index
          %swap3A_144 = arith.constant 0 : index
          %swap3A_145 = tpu.vector_load %arg12[%swap3A_142, %swap3A_143, %swap3A_144] {strides = array<i32>} : memref<25x8x128xi32, #tpu.memory_space<vmem>>, vector<16xi32>,
          tpu.vector_store %arg12[%swap3A_142, %swap3A_143, %swap3A_144], %get3A_111 {strides = array<i32>} : memref<25x8x128xi32, #tpu.memory_space<vmem>>, vector<16xi32>,
          %swap3A_146 = arith.constant 7 : i32
          %swap3A_147 = arith.index_cast %scan3A_109 : i32 to index
          %swap3A_148 = arith.index_cast %swap3A_146 : i32 to index
          %swap3A_149 = arith.constant 0 : index
          %swap3A_150 = tpu.vector_load %arg12[%swap3A_147, %swap3A_148, %swap3A_149] {strides = array<i32>} : memref<25x8x128xi32, #tpu.memory_space<vmem>>, vector<16xi32>,
          tpu.vector_store %arg12[%swap3A_147, %swap3A_148, %swap3A_149], %get3A_111 {strides = array<i32>} : memref<25x8x128xi32, #tpu.memory_space<vmem>>, vector<16xi32>,
          %get3A_151 = arith.index_cast %scan3A_109 : i32 to index
          %get3A_152 = arith.constant 16 : index
          %get3A_153 = tpu.vector_load %arg10[%get3A_151, %get3A_152] {strides = array<i32>} : memref<25x128xi32, #tpu.memory_space<vmem>>, vector<16xi32>,
          %swap3A_154 = arith.constant 0 : i32
          %swap3A_155 = arith.index_cast %scan3A_109 : i32 to index
          %swap3A_156 = arith.index_cast %swap3A_154 : i32 to index
          %swap3A_157 = arith.constant 16 : index
          %swap3A_158 = tpu.vector_load %arg12[%swap3A_155, %swap3A_156, %swap3A_157] {strides = array<i32>} : memref<25x8x128xi32, #tpu.memory_space<vmem>>, vector<16xi32>,
          tpu.vector_store %arg12[%swap3A_155, %swap3A_156, %swap3A_157], %get3A_153 {strides = array<i32>} : memref<25x8x128xi32, #tpu.memory_space<vmem>>, vector<16xi32>,
          %swap3A_159 = arith.constant 1 : i32
          %swap3A_160 = arith.index_cast %scan3A_109 : i32 to index
          %swap3A_161 = arith.index_cast %swap3A_159 : i32 to index
          %swap3A_162 = arith.constant 16 : index
          %swap3A_163 = tpu.vector_load %arg12[%swap3A_160, %swap3A_161, %swap3A_162] {strides = array<i32>} : memref<25x8x128xi32, #tpu.memory_space<vmem>>, vector<16xi32>,
          tpu.vector_store %arg12[%swap3A_160, %swap3A_161, %swap3A_162], %get3A_153 {strides = array<i32>} : memref<25x8x128xi32, #tpu.memory_space<vmem>>, vector<16xi32>,
          %swap3A_164 = arith.constant 2 : i32
          %swap3A_165 = arith.index_cast %scan3A_109 : i32 to index
          %swap3A_166 = arith.index_cast %swap3A_164 : i32 to index
          %swap3A_167 = arith.constant 16 : index
          %swap3A_168 = tpu.vector_load %arg12[%swap3A_165, %swap3A_166, %swap3A_167] {strides = array<i32>} : memref<25x8x128xi32, #tpu.memory_space<vmem>>, vector<16xi32>,
          tpu.vector_store %arg12[%swap3A_165, %swap3A_166, %swap3A_167], %get3A_153 {strides = array<i32>} : memref<25x8x128xi32, #tpu.memory_space<vmem>>, vector<16xi32>,
          %swap3A_169 = arith.constant 3 : i32
          %swap3A_170 = arith.index_cast %scan3A_109 : i32 to index
          %swap3A_171 = arith.index_cast %swap3A_169 : i32 to index
          %swap3A_172 = arith.constant 16 : index
          %swap3A_173 = tpu.vector_load %arg12[%swap3A_170, %swap3A_171, %swap3A_172] {strides = array<i32>} : memref<25x8x128xi32, #tpu.memory_space<vmem>>, vector<16xi32>,
          tpu.vector_store %arg12[%swap3A_170, %swap3A_171, %swap3A_172], %get3A_153 {strides = array<i32>} : memref<25x8x128xi32, #tpu.memory_space<vmem>>, vector<16xi32>,
          %swap3A_174 = arith.constant 4 : i32
          %swap3A_175 = arith.index_cast %scan3A_109 : i32 to index
          %swap3A_176 = arith.index_cast %swap3A_174 : i32 to index
          %swap3A_177 = arith.constant 16 : index
          %swap3A_178 = tpu.vector_load %arg12[%swap3A_175, %swap3A_176, %swap3A_177] {strides = array<i32>} : memref<25x8x128xi32, #tpu.memory_space<vmem>>, vector<16xi32>,
          tpu.vector_store %arg12[%swap3A_175, %swap3A_176, %swap3A_177], %get3A_153 {strides = array<i32>} : memref<25x8x128xi32, #tpu.memory_space<vmem>>, vector<16xi32>,
          %swap3A_179 = arith.constant 5 : i32
          %swap3A_180 = arith.index_cast %scan3A_109 : i32 to index
          %swap3A_181 = arith.index_cast %swap3A_179 : i32 to index
          %swap3A_182 = arith.constant 16 : index
          %swap3A_183 = tpu.vector_load %arg12[%swap3A_180, %swap3A_181, %swap3A_182] {strides = array<i32>} : memref<25x8x128xi32, #tpu.memory_space<vmem>>, vector<16xi32>,
          tpu.vector_store %arg12[%swap3A_180, %swap3A_181, %swap3A_182], %get3A_153 {strides = array<i32>} : memref<25x8x128xi32, #tpu.memory_space<vmem>>, vector<16xi32>,
          %swap3A_184 = arith.constant 6 : i32
          %swap3A_185 = arith.index_cast %scan3A_109 : i32 to index
          %swap3A_186 = arith.index_cast %swap3A_184 : i32 to index
          %swap3A_187 = arith.constant 16 : index
          %swap3A_188 = tpu.vector_load %arg12[%swap3A_185, %swap3A_186, %swap3A_187] {strides = array<i32>} : memref<25x8x128xi32, #tpu.memory_space<vmem>>, vector<16xi32>,
          tpu.vector_store %arg12[%swap3A_185, %swap3A_186, %swap3A_187], %get3A_153 {strides = array<i32>} : memref<25x8x128xi32, #tpu.memory_space<vmem>>, vector<16xi32>,
          %swap3A_189 = arith.constant 7 : i32
          %swap3A_190 = arith.index_cast %scan3A_109 : i32 to index
          %swap3A_191 = arith.index_cast %swap3A_189 : i32 to index
          %swap3A_192 = arith.constant 16 : index
          %swap3A_193 = tpu.vector_load %arg12[%swap3A_190, %swap3A_191, %swap3A_192] {strides = array<i32>} : memref<25x8x128xi32, #tpu.memory_space<vmem>>, vector<16xi32>,
          tpu.vector_store %arg12[%swap3A_190, %swap3A_191, %swap3A_192], %get3A_153 {strides = array<i32>} : memref<25x8x128xi32, #tpu.memory_space<vmem>>, vector<16xi32>,
          %get3A_194 = arith.index_cast %scan3A_109 : i32 to index
          %get3A_195 = arith.constant 32 : index
          %get3A_196 = tpu.vector_load %arg10[%get3A_194, %get3A_195] {strides = array<i32>} : memref<25x128xi32, #tpu.memory_space<vmem>>, vector<16xi32>,
          %swap3A_197 = arith.constant 0 : i32
          %swap3A_198 = arith.index_cast %scan3A_109 : i32 to index
          %swap3A_199 = arith.index_cast %swap3A_197 : i32 to index
          %swap3A_200 = arith.constant 32 : index
          %swap3A_201 = tpu.vector_load %arg12[%swap3A_198, %swap3A_199, %swap3A_200] {strides = array<i32>} : memref<25x8x128xi32, #tpu.memory_space<vmem>>, vector<16xi32>,
          tpu.vector_store %arg12[%swap3A_198, %swap3A_199, %swap3A_200], %get3A_196 {strides = array<i32>} : memref<25x8x128xi32, #tpu.memory_space<vmem>>, vector<16xi32>,
          %swap3A_202 = arith.constant 1 : i32
          %swap3A_203 = arith.index_cast %scan3A_109 : i32 to index
          %swap3A_204 = arith.index_cast %swap3A_202 : i32 to index
          %swap3A_205 = arith.constant 32 : index
          %swap3A_206 = tpu.vector_load %arg12[%swap3A_203, %swap3A_204, %swap3A_205] {strides = array<i32>} : memref<25x8x128xi32, #tpu.memory_space<vmem>>, vector<16xi32>,
          tpu.vector_store %arg12[%swap3A_203, %swap3A_204, %swap3A_205], %get3A_196 {strides = array<i32>} : memref<25x8x128xi32, #tpu.memory_space<vmem>>, vector<16xi32>,
          %swap3A_207 = arith.constant 2 : i32
          %swap3A_208 = arith.index_cast %scan3A_109 : i32 to index
          %swap3A_209 = arith.index_cast %swap3A_207 : i32 to index
          %swap3A_210 = arith.constant 32 : index
          %swap3A_211 = tpu.vector_load %arg12[%swap3A_208, %swap3A_209, %swap3A_210] {strides = array<i32>} : memref<25x8x128xi32, #tpu.memory_space<vmem>>, vector<16xi32>,
          tpu.vector_store %arg12[%swap3A_208, %swap3A_209, %swap3A_210], %get3A_196 {strides = array<i32>} : memref<25x8x128xi32, #tpu.memory_space<vmem>>, vector<16xi32>,
          %swap3A_212 = arith.constant 3 : i32
          %swap3A_213 = arith.index_cast %scan3A_109 : i32 to index
          %swap3A_214 = arith.index_cast %swap3A_212 : i32 to index
          %swap3A_215 = arith.constant 32 : index
          %swap3A_216 = tpu.vector_load %arg12[%swap3A_213, %swap3A_214, %swap3A_215] {strides = array<i32>} : memref<25x8x128xi32, #tpu.memory_space<vmem>>, vector<16xi32>,
          tpu.vector_store %arg12[%swap3A_213, %swap3A_214, %swap3A_215], %get3A_196 {strides = array<i32>} : memref<25x8x128xi32, #tpu.memory_space<vmem>>, vector<16xi32>,
          %swap3A_217 = arith.constant 4 : i32
          %swap3A_218 = arith.index_cast %scan3A_109 : i32 to index
          %swap3A_219 = arith.index_cast %swap3A_217 : i32 to index
          %swap3A_220 = arith.constant 32 : index
          %swap3A_221 = tpu.vector_load %arg12[%swap3A_218, %swap3A_219, %swap3A_220] {strides = array<i32>} : memref<25x8x128xi32, #tpu.memory_space<vmem>>, vector<16xi32>,
          tpu.vector_store %arg12[%swap3A_218, %swap3A_219, %swap3A_220], %get3A_196 {strides = array<i32>} : memref<25x8x128xi32, #tpu.memory_space<vmem>>, vector<16xi32>,
          %swap3A_222 = arith.constant 5 : i32
          %swap3A_223 = arith.index_cast %scan3A_109 : i32 to index
          %swap3A_224 = arith.index_cast %swap3A_222 : i32 to index
          %swap3A_225 = arith.constant 32 : index
          %swap3A_226 = tpu.vector_load %arg12[%swap3A_223, %swap3A_224, %swap3A_225] {strides = array<i32>} : memref<25x8x128xi32, #tpu.memory_space<vmem>>, vector<16xi32>,
          tpu.vector_store %arg12[%swap3A_223, %swap3A_224, %swap3A_225], %get3A_196 {strides = array<i32>} : memref<25x8x128xi32, #tpu.memory_space<vmem>>, vector<16xi32>,
          %swap3A_227 = arith.constant 6 : i32
          %swap3A_228 = arith.index_cast %scan3A_109 : i32 to index
          %swap3A_229 = arith.index_cast %swap3A_227 : i32 to index
          %swap3A_230 = arith.constant 32 : index
          %swap3A_231 = tpu.vector_load %arg12[%swap3A_228, %swap3A_229, %swap3A_230] {strides = array<i32>} : memref<25x8x128xi32, #tpu.memory_space<vmem>>, vector<16xi32>,
          tpu.vector_store %arg12[%swap3A_228, %swap3A_229, %swap3A_230], %get3A_196 {strides = array<i32>} : memref<25x8x128xi32, #tpu.memory_space<vmem>>, vector<16xi32>,
          %swap3A_232 = arith.constant 7 : i32
          %swap3A_233 = arith.index_cast %scan3A_109 : i32 to index
          %swap3A_234 = arith.index_cast %swap3A_232 : i32 to index
          %swap3A_235 = arith.constant 32 : index
          %swap3A_236 = tpu.vector_load %arg12[%swap3A_233, %swap3A_234, %swap3A_235] {strides = array<i32>} : memref<25x8x128xi32, #tpu.memory_space<vmem>>, vector<16xi32>,
          tpu.vector_store %arg12[%swap3A_233, %swap3A_234, %swap3A_235], %get3A_196 {strides = array<i32>} : memref<25x8x128xi32, #tpu.memory_space<vmem>>, vector<16xi32>,
          %get3A_237 = arith.index_cast %scan3A_109 : i32 to index
          %get3A_238 = arith.constant 48 : index
          %get3A_239 = tpu.vector_load %arg10[%get3A_237, %get3A_238] {strides = array<i32>} : memref<25x128xi32, #tpu.memory_space<vmem>>, vector<16xi32>,
          %swap3A_240 = arith.constant 0 : i32
          %swap3A_241 = arith.index_cast %scan3A_109 : i32 to index
          %swap3A_242 = arith.index_cast %swap3A_240 : i32 to index
          %swap3A_243 = arith.constant 48 : index
          %swap3A_244 = tpu.vector_load %arg12[%swap3A_241, %swap3A_242, %swap3A_243] {strides = array<i32>} : memref<25x8x128xi32, #tpu.memory_space<vmem>>, vector<16xi32>,
          tpu.vector_store %arg12[%swap3A_241, %swap3A_242, %swap3A_243], %get3A_239 {strides = array<i32>} : memref<25x8x128xi32, #tpu.memory_space<vmem>>, vector<16xi32>,
          %swap3A_245 = arith.constant 1 : i32
          %swap3A_246 = arith.index_cast %scan3A_109 : i32 to index
          %swap3A_247 = arith.index_cast %swap3A_245 : i32 to index
          %swap3A_248 = arith.constant 48 : index
          %swap3A_249 = tpu.vector_load %arg12[%swap3A_246, %swap3A_247, %swap3A_248] {strides = array<i32>} : memref<25x8x128xi32, #tpu.memory_space<vmem>>, vector<16xi32>,
          tpu.vector_store %arg12[%swap3A_246, %swap3A_247, %swap3A_248], %get3A_239 {strides = array<i32>} : memref<25x8x128xi32, #tpu.memory_space<vmem>>, vector<16xi32>,
          %swap3A_250 = arith.constant 2 : i32
          %swap3A_251 = arith.index_cast %scan3A_109 : i32 to index
          %swap3A_252 = arith.index_cast %swap3A_250 : i32 to index
          %swap3A_253 = arith.constant 48 : index
          %swap3A_254 = tpu.vector_load %arg12[%swap3A_251, %swap3A_252, %swap3A_253] {strides = array<i32>} : memref<25x8x128xi32, #tpu.memory_space<vmem>>, vector<16xi32>,
          tpu.vector_store %arg12[%swap3A_251, %swap3A_252, %swap3A_253], %get3A_239 {strides = array<i32>} : memref<25x8x128xi32, #tpu.memory_space<vmem>>, vector<16xi32>,
          %swap3A_255 = arith.constant 3 : i32
          %swap3A_256 = arith.index_cast %scan3A_109 : i32 to index
          %swap3A_257 = arith.index_cast %swap3A_255 : i32 to index
          %swap3A_258 = arith.constant 48 : index
          %swap3A_259 = tpu.vector_load %arg12[%swap3A_256, %swap3A_257, %swap3A_258] {strides = array<i32>} : memref<25x8x128xi32, #tpu.memory_space<vmem>>, vector<16xi32>,
          tpu.vector_store %arg12[%swap3A_256, %swap3A_257, %swap3A_258], %get3A_239 {strides = array<i32>} : memref<25x8x128xi32, #tpu.memory_space<vmem>>, vector<16xi32>,
          %swap3A_260 = arith.constant 4 : i32
          %swap3A_261 = arith.index_cast %scan3A_109 : i32 to index
          %swap3A_262 = arith.index_cast %swap3A_260 : i32 to index
          %swap3A_263 = arith.constant 48 : index
          %swap3A_264 = tpu.vector_load %arg12[%swap3A_261, %swap3A_262, %swap3A_263] {strides = array<i32>} : memref<25x8x128xi32, #tpu.memory_space<vmem>>, vector<16xi32>,
          tpu.vector_store %arg12[%swap3A_261, %swap3A_262, %swap3A_263], %get3A_239 {strides = array<i32>} : memref<25x8x128xi32, #tpu.memory_space<vmem>>, vector<16xi32>,
          %swap3A_265 = arith.constant 5 : i32
          %swap3A_266 = arith.index_cast %scan3A_109 : i32 to index
          %swap3A_267 = arith.index_cast %swap3A_265 : i32 to index
          %swap3A_268 = arith.constant 48 : index
          %swap3A_269 = tpu.vector_load %arg12[%swap3A_266, %swap3A_267, %swap3A_268] {strides = array<i32>} : memref<25x8x128xi32, #tpu.memory_space<vmem>>, vector<16xi32>,
          tpu.vector_store %arg12[%swap3A_266, %swap3A_267, %swap3A_268], %get3A_239 {strides = array<i32>} : memref<25x8x128xi32, #tpu.memory_space<vmem>>, vector<16xi32>,
          %swap3A_270 = arith.constant 6 : i32
          %swap3A_271 = arith.index_cast %scan3A_109 : i32 to index
          %swap3A_272 = arith.index_cast %swap3A_270 : i32 to index
          %swap3A_273 = arith.constant 48 : index
          %swap3A_274 = tpu.vector_load %arg12[%swap3A_271, %swap3A_272, %swap3A_273] {strides = array<i32>} : memref<25x8x128xi32, #tpu.memory_space<vmem>>, vector<16xi32>,
          tpu.vector_store %arg12[%swap3A_271, %swap3A_272, %swap3A_273], %get3A_239 {strides = array<i32>} : memref<25x8x128xi32, #tpu.memory_space<vmem>>, vector<16xi32>,
          %swap3A_275 = arith.constant 7 : i32
          %swap3A_276 = arith.index_cast %scan3A_109 : i32 to index
          %swap3A_277 = arith.index_cast %swap3A_275 : i32 to index
          %swap3A_278 = arith.constant 48 : index
          %swap3A_279 = tpu.vector_load %arg12[%swap3A_276, %swap3A_277, %swap3A_278] {strides = array<i32>} : memref<25x8x128xi32, #tpu.memory_space<vmem>>, vector<16xi32>,
          tpu.vector_store %arg12[%swap3A_276, %swap3A_277, %swap3A_278], %get3A_239 {strides = array<i32>} : memref<25x8x128xi32, #tpu.memory_space<vmem>>, vector<16xi32>,
          %get3A_280 = arith.index_cast %scan3A_109 : i32 to index
          %get3A_281 = arith.constant 64 : index
          %get3A_282 = tpu.vector_load %arg10[%get3A_280, %get3A_281] {strides = array<i32>} : memref<25x128xi32, #tpu.memory_space<vmem>>, vector<16xi32>,
          %swap3A_283 = arith.constant 0 : i32
          %swap3A_284 = arith.index_cast %scan3A_109 : i32 to index
          %swap3A_285 = arith.index_cast %swap3A_283 : i32 to index
          %swap3A_286 = arith.constant 64 : index
          %swap3A_287 = tpu.vector_load %arg12[%swap3A_284, %swap3A_285, %swap3A_286] {strides = array<i32>} : memref<25x8x128xi32, #tpu.memory_space<vmem>>, vector<16xi32>,
          tpu.vector_store %arg12[%swap3A_284, %swap3A_285, %swap3A_286], %get3A_282 {strides = array<i32>} : memref<25x8x128xi32, #tpu.memory_space<vmem>>, vector<16xi32>,
          %swap3A_288 = arith.constant 1 : i32
          %swap3A_289 = arith.index_cast %scan3A_109 : i32 to index
          %swap3A_290 = arith.index_cast %swap3A_288 : i32 to index
          %swap3A_291 = arith.constant 64 : index
          %swap3A_292 = tpu.vector_load %arg12[%swap3A_289, %swap3A_290, %swap3A_291] {strides = array<i32>} : memref<25x8x128xi32, #tpu.memory_space<vmem>>, vector<16xi32>,
          tpu.vector_store %arg12[%swap3A_289, %swap3A_290, %swap3A_291], %get3A_282 {strides = array<i32>} : memref<25x8x128xi32, #tpu.memory_space<vmem>>, vector<16xi32>,
          %swap3A_293 = arith.constant 2 : i32
          %swap3A_294 = arith.index_cast %scan3A_109 : i32 to index
          %swap3A_295 = arith.index_cast %swap3A_293 : i32 to index
          %swap3A_296 = arith.constant 64 : index
          %swap3A_297 = tpu.vector_load %arg12[%swap3A_294, %swap3A_295, %swap3A_296] {strides = array<i32>} : memref<25x8x128xi32, #tpu.memory_space<vmem>>, vector<16xi32>,
          tpu.vector_store %arg12[%swap3A_294, %swap3A_295, %swap3A_296], %get3A_282 {strides = array<i32>} : memref<25x8x128xi32, #tpu.memory_space<vmem>>, vector<16xi32>,
          %swap3A_298 = arith.constant 3 : i32
          %swap3A_299 = arith.index_cast %scan3A_109 : i32 to index
          %swap3A_300 = arith.index_cast %swap3A_298 : i32 to index
          %swap3A_301 = arith.constant 64 : index
          %swap3A_302 = tpu.vector_load %arg12[%swap3A_299, %swap3A_300, %swap3A_301] {strides = array<i32>} : memref<25x8x128xi32, #tpu.memory_space<vmem>>, vector<16xi32>,
          tpu.vector_store %arg12[%swap3A_299, %swap3A_300, %swap3A_301], %get3A_282 {strides = array<i32>} : memref<25x8x128xi32, #tpu.memory_space<vmem>>, vector<16xi32>,
          %swap3A_303 = arith.constant 4 : i32
          %swap3A_304 = arith.index_cast %scan3A_109 : i32 to index
          %swap3A_305 = arith.index_cast %swap3A_303 : i32 to index
          %swap3A_306 = arith.constant 64 : index
          %swap3A_307 = tpu.vector_load %arg12[%swap3A_304, %swap3A_305, %swap3A_306] {strides = array<i32>} : memref<25x8x128xi32, #tpu.memory_space<vmem>>, vector<16xi32>,
          tpu.vector_store %arg12[%swap3A_304, %swap3A_305, %swap3A_306], %get3A_282 {strides = array<i32>} : memref<25x8x128xi32, #tpu.memory_space<vmem>>, vector<16xi32>,
          %swap3A_308 = arith.constant 5 : i32
          %swap3A_309 = arith.index_cast %scan3A_109 : i32 to index
          %swap3A_310 = arith.index_cast %swap3A_308 : i32 to index
          %swap3A_311 = arith.constant 64 : index
          %swap3A_312 = tpu.vector_load %arg12[%swap3A_309, %swap3A_310, %swap3A_311] {strides = array<i32>} : memref<25x8x128xi32, #tpu.memory_space<vmem>>, vector<16xi32>,
          tpu.vector_store %arg12[%swap3A_309, %swap3A_310, %swap3A_311], %get3A_282 {strides = array<i32>} : memref<25x8x128xi32, #tpu.memory_space<vmem>>, vector<16xi32>,
          %swap3A_313 = arith.constant 6 : i32
          %swap3A_314 = arith.index_cast %scan3A_109 : i32 to index
          %swap3A_315 = arith.index_cast %swap3A_313 : i32 to index
          %swap3A_316 = arith.constant 64 : index
          %swap3A_317 = tpu.vector_load %arg12[%swap3A_314, %swap3A_315, %swap3A_316] {strides = array<i32>} : memref<25x8x128xi32, #tpu.memory_space<vmem>>, vector<16xi32>,
          tpu.vector_store %arg12[%swap3A_314, %swap3A_315, %swap3A_316], %get3A_282 {strides = array<i32>} : memref<25x8x128xi32, #tpu.memory_space<vmem>>, vector<16xi32>,
          %swap3A_318 = arith.constant 7 : i32
          %swap3A_319 = arith.index_cast %scan3A_109 : i32 to index
          %swap3A_320 = arith.index_cast %swap3A_318 : i32 to index
          %swap3A_321 = arith.constant 64 : index
          %swap3A_322 = tpu.vector_load %arg12[%swap3A_319, %swap3A_320, %swap3A_321] {strides = array<i32>} : memref<25x8x128xi32, #tpu.memory_space<vmem>>, vector<16xi32>,
          tpu.vector_store %arg12[%swap3A_319, %swap3A_320, %swap3A_321], %get3A_282 {strides = array<i32>} : memref<25x8x128xi32, #tpu.memory_space<vmem>>, vector<16xi32>,
          %get3A_323 = arith.index_cast %scan3A_109 : i32 to index
          %get3A_324 = arith.constant 80 : index
          %get3A_325 = tpu.vector_load %arg10[%get3A_323, %get3A_324] {strides = array<i32>} : memref<25x128xi32, #tpu.memory_space<vmem>>, vector<16xi32>,
          %swap3A_326 = arith.constant 0 : i32
          %swap3A_327 = arith.index_cast %scan3A_109 : i32 to index
          %swap3A_328 = arith.index_cast %swap3A_326 : i32 to index
          %swap3A_329 = arith.constant 80 : index
          %swap3A_330 = tpu.vector_load %arg12[%swap3A_327, %swap3A_328, %swap3A_329] {strides = array<i32>} : memref<25x8x128xi32, #tpu.memory_space<vmem>>, vector<16xi32>,
          tpu.vector_store %arg12[%swap3A_327, %swap3A_328, %swap3A_329], %get3A_325 {strides = array<i32>} : memref<25x8x128xi32, #tpu.memory_space<vmem>>, vector<16xi32>,
          %swap3A_331 = arith.constant 1 : i32
          %swap3A_332 = arith.index_cast %scan3A_109 : i32 to index
          %swap3A_333 = arith.index_cast %swap3A_331 : i32 to index
          %swap3A_334 = arith.constant 80 : index
          %swap3A_335 = tpu.vector_load %arg12[%swap3A_332, %swap3A_333, %swap3A_334] {strides = array<i32>} : memref<25x8x128xi32, #tpu.memory_space<vmem>>, vector<16xi32>,
          tpu.vector_store %arg12[%swap3A_332, %swap3A_333, %swap3A_334], %get3A_325 {strides = array<i32>} : memref<25x8x128xi32, #tpu.memory_space<vmem>>, vector<16xi32>,
          %swap3A_336 = arith.constant 2 : i32
          %swap3A_337 = arith.index_cast %scan3A_109 : i32 to index
          %swap3A_338 = arith.index_cast %swap3A_336 : i32 to index
          %swap3A_339 = arith.constant 80 : index
          %swap3A_340 = tpu.vector_load %arg12[%swap3A_337, %swap3A_338, %swap3A_339] {strides = array<i32>} : memref<25x8x128xi32, #tpu.memory_space<vmem>>, vector<16xi32>,
          tpu.vector_store %arg12[%swap3A_337, %swap3A_338, %swap3A_339], %get3A_325 {strides = array<i32>} : memref<25x8x128xi32, #tpu.memory_space<vmem>>, vector<16xi32>,
          %swap3A_341 = arith.constant 3 : i32
          %swap3A_342 = arith.index_cast %scan3A_109 : i32 to index
          %swap3A_343 = arith.index_cast %swap3A_341 : i32 to index
          %swap3A_344 = arith.constant 80 : index
          %swap3A_345 = tpu.vector_load %arg12[%swap3A_342, %swap3A_343, %swap3A_344] {strides = array<i32>} : memref<25x8x128xi32, #tpu.memory_space<vmem>>, vector<16xi32>,
          tpu.vector_store %arg12[%swap3A_342, %swap3A_343, %swap3A_344], %get3A_325 {strides = array<i32>} : memref<25x8x128xi32, #tpu.memory_space<vmem>>, vector<16xi32>,
          %swap3A_346 = arith.constant 4 : i32
          %swap3A_347 = arith.index_cast %scan3A_109 : i32 to index
          %swap3A_348 = arith.index_cast %swap3A_346 : i32 to index
          %swap3A_349 = arith.constant 80 : index
          %swap3A_350 = tpu.vector_load %arg12[%swap3A_347, %swap3A_348, %swap3A_349] {strides = array<i32>} : memref<25x8x128xi32, #tpu.memory_space<vmem>>, vector<16xi32>,
          tpu.vector_store %arg12[%swap3A_347, %swap3A_348, %swap3A_349], %get3A_325 {strides = array<i32>} : memref<25x8x128xi32, #tpu.memory_space<vmem>>, vector<16xi32>,
          %swap3A_351 = arith.constant 5 : i32
          %swap3A_352 = arith.index_cast %scan3A_109 : i32 to index
          %swap3A_353 = arith.index_cast %swap3A_351 : i32 to index
          %swap3A_354 = arith.constant 80 : index
          %swap3A_355 = tpu.vector_load %arg12[%swap3A_352, %swap3A_353, %swap3A_354] {strides = array<i32>} : memref<25x8x128xi32, #tpu.memory_space<vmem>>, vector<16xi32>,
          tpu.vector_store %arg12[%swap3A_352, %swap3A_353, %swap3A_354], %get3A_325 {strides = array<i32>} : memref<25x8x128xi32, #tpu.memory_space<vmem>>, vector<16xi32>,
          %swap3A_356 = arith.constant 6 : i32
          %swap3A_357 = arith.index_cast %scan3A_109 : i32 to index
          %swap3A_358 = arith.index_cast %swap3A_356 : i32 to index
          %swap3A_359 = arith.constant 80 : index
          %swap3A_360 = tpu.vector_load %arg12[%swap3A_357, %swap3A_358, %swap3A_359] {strides = array<i32>} : memref<25x8x128xi32, #tpu.memory_space<vmem>>, vector<16xi32>,
          tpu.vector_store %arg12[%swap3A_357, %swap3A_358, %swap3A_359], %get3A_325 {strides = array<i32>} : memref<25x8x128xi32, #tpu.memory_space<vmem>>, vector<16xi32>,
          %swap3A_361 = arith.constant 7 : i32
          %swap3A_362 = arith.index_cast %scan3A_109 : i32 to index
          %swap3A_363 = arith.index_cast %swap3A_361 : i32 to index
          %swap3A_364 = arith.constant 80 : index
          %swap3A_365 = tpu.vector_load %arg12[%swap3A_362, %swap3A_363, %swap3A_364] {strides = array<i32>} : memref<25x8x128xi32, #tpu.memory_space<vmem>>, vector<16xi32>,
          tpu.vector_store %arg12[%swap3A_362, %swap3A_363, %swap3A_364], %get3A_325 {strides = array<i32>} : memref<25x8x128xi32, #tpu.memory_space<vmem>>, vector<16xi32>,
          %get3A_366 = arith.index_cast %scan3A_109 : i32 to index
          %get3A_367 = arith.constant 96 : index
          %get3A_368 = tpu.vector_load %arg10[%get3A_366, %get3A_367] {strides = array<i32>} : memref<25x128xi32, #tpu.memory_space<vmem>>, vector<16xi32>,
          %swap3A_369 = arith.constant 0 : i32
          %swap3A_370 = arith.index_cast %scan3A_109 : i32 to index
          %swap3A_371 = arith.index_cast %swap3A_369 : i32 to index
          %swap3A_372 = arith.constant 96 : index
          %swap3A_373 = tpu.vector_load %arg12[%swap3A_370, %swap3A_371, %swap3A_372] {strides = array<i32>} : memref<25x8x128xi32, #tpu.memory_space<vmem>>, vector<16xi32>,
          tpu.vector_store %arg12[%swap3A_370, %swap3A_371, %swap3A_372], %get3A_368 {strides = array<i32>} : memref<25x8x128xi32, #tpu.memory_space<vmem>>, vector<16xi32>,
          %swap3A_374 = arith.constant 1 : i32
          %swap3A_375 = arith.index_cast %scan3A_109 : i32 to index
          %swap3A_376 = arith.index_cast %swap3A_374 : i32 to index
          %swap3A_377 = arith.constant 96 : index
          %swap3A_378 = tpu.vector_load %arg12[%swap3A_375, %swap3A_376, %swap3A_377] {strides = array<i32>} : memref<25x8x128xi32, #tpu.memory_space<vmem>>, vector<16xi32>,
          tpu.vector_store %arg12[%swap3A_375, %swap3A_376, %swap3A_377], %get3A_368 {strides = array<i32>} : memref<25x8x128xi32, #tpu.memory_space<vmem>>, vector<16xi32>,
          %swap3A_379 = arith.constant 2 : i32
          %swap3A_380 = arith.index_cast %scan3A_109 : i32 to index
          %swap3A_381 = arith.index_cast %swap3A_379 : i32 to index
          %swap3A_382 = arith.constant 96 : index
          %swap3A_383 = tpu.vector_load %arg12[%swap3A_380, %swap3A_381, %swap3A_382] {strides = array<i32>} : memref<25x8x128xi32, #tpu.memory_space<vmem>>, vector<16xi32>,
          tpu.vector_store %arg12[%swap3A_380, %swap3A_381, %swap3A_382], %get3A_368 {strides = array<i32>} : memref<25x8x128xi32, #tpu.memory_space<vmem>>, vector<16xi32>,
          %swap3A_384 = arith.constant 3 : i32
          %swap3A_385 = arith.index_cast %scan3A_109 : i32 to index
          %swap3A_386 = arith.index_cast %swap3A_384 : i32 to index
          %swap3A_387 = arith.constant 96 : index
          %swap3A_388 = tpu.vector_load %arg12[%swap3A_385, %swap3A_386, %swap3A_387] {strides = array<i32>} : memref<25x8x128xi32, #tpu.memory_space<vmem>>, vector<16xi32>,
          tpu.vector_store %arg12[%swap3A_385, %swap3A_386, %swap3A_387], %get3A_368 {strides = array<i32>} : memref<25x8x128xi32, #tpu.memory_space<vmem>>, vector<16xi32>,
          %swap3A_389 = arith.constant 4 : i32
          %swap3A_390 = arith.index_cast %scan3A_109 : i32 to index
          %swap3A_391 = arith.index_cast %swap3A_389 : i32 to index
          %swap3A_392 = arith.constant 96 : index
          %swap3A_393 = tpu.vector_load %arg12[%swap3A_390, %swap3A_391, %swap3A_392] {strides = array<i32>} : memref<25x8x128xi32, #tpu.memory_space<vmem>>, vector<16xi32>,
          tpu.vector_store %arg12[%swap3A_390, %swap3A_391, %swap3A_392], %get3A_368 {strides = array<i32>} : memref<25x8x128xi32, #tpu.memory_space<vmem>>, vector<16xi32>,
          %swap3A_394 = arith.constant 5 : i32
          %swap3A_395 = arith.index_cast %scan3A_109 : i32 to index
          %swap3A_396 = arith.index_cast %swap3A_394 : i32 to index
          %swap3A_397 = arith.constant 96 : index
          %swap3A_398 = tpu.vector_load %arg12[%swap3A_395, %swap3A_396, %swap3A_397] {strides = array<i32>} : memref<25x8x128xi32, #tpu.memory_space<vmem>>, vector<16xi32>,
          tpu.vector_store %arg12[%swap3A_395, %swap3A_396, %swap3A_397], %get3A_368 {strides = array<i32>} : memref<25x8x128xi32, #tpu.memory_space<vmem>>, vector<16xi32>,
          %swap3A_399 = arith.constant 6 : i32
          %swap3A_400 = arith.index_cast %scan3A_109 : i32 to index
          %swap3A_401 = arith.index_cast %swap3A_399 : i32 to index
          %swap3A_402 = arith.constant 96 : index
          %swap3A_403 = tpu.vector_load %arg12[%swap3A_400, %swap3A_401, %swap3A_402] {strides = array<i32>} : memref<25x8x128xi32, #tpu.memory_space<vmem>>, vector<16xi32>,
          tpu.vector_store %arg12[%swap3A_400, %swap3A_401, %swap3A_402], %get3A_368 {strides = array<i32>} : memref<25x8x128xi32, #tpu.memory_space<vmem>>, vector<16xi32>,
          %swap3A_404 = arith.constant 7 : i32
          %swap3A_405 = arith.index_cast %scan3A_109 : i32 to index
          %swap3A_406 = arith.index_cast %swap3A_404 : i32 to index
          %swap3A_407 = arith.constant 96 : index
          %swap3A_408 = tpu.vector_load %arg12[%swap3A_405, %swap3A_406, %swap3A_407] {strides = array<i32>} : memref<25x8x128xi32, #tpu.memory_space<vmem>>, vector<16xi32>,
          tpu.vector_store %arg12[%swap3A_405, %swap3A_406, %swap3A_407], %get3A_368 {strides = array<i32>} : memref<25x8x128xi32, #tpu.memory_space<vmem>>, vector<16xi32>,
          %get3A_409 = arith.index_cast %scan3A_109 : i32 to index
          %get3A_410 = arith.constant 112 : index
          %get3A_411 = tpu.vector_load %arg10[%get3A_409, %get3A_410] {strides = array<i32>} : memref<25x128xi32, #tpu.memory_space<vmem>>, vector<16xi32>,
          %swap3A_412 = arith.constant 0 : i32
          %swap3A_413 = arith.index_cast %scan3A_109 : i32 to index
          %swap3A_414 = arith.index_cast %swap3A_412 : i32 to index
          %swap3A_415 = arith.constant 112 : index
          %swap3A_416 = tpu.vector_load %arg12[%swap3A_413, %swap3A_414, %swap3A_415] {strides = array<i32>} : memref<25x8x128xi32, #tpu.memory_space<vmem>>, vector<16xi32>,
          tpu.vector_store %arg12[%swap3A_413, %swap3A_414, %swap3A_415], %get3A_411 {strides = array<i32>} : memref<25x8x128xi32, #tpu.memory_space<vmem>>, vector<16xi32>,
          %swap3A_417 = arith.constant 1 : i32
          %swap3A_418 = arith.index_cast %scan3A_109 : i32 to index
          %swap3A_419 = arith.index_cast %swap3A_417 : i32 to index
          %swap3A_420 = arith.constant 112 : index
          %swap3A_421 = tpu.vector_load %arg12[%swap3A_418, %swap3A_419, %swap3A_420] {strides = array<i32>} : memref<25x8x128xi32, #tpu.memory_space<vmem>>, vector<16xi32>,
          tpu.vector_store %arg12[%swap3A_418, %swap3A_419, %swap3A_420], %get3A_411 {strides = array<i32>} : memref<25x8x128xi32, #tpu.memory_space<vmem>>, vector<16xi32>,
          %swap3A_422 = arith.constant 2 : i32
          %swap3A_423 = arith.index_cast %scan3A_109 : i32 to index
          %swap3A_424 = arith.index_cast %swap3A_422 : i32 to index
          %swap3A_425 = arith.constant 112 : index
          %swap3A_426 = tpu.vector_load %arg12[%swap3A_423, %swap3A_424, %swap3A_425] {strides = array<i32>} : memref<25x8x128xi32, #tpu.memory_space<vmem>>, vector<16xi32>,
          tpu.vector_store %arg12[%swap3A_423, %swap3A_424, %swap3A_425], %get3A_411 {strides = array<i32>} : memref<25x8x128xi32, #tpu.memory_space<vmem>>, vector<16xi32>,
          %swap3A_427 = arith.constant 3 : i32
          %swap3A_428 = arith.index_cast %scan3A_109 : i32 to index
          %swap3A_429 = arith.index_cast %swap3A_427 : i32 to index
          %swap3A_430 = arith.constant 112 : index
          %swap3A_431 = tpu.vector_load %arg12[%swap3A_428, %swap3A_429, %swap3A_430] {strides = array<i32>} : memref<25x8x128xi32, #tpu.memory_space<vmem>>, vector<16xi32>,
          tpu.vector_store %arg12[%swap3A_428, %swap3A_429, %swap3A_430], %get3A_411 {strides = array<i32>} : memref<25x8x128xi32, #tpu.memory_space<vmem>>, vector<16xi32>,
          %swap3A_432 = arith.constant 4 : i32
          %swap3A_433 = arith.index_cast %scan3A_109 : i32 to index
          %swap3A_434 = arith.index_cast %swap3A_432 : i32 to index
          %swap3A_435 = arith.constant 112 : index
          %swap3A_436 = tpu.vector_load %arg12[%swap3A_433, %swap3A_434, %swap3A_435] {strides = array<i32>} : memref<25x8x128xi32, #tpu.memory_space<vmem>>, vector<16xi32>,
          tpu.vector_store %arg12[%swap3A_433, %swap3A_434, %swap3A_435], %get3A_411 {strides = array<i32>} : memref<25x8x128xi32, #tpu.memory_space<vmem>>, vector<16xi32>,
          %swap3A_437 = arith.constant 5 : i32
          %swap3A_438 = arith.index_cast %scan3A_109 : i32 to index
          %swap3A_439 = arith.index_cast %swap3A_437 : i32 to index
          %swap3A_440 = arith.constant 112 : index
          %swap3A_441 = tpu.vector_load %arg12[%swap3A_438, %swap3A_439, %swap3A_440] {strides = array<i32>} : memref<25x8x128xi32, #tpu.memory_space<vmem>>, vector<16xi32>,
          tpu.vector_store %arg12[%swap3A_438, %swap3A_439, %swap3A_440], %get3A_411 {strides = array<i32>} : memref<25x8x128xi32, #tpu.memory_space<vmem>>, vector<16xi32>,
          %swap3A_442 = arith.constant 6 : i32
          %swap3A_443 = arith.index_cast %scan3A_109 : i32 to index
          %swap3A_444 = arith.index_cast %swap3A_442 : i32 to index
          %swap3A_445 = arith.constant 112 : index
          %swap3A_446 = tpu.vector_load %arg12[%swap3A_443, %swap3A_444, %swap3A_445] {strides = array<i32>} : memref<25x8x128xi32, #tpu.memory_space<vmem>>, vector<16xi32>,
          tpu.vector_store %arg12[%swap3A_443, %swap3A_444, %swap3A_445], %get3A_411 {strides = array<i32>} : memref<25x8x128xi32, #tpu.memory_space<vmem>>, vector<16xi32>,
          %swap3A_447 = arith.constant 7 : i32
          %swap3A_448 = arith.index_cast %scan3A_109 : i32 to index
          %swap3A_449 = arith.index_cast %swap3A_447 : i32 to index
          %swap3A_450 = arith.constant 112 : index
          %swap3A_451 = tpu.vector_load %arg12[%swap3A_448, %swap3A_449, %swap3A_450] {strides = array<i32>} : memref<25x8x128xi32, #tpu.memory_space<vmem>>, vector<16xi32>,
          tpu.vector_store %arg12[%swap3A_448, %swap3A_449, %swap3A_450], %get3A_411 {strides = array<i32>} : memref<25x8x128xi32, #tpu.memory_space<vmem>>, vector<16xi32>,
        }
        %scan3A_91 = arith.constant 25 : i32
        %mul3A_92 = arith.constant 25 : i32
        %mul3A_93 = arith.muli %add3A_60, %mul3A_92 : i32
        %add3A_94 = arith.addi %mul3A_4, %mul3A_93 : i32
        %dma_start3A = arith.constant 0 : i32
        %dma_start3A_95 = arith.constant 0 : i32
        %dma_start3A_96 = tpu.memref_slice %arg4[%add3A_94, %shift_right_arithmetic3A_1, %dma_start3A, %dma_start3A_95] : memref<2500x8x8x128xi32, #tpu.memory_space<hbm>> -> memref<25x1x8x128xi32, #tpu.memory_space<hbm>>
        %dma_start3A_97 = tpu.memref_squeeze %dma_start3A_96 : memref<25x1x8x128xi32, #tpu.memory_space<hbm>> -> memref<25x8x128xi32, #tpu.memory_space<hbm>>
        %dma_start3A_98 = arith.constant 0 : i32
        %dma_start3A_99 = arith.constant 0 : i32
        %dma_start3A_100 = tpu.memref_slice %arg4[%add3A_94, %shift_right_arithmetic3A_1, %dma_start3A_98, %dma_start3A_99] : memref<2500x8x8x128xi32, #tpu.memory_space<hbm>> -> memref<25x1x8x128xi32, #tpu.memory_space<hbm>>
        %dma_start3A_101 = tpu.memref_squeeze %dma_start3A_100 : memref<25x1x8x128xi32, #tpu.memory_space<hbm>> -> memref<25x8x128xi32, #tpu.memory_space<hbm>>
        tpu.enqueue_dma source(%arg12 : memref<25x8x128xi32, #tpu.memory_space<vmem>>) target(%dma_start3A_101 : memref<25x8x128xi32, #tpu.memory_space<hbm>>) target_semaphore(%arg15 : memref<!tpu.dma_semaphore, #tpu.memory_space<semaphore_mem>>)
        %add3A_102 = arith.constant 2 : i32
        %add3A_103 = arith.addi %add3A_60, %add3A_102 : i32
        %lt3A_104 = arith.constant 25 : i32
        %lt3A_105 = arith.cmpi slt, %add3A_103, %lt3A_104 : i32
        %convert_element_type3A_106 = arith.extui %lt3A_105 : i1 to i32
        %cond3A_107 = arith.constant 0 : i32
        %cond3A_108 = arith.cmpi ne, %convert_element_type3A_106, %cond3A_107 : i32
        scf.if %cond3A_108 {
          %add3A_109 = arith.constant 2 : i32
          %add3A_110 = arith.addi %add3A_60, %add3A_109 : i32
          %scan3A_111 = arith.constant 0 : i32
          %scan3A_112 = arith.constant 0 : i32
          %scan3A_113 = arith.constant 25 : i32
          %scan3A_114 = arith.addi %scan3A_112, %scan3A_113 : i32
          %scan3A_115 = arith.constant 1 : i32
          scf.for %scan3A_117 = %scan3A_112 to %scan3A_114 step %scan3A_115  : i32 {
            %mul3A_118 = arith.constant 25 : i32
            %mul3A_119 = arith.muli %add3A_110, %mul3A_118 : i32
            %add3A_120 = arith.addi %mul3A_4, %mul3A_119 : i32
            %add3A_121 = arith.addi %add3A_120, %scan3A_117 : i32
            %jit3A = arith.constant 50 : i32
            %div3A = arith.divsi %add3A_121, %jit3A : i32
            %sign3A = arith.constant 0 : i32
            %sign3A_122 = arith.cmpi sgt, %add3A_121, %sign3A : i32
            %sign3A_123 = arith.extui %sign3A_122 : i1 to i32
            %sign3A_124 = arith.constant 0 : i32
            %sign3A_125 = arith.cmpi slt, %add3A_121, %sign3A_124 : i32
            %sign3A_126 = arith.extui %sign3A_125 : i1 to i32
            %sign3A_127 = arith.subi %sign3A_123, %sign3A_126 : i32
            %sign3A_128 = arith.constant 0 : i32
            %sign3A_129 = arith.cmpi sgt, %jit3A, %sign3A_128 : i32
            %sign3A_130 = arith.extui %sign3A_129 : i1 to i32
            %sign3A_131 = arith.constant 0 : i32
            %sign3A_132 = arith.cmpi slt, %jit3A, %sign3A_131 : i32
            %sign3A_133 = arith.extui %sign3A_132 : i1 to i32
            %sign3A_134 = arith.subi %sign3A_130, %sign3A_133 : i32
            %ne3A = arith.cmpi ne, %sign3A_127, %sign3A_134 : i32
            %rem3A = arith.remsi %add3A_121, %jit3A : i32
            %ne3A_135 = arith.constant 0 : i32
            %ne3A_136 = arith.cmpi ne, %rem3A, %ne3A_135 : i32
            %and3A_137 = arith.andi %ne3A, %ne3A_136 : i1
            %sub3A = arith.constant 1 : i32
            %sub3A_138 = arith.subi %div3A, %sub3A : i32
            %select_n3A = arith.select %and3A_137, %sub3A_138, %div3A : i32
            %mul3A_139 = arith.constant 50 : i32
            %mul3A_140 = arith.muli %select_n3A, %mul3A_139 : i32
            %sub3A_141 = arith.subi %add3A_121, %mul3A_140 : i32
            %mul3A_142 = arith.constant 128 : i32
            %mul3A_143 = arith.muli %select_n3A, %mul3A_142 : i32
            %add3A_144 = arith.constant 0 : i32
            %add3A_145 = arith.addi %mul3A_143, %add3A_144 : i32
            %get3A = arith.index_cast %add3A_145 : i32 to index
            %get3A_146 = tpu.vector_load %arg6[%get3A] {strides = array<i32>} : memref<6400xi32, #tpu.memory_space<vmem>>, vector<16xi32>,
            %mul3A_147 = arith.constant 128 : i32
            %mul3A_148 = arith.muli %sub3A_141, %mul3A_147 : i32
            %add3A_149 = arith.constant 0 : i32
            %add3A_150 = arith.addi %mul3A_148, %add3A_149 : i32
            %get3A_151 = arith.index_cast %add3A_150 : i32 to index
            %get3A_152 = tpu.vector_load %arg7[%get3A_151] {strides = array<i32>} : memref<6400xi32, #tpu.memory_space<vmem>>, vector<16xi32>,
            %add3A_153 = arith.addi %get3A_146, %get3A_152 : vector<16xi32>
            %swap3A = arith.index_cast %scan3A_117 : i32 to index
            %swap3A_154 = arith.constant 0 : index
            %swap3A_155 = tpu.vector_load %arg8[%swap3A, %swap3A_154] {strides = array<i32>} : memref<25x128xi32, #tpu.memory_space<vmem>>, vector<16xi32>,
            tpu.vector_store %arg8[%swap3A, %swap3A_154], %add3A_153 {strides = array<i32>} : memref<25x128xi32, #tpu.memory_space<vmem>>, vector<16xi32>,
            %mul3A_156 = arith.constant 128 : i32
            %mul3A_157 = arith.muli %select_n3A, %mul3A_156 : i32
            %add3A_158 = arith.constant 16 : i32
            %add3A_159 = arith.addi %mul3A_157, %add3A_158 : i32
            %get3A_160 = arith.index_cast %add3A_159 : i32 to index
            %get3A_161 = tpu.vector_load %arg6[%get3A_160] {strides = array<i32>} : memref<6400xi32, #tpu.memory_space<vmem>>, vector<16xi32>,
            %mul3A_162 = arith.constant 128 : i32
            %mul3A_163 = arith.muli %sub3A_141, %mul3A_162 : i32
            %add3A_164 = arith.constant 16 : i32
            %add3A_165 = arith.addi %mul3A_163, %add3A_164 : i32
            %get3A_166 = arith.index_cast %add3A_165 : i32 to index
            %get3A_167 = tpu.vector_load %arg7[%get3A_166] {strides = array<i32>} : memref<6400xi32, #tpu.memory_space<vmem>>, vector<16xi32>,
            %add3A_168 = arith.addi %get3A_161, %get3A_167 : vector<16xi32>
            %swap3A_169 = arith.index_cast %scan3A_117 : i32 to index
            %swap3A_170 = arith.constant 16 : index
            %swap3A_171 = tpu.vector_load %arg8[%swap3A_169, %swap3A_170] {strides = array<i32>} : memref<25x128xi32, #tpu.memory_space<vmem>>, vector<16xi32>,
            tpu.vector_store %arg8[%swap3A_169, %swap3A_170], %add3A_168 {strides = array<i32>} : memref<25x128xi32, #tpu.memory_space<vmem>>, vector<16xi32>,
            %mul3A_172 = arith.constant 128 : i32
            %mul3A_173 = arith.muli %select_n3A, %mul3A_172 : i32
            %add3A_174 = arith.constant 32 : i32
            %add3A_175 = arith.addi %mul3A_173, %add3A_174 : i32
            %get3A_176 = arith.index_cast %add3A_175 : i32 to index
            %get3A_177 = tpu.vector_load %arg6[%get3A_176] {strides = array<i32>} : memref<6400xi32, #tpu.memory_space<vmem>>, vector<16xi32>,
            %mul3A_178 = arith.constant 128 : i32
            %mul3A_179 = arith.muli %sub3A_141, %mul3A_178 : i32
            %add3A_180 = arith.constant 32 : i32
            %add3A_181 = arith.addi %mul3A_179, %add3A_180 : i32
            %get3A_182 = arith.index_cast %add3A_181 : i32 to index
            %get3A_183 = tpu.vector_load %arg7[%get3A_182] {strides = array<i32>} : memref<6400xi32, #tpu.memory_space<vmem>>, vector<16xi32>,
            %add3A_184 = arith.addi %get3A_177, %get3A_183 : vector<16xi32>
            %swap3A_185 = arith.index_cast %scan3A_117 : i32 to index
            %swap3A_186 = arith.constant 32 : index
            %swap3A_187 = tpu.vector_load %arg8[%swap3A_185, %swap3A_186] {strides = array<i32>} : memref<25x128xi32, #tpu.memory_space<vmem>>, vector<16xi32>,
            tpu.vector_store %arg8[%swap3A_185, %swap3A_186], %add3A_184 {strides = array<i32>} : memref<25x128xi32, #tpu.memory_space<vmem>>, vector<16xi32>,
            %mul3A_188 = arith.constant 128 : i32
            %mul3A_189 = arith.muli %select_n3A, %mul3A_188 : i32
            %add3A_190 = arith.constant 48 : i32
            %add3A_191 = arith.addi %mul3A_189, %add3A_190 : i32
            %get3A_192 = arith.index_cast %add3A_191 : i32 to index
            %get3A_193 = tpu.vector_load %arg6[%get3A_192] {strides = array<i32>} : memref<6400xi32, #tpu.memory_space<vmem>>, vector<16xi32>,
            %mul3A_194 = arith.constant 128 : i32
            %mul3A_195 = arith.muli %sub3A_141, %mul3A_194 : i32
            %add3A_196 = arith.constant 48 : i32
            %add3A_197 = arith.addi %mul3A_195, %add3A_196 : i32
            %get3A_198 = arith.index_cast %add3A_197 : i32 to index
            %get3A_199 = tpu.vector_load %arg7[%get3A_198] {strides = array<i32>} : memref<6400xi32, #tpu.memory_space<vmem>>, vector<16xi32>,
            %add3A_200 = arith.addi %get3A_193, %get3A_199 : vector<16xi32>
            %swap3A_201 = arith.index_cast %scan3A_117 : i32 to index
            %swap3A_202 = arith.constant 48 : index
            %swap3A_203 = tpu.vector_load %arg8[%swap3A_201, %swap3A_202] {strides = array<i32>} : memref<25x128xi32, #tpu.memory_space<vmem>>, vector<16xi32>,
            tpu.vector_store %arg8[%swap3A_201, %swap3A_202], %add3A_200 {strides = array<i32>} : memref<25x128xi32, #tpu.memory_space<vmem>>, vector<16xi32>,
            %mul3A_204 = arith.constant 128 : i32
            %mul3A_205 = arith.muli %select_n3A, %mul3A_204 : i32
            %add3A_206 = arith.constant 64 : i32
            %add3A_207 = arith.addi %mul3A_205, %add3A_206 : i32
            %get3A_208 = arith.index_cast %add3A_207 : i32 to index
            %get3A_209 = tpu.vector_load %arg6[%get3A_208] {strides = array<i32>} : memref<6400xi32, #tpu.memory_space<vmem>>, vector<16xi32>,
            %mul3A_210 = arith.constant 128 : i32
            %mul3A_211 = arith.muli %sub3A_141, %mul3A_210 : i32
            %add3A_212 = arith.constant 64 : i32
            %add3A_213 = arith.addi %mul3A_211, %add3A_212 : i32
            %get3A_214 = arith.index_cast %add3A_213 : i32 to index
            %get3A_215 = tpu.vector_load %arg7[%get3A_214] {strides = array<i32>} : memref<6400xi32, #tpu.memory_space<vmem>>, vector<16xi32>,
            %add3A_216 = arith.addi %get3A_209, %get3A_215 : vector<16xi32>
            %swap3A_217 = arith.index_cast %scan3A_117 : i32 to index
            %swap3A_218 = arith.constant 64 : index
            %swap3A_219 = tpu.vector_load %arg8[%swap3A_217, %swap3A_218] {strides = array<i32>} : memref<25x128xi32, #tpu.memory_space<vmem>>, vector<16xi32>,
            tpu.vector_store %arg8[%swap3A_217, %swap3A_218], %add3A_216 {strides = array<i32>} : memref<25x128xi32, #tpu.memory_space<vmem>>, vector<16xi32>,
            %mul3A_220 = arith.constant 128 : i32
            %mul3A_221 = arith.muli %select_n3A, %mul3A_220 : i32
            %add3A_222 = arith.constant 80 : i32
            %add3A_223 = arith.addi %mul3A_221, %add3A_222 : i32
            %get3A_224 = arith.index_cast %add3A_223 : i32 to index
            %get3A_225 = tpu.vector_load %arg6[%get3A_224] {strides = array<i32>} : memref<6400xi32, #tpu.memory_space<vmem>>, vector<16xi32>,
            %mul3A_226 = arith.constant 128 : i32
            %mul3A_227 = arith.muli %sub3A_141, %mul3A_226 : i32
            %add3A_228 = arith.constant 80 : i32
            %add3A_229 = arith.addi %mul3A_227, %add3A_228 : i32
            %get3A_230 = arith.index_cast %add3A_229 : i32 to index
            %get3A_231 = tpu.vector_load %arg7[%get3A_230] {strides = array<i32>} : memref<6400xi32, #tpu.memory_space<vmem>>, vector<16xi32>,
            %add3A_232 = arith.addi %get3A_225, %get3A_231 : vector<16xi32>
            %swap3A_233 = arith.index_cast %scan3A_117 : i32 to index
            %swap3A_234 = arith.constant 80 : index
            %swap3A_235 = tpu.vector_load %arg8[%swap3A_233, %swap3A_234] {strides = array<i32>} : memref<25x128xi32, #tpu.memory_space<vmem>>, vector<16xi32>,
            tpu.vector_store %arg8[%swap3A_233, %swap3A_234], %add3A_232 {strides = array<i32>} : memref<25x128xi32, #tpu.memory_space<vmem>>, vector<16xi32>,
            %mul3A_236 = arith.constant 128 : i32
            %mul3A_237 = arith.muli %select_n3A, %mul3A_236 : i32
            %add3A_238 = arith.constant 96 : i32
            %add3A_239 = arith.addi %mul3A_237, %add3A_238 : i32
            %get3A_240 = arith.index_cast %add3A_239 : i32 to index
            %get3A_241 = tpu.vector_load %arg6[%get3A_240] {strides = array<i32>} : memref<6400xi32, #tpu.memory_space<vmem>>, vector<16xi32>,
            %mul3A_242 = arith.constant 128 : i32
            %mul3A_243 = arith.muli %sub3A_141, %mul3A_242 : i32
            %add3A_244 = arith.constant 96 : i32
            %add3A_245 = arith.addi %mul3A_243, %add3A_244 : i32
            %get3A_246 = arith.index_cast %add3A_245 : i32 to index
            %get3A_247 = tpu.vector_load %arg7[%get3A_246] {strides = array<i32>} : memref<6400xi32, #tpu.memory_space<vmem>>, vector<16xi32>,
            %add3A_248 = arith.addi %get3A_241, %get3A_247 : vector<16xi32>
            %swap3A_249 = arith.index_cast %scan3A_117 : i32 to index
            %swap3A_250 = arith.constant 96 : index
            %swap3A_251 = tpu.vector_load %arg8[%swap3A_249, %swap3A_250] {strides = array<i32>} : memref<25x128xi32, #tpu.memory_space<vmem>>, vector<16xi32>,
            tpu.vector_store %arg8[%swap3A_249, %swap3A_250], %add3A_248 {strides = array<i32>} : memref<25x128xi32, #tpu.memory_space<vmem>>, vector<16xi32>,
            %mul3A_252 = arith.constant 128 : i32
            %mul3A_253 = arith.muli %select_n3A, %mul3A_252 : i32
            %add3A_254 = arith.constant 112 : i32
            %add3A_255 = arith.addi %mul3A_253, %add3A_254 : i32
            %get3A_256 = arith.index_cast %add3A_255 : i32 to index
            %get3A_257 = tpu.vector_load %arg6[%get3A_256] {strides = array<i32>} : memref<6400xi32, #tpu.memory_space<vmem>>, vector<16xi32>,
            %mul3A_258 = arith.constant 128 : i32
            %mul3A_259 = arith.muli %sub3A_141, %mul3A_258 : i32
            %add3A_260 = arith.constant 112 : i32
            %add3A_261 = arith.addi %mul3A_259, %add3A_260 : i32
            %get3A_262 = arith.index_cast %add3A_261 : i32 to index
            %get3A_263 = tpu.vector_load %arg7[%get3A_262] {strides = array<i32>} : memref<6400xi32, #tpu.memory_space<vmem>>, vector<16xi32>,
            %add3A_264 = arith.addi %get3A_257, %get3A_263 : vector<16xi32>
            %swap3A_265 = arith.index_cast %scan3A_117 : i32 to index
            %swap3A_266 = arith.constant 112 : index
            %swap3A_267 = tpu.vector_load %arg8[%swap3A_265, %swap3A_266] {strides = array<i32>} : memref<25x128xi32, #tpu.memory_space<vmem>>, vector<16xi32>,
            tpu.vector_store %arg8[%swap3A_265, %swap3A_266], %add3A_264 {strides = array<i32>} : memref<25x128xi32, #tpu.memory_space<vmem>>, vector<16xi32>,
            %dma_start3A_268 = arith.constant 0 : i32
            %dma_start3A_269 = tpu.memref_slice %arg10[%scan3A_117, %dma_start3A_268] : memref<25x128xi32, #tpu.memory_space<vmem>> -> memref<1x128xi32, #tpu.memory_space<vmem>>
            %dma_start3A_270 = tpu.memref_squeeze %dma_start3A_269 : memref<1x128xi32, #tpu.memory_space<vmem>> -> memref<128xi32, #tpu.memory_space<vmem>>
            %dma_start3A_271 = arith.constant 0 : i32
            %dma_start3A_272 = tpu.memref_slice %arg8[%scan3A_117, %dma_start3A_271] : memref<25x128xi32, #tpu.memory_space<vmem>> -> memref<1x128xi32, #tpu.memory_space<vmem>>
            %dma_start3A_273 = tpu.memref_squeeze %dma_start3A_272 : memref<1x128xi32, #tpu.memory_space<vmem>> -> memref<128xi32, #tpu.memory_space<vmem>>
            %dma_start3A_274 = arith.constant 0 : i32
            %dma_start3A_275 = tpu.memref_slice %arg3[%dma_start3A_274] : memref<100000000xi32, #tpu.memory_space<hbm>> -> memref<100000000xi32, #tpu.memory_space<hbm>>
            tpu.enqueue_indirect_dma source(%dma_start3A_275 : memref<100000000xi32, #tpu.memory_space<hbm>>) target(%dma_start3A_270 : memref<128xi32, #tpu.memory_space<vmem>>) offsets(%dma_start3A_273 : memref<128xi32, #tpu.memory_space<vmem>>) semaphore(%arg14 : memref<!tpu.dma_semaphore, #tpu.memory_space<semaphore_mem>>)
          }
          %scan3A_116 = arith.constant 25 : i32
        } else {
        }
      } else {
      }
      %mul3A_63 = arith.constant 2 : i32
      %mul3A_64 = arith.muli %scan3A_56, %mul3A_63 : i32
      %add3A_65 = arith.constant 1 : i32
      %add3A_66 = arith.addi %mul3A_64, %add3A_65 : i32
      %lt3A_67 = arith.constant 25 : i32
      %lt3A_68 = arith.cmpi slt, %add3A_66, %lt3A_67 : i32
      %convert_element_type3A_69 = arith.extui %lt3A_68 : i1 to i32
      %cond3A_70 = arith.constant 0 : i32
      %cond3A_71 = arith.cmpi ne, %convert_element_type3A_69, %cond3A_70 : i32
      scf.if %cond3A_71 {
        %dma_wait3A_72 = arith.constant 0 : i32
        %dma_wait3A_73 = arith.constant 0 : i32
        %dma_wait3A_74 = arith.constant 0 : i32
        %dma_wait3A_75 = arith.constant 0 : i32
        %dma_wait3A_76 = tpu.memref_slice %arg4[%dma_wait3A_74, %dma_wait3A_72, %dma_wait3A_73, %dma_wait3A_75] : memref<2500x8x8x128xi32, #tpu.memory_space<hbm>> -> memref<25x1x1x128xi32, #tpu.memory_space<hbm>>
        %dma_wait3A_77 = tpu.memref_squeeze %dma_wait3A_76 : memref<25x1x1x128xi32, #tpu.memory_space<hbm>> -> memref<25x128xi32, #tpu.memory_space<hbm>>
        %dma_wait3A_78 = arith.constant 0 : i32
        %dma_wait3A_79 = arith.constant 0 : i32
        %dma_wait3A_80 = tpu.memref_slice %arg4[%dma_wait3A_78, %dma_wait3A_72, %dma_wait3A_73, %dma_wait3A_79] : memref<2500x8x8x128xi32, #tpu.memory_space<hbm>> -> memref<25x1x1x128xi32, #tpu.memory_space<hbm>>
        %dma_wait3A_81 = tpu.memref_squeeze %dma_wait3A_80 : memref<25x1x1x128xi32, #tpu.memory_space<hbm>> -> memref<25x128xi32, #tpu.memory_space<hbm>>
        tpu.wait_dma2 semaphore(%arg14 : memref<!tpu.dma_semaphore, #tpu.memory_space<semaphore_mem>>) src(%dma_wait3A_81 : memref<25x128xi32, #tpu.memory_space<hbm>>) dst(%arg11 : memref<25x128xi32, #tpu.memory_space<vmem>>)
        %gt3A = arith.constant 0 : i32
        %gt3A_82 = arith.cmpi sgt, %scan3A_56, %gt3A : i32
        %convert_element_type3A_83 = arith.extui %gt3A_82 : i1 to i32
        %cond3A_84 = arith.constant 0 : i32
        %cond3A_85 = arith.cmpi ne, %convert_element_type3A_83, %cond3A_84 : i32
        scf.if %cond3A_85 {
          %dma_wait3A_109 = arith.constant 0 : i32
          %dma_wait3A_110 = arith.constant 0 : i32
          %dma_wait3A_111 = arith.constant 0 : i32
          %dma_wait3A_112 = arith.constant 0 : i32
          %dma_wait3A_113 = tpu.memref_slice %arg4[%dma_wait3A_110, %dma_wait3A_109, %dma_wait3A_111, %dma_wait3A_112] : memref<2500x8x8x128xi32, #tpu.memory_space<hbm>> -> memref<25x1x8x128xi32, #tpu.memory_space<hbm>>
          %dma_wait3A_114 = tpu.memref_squeeze %dma_wait3A_113 : memref<25x1x8x128xi32, #tpu.memory_space<hbm>> -> memref<25x8x128xi32, #tpu.memory_space<hbm>>
          %dma_wait3A_115 = arith.constant 0 : i32
          %dma_wait3A_116 = arith.constant 0 : i32
          %dma_wait3A_117 = arith.constant 0 : i32
          %dma_wait3A_118 = tpu.memref_slice %arg4[%dma_wait3A_115, %dma_wait3A_109, %dma_wait3A_116, %dma_wait3A_117] : memref<2500x8x8x128xi32, #tpu.memory_space<hbm>> -> memref<25x1x8x128xi32, #tpu.memory_space<hbm>>
          %dma_wait3A_119 = tpu.memref_squeeze %dma_wait3A_118 : memref<25x1x8x128xi32, #tpu.memory_space<hbm>> -> memref<25x8x128xi32, #tpu.memory_space<hbm>>
          tpu.wait_dma2 semaphore(%arg15 : memref<!tpu.dma_semaphore, #tpu.memory_space<semaphore_mem>>) src(%arg13 : memref<25x8x128xi32, #tpu.memory_space<vmem>>) dst(%dma_wait3A_119 : memref<25x8x128xi32, #tpu.memory_space<hbm>>)
        } else {
        }
        %scan3A_86 = arith.constant 0 : i32
        %scan3A_87 = arith.constant 0 : i32
        %scan3A_88 = arith.constant 25 : i32
        %scan3A_89 = arith.addi %scan3A_87, %scan3A_88 : i32
        %scan3A_90 = arith.constant 1 : i32
        scf.for %scan3A_109 = %scan3A_87 to %scan3A_89 step %scan3A_90  : i32 {
          %get3A = arith.index_cast %scan3A_109 : i32 to index
          %get3A_110 = arith.constant 0 : index
          %get3A_111 = tpu.vector_load %arg11[%get3A, %get3A_110] {strides = array<i32>} : memref<25x128xi32, #tpu.memory_space<vmem>>, vector<16xi32>,
          %swap3A = arith.constant 0 : i32
          %swap3A_112 = arith.index_cast %scan3A_109 : i32 to index
          %swap3A_113 = arith.index_cast %swap3A : i32 to index
          %swap3A_114 = arith.constant 0 : index
          %swap3A_115 = tpu.vector_load %arg13[%swap3A_112, %swap3A_113, %swap3A_114] {strides = array<i32>} : memref<25x8x128xi32, #tpu.memory_space<vmem>>, vector<16xi32>,
          tpu.vector_store %arg13[%swap3A_112, %swap3A_113, %swap3A_114], %get3A_111 {strides = array<i32>} : memref<25x8x128xi32, #tpu.memory_space<vmem>>, vector<16xi32>,
          %swap3A_116 = arith.constant 1 : i32
          %swap3A_117 = arith.index_cast %scan3A_109 : i32 to index
          %swap3A_118 = arith.index_cast %swap3A_116 : i32 to index
          %swap3A_119 = arith.constant 0 : index
          %swap3A_120 = tpu.vector_load %arg13[%swap3A_117, %swap3A_118, %swap3A_119] {strides = array<i32>} : memref<25x8x128xi32, #tpu.memory_space<vmem>>, vector<16xi32>,
          tpu.vector_store %arg13[%swap3A_117, %swap3A_118, %swap3A_119], %get3A_111 {strides = array<i32>} : memref<25x8x128xi32, #tpu.memory_space<vmem>>, vector<16xi32>,
          %swap3A_121 = arith.constant 2 : i32
          %swap3A_122 = arith.index_cast %scan3A_109 : i32 to index
          %swap3A_123 = arith.index_cast %swap3A_121 : i32 to index
          %swap3A_124 = arith.constant 0 : index
          %swap3A_125 = tpu.vector_load %arg13[%swap3A_122, %swap3A_123, %swap3A_124] {strides = array<i32>} : memref<25x8x128xi32, #tpu.memory_space<vmem>>, vector<16xi32>,
          tpu.vector_store %arg13[%swap3A_122, %swap3A_123, %swap3A_124], %get3A_111 {strides = array<i32>} : memref<25x8x128xi32, #tpu.memory_space<vmem>>, vector<16xi32>,
          %swap3A_126 = arith.constant 3 : i32
          %swap3A_127 = arith.index_cast %scan3A_109 : i32 to index
          %swap3A_128 = arith.index_cast %swap3A_126 : i32 to index
          %swap3A_129 = arith.constant 0 : index
          %swap3A_130 = tpu.vector_load %arg13[%swap3A_127, %swap3A_128, %swap3A_129] {strides = array<i32>} : memref<25x8x128xi32, #tpu.memory_space<vmem>>, vector<16xi32>,
          tpu.vector_store %arg13[%swap3A_127, %swap3A_128, %swap3A_129], %get3A_111 {strides = array<i32>} : memref<25x8x128xi32, #tpu.memory_space<vmem>>, vector<16xi32>,
          %swap3A_131 = arith.constant 4 : i32
          %swap3A_132 = arith.index_cast %scan3A_109 : i32 to index
          %swap3A_133 = arith.index_cast %swap3A_131 : i32 to index
          %swap3A_134 = arith.constant 0 : index
          %swap3A_135 = tpu.vector_load %arg13[%swap3A_132, %swap3A_133, %swap3A_134] {strides = array<i32>} : memref<25x8x128xi32, #tpu.memory_space<vmem>>, vector<16xi32>,
          tpu.vector_store %arg13[%swap3A_132, %swap3A_133, %swap3A_134], %get3A_111 {strides = array<i32>} : memref<25x8x128xi32, #tpu.memory_space<vmem>>, vector<16xi32>,
          %swap3A_136 = arith.constant 5 : i32
          %swap3A_137 = arith.index_cast %scan3A_109 : i32 to index
          %swap3A_138 = arith.index_cast %swap3A_136 : i32 to index
          %swap3A_139 = arith.constant 0 : index
          %swap3A_140 = tpu.vector_load %arg13[%swap3A_137, %swap3A_138, %swap3A_139] {strides = array<i32>} : memref<25x8x128xi32, #tpu.memory_space<vmem>>, vector<16xi32>,
          tpu.vector_store %arg13[%swap3A_137, %swap3A_138, %swap3A_139], %get3A_111 {strides = array<i32>} : memref<25x8x128xi32, #tpu.memory_space<vmem>>, vector<16xi32>,
          %swap3A_141 = arith.constant 6 : i32
          %swap3A_142 = arith.index_cast %scan3A_109 : i32 to index
          %swap3A_143 = arith.index_cast %swap3A_141 : i32 to index
          %swap3A_144 = arith.constant 0 : index
          %swap3A_145 = tpu.vector_load %arg13[%swap3A_142, %swap3A_143, %swap3A_144] {strides = array<i32>} : memref<25x8x128xi32, #tpu.memory_space<vmem>>, vector<16xi32>,
          tpu.vector_store %arg13[%swap3A_142, %swap3A_143, %swap3A_144], %get3A_111 {strides = array<i32>} : memref<25x8x128xi32, #tpu.memory_space<vmem>>, vector<16xi32>,
          %swap3A_146 = arith.constant 7 : i32
          %swap3A_147 = arith.index_cast %scan3A_109 : i32 to index
          %swap3A_148 = arith.index_cast %swap3A_146 : i32 to index
          %swap3A_149 = arith.constant 0 : index
          %swap3A_150 = tpu.vector_load %arg13[%swap3A_147, %swap3A_148, %swap3A_149] {strides = array<i32>} : memref<25x8x128xi32, #tpu.memory_space<vmem>>, vector<16xi32>,
          tpu.vector_store %arg13[%swap3A_147, %swap3A_148, %swap3A_149], %get3A_111 {strides = array<i32>} : memref<25x8x128xi32, #tpu.memory_space<vmem>>, vector<16xi32>,
          %get3A_151 = arith.index_cast %scan3A_109 : i32 to index
          %get3A_152 = arith.constant 16 : index
          %get3A_153 = tpu.vector_load %arg11[%get3A_151, %get3A_152] {strides = array<i32>} : memref<25x128xi32, #tpu.memory_space<vmem>>, vector<16xi32>,
          %swap3A_154 = arith.constant 0 : i32
          %swap3A_155 = arith.index_cast %scan3A_109 : i32 to index
          %swap3A_156 = arith.index_cast %swap3A_154 : i32 to index
          %swap3A_157 = arith.constant 16 : index
          %swap3A_158 = tpu.vector_load %arg13[%swap3A_155, %swap3A_156, %swap3A_157] {strides = array<i32>} : memref<25x8x128xi32, #tpu.memory_space<vmem>>, vector<16xi32>,
          tpu.vector_store %arg13[%swap3A_155, %swap3A_156, %swap3A_157], %get3A_153 {strides = array<i32>} : memref<25x8x128xi32, #tpu.memory_space<vmem>>, vector<16xi32>,
          %swap3A_159 = arith.constant 1 : i32
          %swap3A_160 = arith.index_cast %scan3A_109 : i32 to index
          %swap3A_161 = arith.index_cast %swap3A_159 : i32 to index
          %swap3A_162 = arith.constant 16 : index
          %swap3A_163 = tpu.vector_load %arg13[%swap3A_160, %swap3A_161, %swap3A_162] {strides = array<i32>} : memref<25x8x128xi32, #tpu.memory_space<vmem>>, vector<16xi32>,
          tpu.vector_store %arg13[%swap3A_160, %swap3A_161, %swap3A_162], %get3A_153 {strides = array<i32>} : memref<25x8x128xi32, #tpu.memory_space<vmem>>, vector<16xi32>,
          %swap3A_164 = arith.constant 2 : i32
          %swap3A_165 = arith.index_cast %scan3A_109 : i32 to index
          %swap3A_166 = arith.index_cast %swap3A_164 : i32 to index
          %swap3A_167 = arith.constant 16 : index
          %swap3A_168 = tpu.vector_load %arg13[%swap3A_165, %swap3A_166, %swap3A_167] {strides = array<i32>} : memref<25x8x128xi32, #tpu.memory_space<vmem>>, vector<16xi32>,
          tpu.vector_store %arg13[%swap3A_165, %swap3A_166, %swap3A_167], %get3A_153 {strides = array<i32>} : memref<25x8x128xi32, #tpu.memory_space<vmem>>, vector<16xi32>,
          %swap3A_169 = arith.constant 3 : i32
          %swap3A_170 = arith.index_cast %scan3A_109 : i32 to index
          %swap3A_171 = arith.index_cast %swap3A_169 : i32 to index
          %swap3A_172 = arith.constant 16 : index
          %swap3A_173 = tpu.vector_load %arg13[%swap3A_170, %swap3A_171, %swap3A_172] {strides = array<i32>} : memref<25x8x128xi32, #tpu.memory_space<vmem>>, vector<16xi32>,
          tpu.vector_store %arg13[%swap3A_170, %swap3A_171, %swap3A_172], %get3A_153 {strides = array<i32>} : memref<25x8x128xi32, #tpu.memory_space<vmem>>, vector<16xi32>,
          %swap3A_174 = arith.constant 4 : i32
          %swap3A_175 = arith.index_cast %scan3A_109 : i32 to index
          %swap3A_176 = arith.index_cast %swap3A_174 : i32 to index
          %swap3A_177 = arith.constant 16 : index
          %swap3A_178 = tpu.vector_load %arg13[%swap3A_175, %swap3A_176, %swap3A_177] {strides = array<i32>} : memref<25x8x128xi32, #tpu.memory_space<vmem>>, vector<16xi32>,
          tpu.vector_store %arg13[%swap3A_175, %swap3A_176, %swap3A_177], %get3A_153 {strides = array<i32>} : memref<25x8x128xi32, #tpu.memory_space<vmem>>, vector<16xi32>,
          %swap3A_179 = arith.constant 5 : i32
          %swap3A_180 = arith.index_cast %scan3A_109 : i32 to index
          %swap3A_181 = arith.index_cast %swap3A_179 : i32 to index
          %swap3A_182 = arith.constant 16 : index
          %swap3A_183 = tpu.vector_load %arg13[%swap3A_180, %swap3A_181, %swap3A_182] {strides = array<i32>} : memref<25x8x128xi32, #tpu.memory_space<vmem>>, vector<16xi32>,
          tpu.vector_store %arg13[%swap3A_180, %swap3A_181, %swap3A_182], %get3A_153 {strides = array<i32>} : memref<25x8x128xi32, #tpu.memory_space<vmem>>, vector<16xi32>,
          %swap3A_184 = arith.constant 6 : i32
          %swap3A_185 = arith.index_cast %scan3A_109 : i32 to index
          %swap3A_186 = arith.index_cast %swap3A_184 : i32 to index
          %swap3A_187 = arith.constant 16 : index
          %swap3A_188 = tpu.vector_load %arg13[%swap3A_185, %swap3A_186, %swap3A_187] {strides = array<i32>} : memref<25x8x128xi32, #tpu.memory_space<vmem>>, vector<16xi32>,
          tpu.vector_store %arg13[%swap3A_185, %swap3A_186, %swap3A_187], %get3A_153 {strides = array<i32>} : memref<25x8x128xi32, #tpu.memory_space<vmem>>, vector<16xi32>,
          %swap3A_189 = arith.constant 7 : i32
          %swap3A_190 = arith.index_cast %scan3A_109 : i32 to index
          %swap3A_191 = arith.index_cast %swap3A_189 : i32 to index
          %swap3A_192 = arith.constant 16 : index
          %swap3A_193 = tpu.vector_load %arg13[%swap3A_190, %swap3A_191, %swap3A_192] {strides = array<i32>} : memref<25x8x128xi32, #tpu.memory_space<vmem>>, vector<16xi32>,
          tpu.vector_store %arg13[%swap3A_190, %swap3A_191, %swap3A_192], %get3A_153 {strides = array<i32>} : memref<25x8x128xi32, #tpu.memory_space<vmem>>, vector<16xi32>,
          %get3A_194 = arith.index_cast %scan3A_109 : i32 to index
          %get3A_195 = arith.constant 32 : index
          %get3A_196 = tpu.vector_load %arg11[%get3A_194, %get3A_195] {strides = array<i32>} : memref<25x128xi32, #tpu.memory_space<vmem>>, vector<16xi32>,
          %swap3A_197 = arith.constant 0 : i32
          %swap3A_198 = arith.index_cast %scan3A_109 : i32 to index
          %swap3A_199 = arith.index_cast %swap3A_197 : i32 to index
          %swap3A_200 = arith.constant 32 : index
          %swap3A_201 = tpu.vector_load %arg13[%swap3A_198, %swap3A_199, %swap3A_200] {strides = array<i32>} : memref<25x8x128xi32, #tpu.memory_space<vmem>>, vector<16xi32>,
          tpu.vector_store %arg13[%swap3A_198, %swap3A_199, %swap3A_200], %get3A_196 {strides = array<i32>} : memref<25x8x128xi32, #tpu.memory_space<vmem>>, vector<16xi32>,
          %swap3A_202 = arith.constant 1 : i32
          %swap3A_203 = arith.index_cast %scan3A_109 : i32 to index
          %swap3A_204 = arith.index_cast %swap3A_202 : i32 to index
          %swap3A_205 = arith.constant 32 : index
          %swap3A_206 = tpu.vector_load %arg13[%swap3A_203, %swap3A_204, %swap3A_205] {strides = array<i32>} : memref<25x8x128xi32, #tpu.memory_space<vmem>>, vector<16xi32>,
          tpu.vector_store %arg13[%swap3A_203, %swap3A_204, %swap3A_205], %get3A_196 {strides = array<i32>} : memref<25x8x128xi32, #tpu.memory_space<vmem>>, vector<16xi32>,
          %swap3A_207 = arith.constant 2 : i32
          %swap3A_208 = arith.index_cast %scan3A_109 : i32 to index
          %swap3A_209 = arith.index_cast %swap3A_207 : i32 to index
          %swap3A_210 = arith.constant 32 : index
          %swap3A_211 = tpu.vector_load %arg13[%swap3A_208, %swap3A_209, %swap3A_210] {strides = array<i32>} : memref<25x8x128xi32, #tpu.memory_space<vmem>>, vector<16xi32>,
          tpu.vector_store %arg13[%swap3A_208, %swap3A_209, %swap3A_210], %get3A_196 {strides = array<i32>} : memref<25x8x128xi32, #tpu.memory_space<vmem>>, vector<16xi32>,
          %swap3A_212 = arith.constant 3 : i32
          %swap3A_213 = arith.index_cast %scan3A_109 : i32 to index
          %swap3A_214 = arith.index_cast %swap3A_212 : i32 to index
          %swap3A_215 = arith.constant 32 : index
          %swap3A_216 = tpu.vector_load %arg13[%swap3A_213, %swap3A_214, %swap3A_215] {strides = array<i32>} : memref<25x8x128xi32, #tpu.memory_space<vmem>>, vector<16xi32>,
          tpu.vector_store %arg13[%swap3A_213, %swap3A_214, %swap3A_215], %get3A_196 {strides = array<i32>} : memref<25x8x128xi32, #tpu.memory_space<vmem>>, vector<16xi32>,
          %swap3A_217 = arith.constant 4 : i32
          %swap3A_218 = arith.index_cast %scan3A_109 : i32 to index
          %swap3A_219 = arith.index_cast %swap3A_217 : i32 to index
          %swap3A_220 = arith.constant 32 : index
          %swap3A_221 = tpu.vector_load %arg13[%swap3A_218, %swap3A_219, %swap3A_220] {strides = array<i32>} : memref<25x8x128xi32, #tpu.memory_space<vmem>>, vector<16xi32>,
          tpu.vector_store %arg13[%swap3A_218, %swap3A_219, %swap3A_220], %get3A_196 {strides = array<i32>} : memref<25x8x128xi32, #tpu.memory_space<vmem>>, vector<16xi32>,
          %swap3A_222 = arith.constant 5 : i32
          %swap3A_223 = arith.index_cast %scan3A_109 : i32 to index
          %swap3A_224 = arith.index_cast %swap3A_222 : i32 to index
          %swap3A_225 = arith.constant 32 : index
          %swap3A_226 = tpu.vector_load %arg13[%swap3A_223, %swap3A_224, %swap3A_225] {strides = array<i32>} : memref<25x8x128xi32, #tpu.memory_space<vmem>>, vector<16xi32>,
          tpu.vector_store %arg13[%swap3A_223, %swap3A_224, %swap3A_225], %get3A_196 {strides = array<i32>} : memref<25x8x128xi32, #tpu.memory_space<vmem>>, vector<16xi32>,
          %swap3A_227 = arith.constant 6 : i32
          %swap3A_228 = arith.index_cast %scan3A_109 : i32 to index
          %swap3A_229 = arith.index_cast %swap3A_227 : i32 to index
          %swap3A_230 = arith.constant 32 : index
          %swap3A_231 = tpu.vector_load %arg13[%swap3A_228, %swap3A_229, %swap3A_230] {strides = array<i32>} : memref<25x8x128xi32, #tpu.memory_space<vmem>>, vector<16xi32>,
          tpu.vector_store %arg13[%swap3A_228, %swap3A_229, %swap3A_230], %get3A_196 {strides = array<i32>} : memref<25x8x128xi32, #tpu.memory_space<vmem>>, vector<16xi32>,
          %swap3A_232 = arith.constant 7 : i32
          %swap3A_233 = arith.index_cast %scan3A_109 : i32 to index
          %swap3A_234 = arith.index_cast %swap3A_232 : i32 to index
          %swap3A_235 = arith.constant 32 : index
          %swap3A_236 = tpu.vector_load %arg13[%swap3A_233, %swap3A_234, %swap3A_235] {strides = array<i32>} : memref<25x8x128xi32, #tpu.memory_space<vmem>>, vector<16xi32>,
          tpu.vector_store %arg13[%swap3A_233, %swap3A_234, %swap3A_235], %get3A_196 {strides = array<i32>} : memref<25x8x128xi32, #tpu.memory_space<vmem>>, vector<16xi32>,
          %get3A_237 = arith.index_cast %scan3A_109 : i32 to index
          %get3A_238 = arith.constant 48 : index
          %get3A_239 = tpu.vector_load %arg11[%get3A_237, %get3A_238] {strides = array<i32>} : memref<25x128xi32, #tpu.memory_space<vmem>>, vector<16xi32>,
          %swap3A_240 = arith.constant 0 : i32
          %swap3A_241 = arith.index_cast %scan3A_109 : i32 to index
          %swap3A_242 = arith.index_cast %swap3A_240 : i32 to index
          %swap3A_243 = arith.constant 48 : index
          %swap3A_244 = tpu.vector_load %arg13[%swap3A_241, %swap3A_242, %swap3A_243] {strides = array<i32>} : memref<25x8x128xi32, #tpu.memory_space<vmem>>, vector<16xi32>,
          tpu.vector_store %arg13[%swap3A_241, %swap3A_242, %swap3A_243], %get3A_239 {strides = array<i32>} : memref<25x8x128xi32, #tpu.memory_space<vmem>>, vector<16xi32>,
          %swap3A_245 = arith.constant 1 : i32
          %swap3A_246 = arith.index_cast %scan3A_109 : i32 to index
          %swap3A_247 = arith.index_cast %swap3A_245 : i32 to index
          %swap3A_248 = arith.constant 48 : index
          %swap3A_249 = tpu.vector_load %arg13[%swap3A_246, %swap3A_247, %swap3A_248] {strides = array<i32>} : memref<25x8x128xi32, #tpu.memory_space<vmem>>, vector<16xi32>,
          tpu.vector_store %arg13[%swap3A_246, %swap3A_247, %swap3A_248], %get3A_239 {strides = array<i32>} : memref<25x8x128xi32, #tpu.memory_space<vmem>>, vector<16xi32>,
          %swap3A_250 = arith.constant 2 : i32
          %swap3A_251 = arith.index_cast %scan3A_109 : i32 to index
          %swap3A_252 = arith.index_cast %swap3A_250 : i32 to index
          %swap3A_253 = arith.constant 48 : index
          %swap3A_254 = tpu.vector_load %arg13[%swap3A_251, %swap3A_252, %swap3A_253] {strides = array<i32>} : memref<25x8x128xi32, #tpu.memory_space<vmem>>, vector<16xi32>,
          tpu.vector_store %arg13[%swap3A_251, %swap3A_252, %swap3A_253], %get3A_239 {strides = array<i32>} : memref<25x8x128xi32, #tpu.memory_space<vmem>>, vector<16xi32>,
          %swap3A_255 = arith.constant 3 : i32
          %swap3A_256 = arith.index_cast %scan3A_109 : i32 to index
          %swap3A_257 = arith.index_cast %swap3A_255 : i32 to index
          %swap3A_258 = arith.constant 48 : index
          %swap3A_259 = tpu.vector_load %arg13[%swap3A_256, %swap3A_257, %swap3A_258] {strides = array<i32>} : memref<25x8x128xi32, #tpu.memory_space<vmem>>, vector<16xi32>,
          tpu.vector_store %arg13[%swap3A_256, %swap3A_257, %swap3A_258], %get3A_239 {strides = array<i32>} : memref<25x8x128xi32, #tpu.memory_space<vmem>>, vector<16xi32>,
          %swap3A_260 = arith.constant 4 : i32
          %swap3A_261 = arith.index_cast %scan3A_109 : i32 to index
          %swap3A_262 = arith.index_cast %swap3A_260 : i32 to index
          %swap3A_263 = arith.constant 48 : index
          %swap3A_264 = tpu.vector_load %arg13[%swap3A_261, %swap3A_262, %swap3A_263] {strides = array<i32>} : memref<25x8x128xi32, #tpu.memory_space<vmem>>, vector<16xi32>,
          tpu.vector_store %arg13[%swap3A_261, %swap3A_262, %swap3A_263], %get3A_239 {strides = array<i32>} : memref<25x8x128xi32, #tpu.memory_space<vmem>>, vector<16xi32>,
          %swap3A_265 = arith.constant 5 : i32
          %swap3A_266 = arith.index_cast %scan3A_109 : i32 to index
          %swap3A_267 = arith.index_cast %swap3A_265 : i32 to index
          %swap3A_268 = arith.constant 48 : index
          %swap3A_269 = tpu.vector_load %arg13[%swap3A_266, %swap3A_267, %swap3A_268] {strides = array<i32>} : memref<25x8x128xi32, #tpu.memory_space<vmem>>, vector<16xi32>,
          tpu.vector_store %arg13[%swap3A_266, %swap3A_267, %swap3A_268], %get3A_239 {strides = array<i32>} : memref<25x8x128xi32, #tpu.memory_space<vmem>>, vector<16xi32>,
          %swap3A_270 = arith.constant 6 : i32
          %swap3A_271 = arith.index_cast %scan3A_109 : i32 to index
          %swap3A_272 = arith.index_cast %swap3A_270 : i32 to index
          %swap3A_273 = arith.constant 48 : index
          %swap3A_274 = tpu.vector_load %arg13[%swap3A_271, %swap3A_272, %swap3A_273] {strides = array<i32>} : memref<25x8x128xi32, #tpu.memory_space<vmem>>, vector<16xi32>,
          tpu.vector_store %arg13[%swap3A_271, %swap3A_272, %swap3A_273], %get3A_239 {strides = array<i32>} : memref<25x8x128xi32, #tpu.memory_space<vmem>>, vector<16xi32>,
          %swap3A_275 = arith.constant 7 : i32
          %swap3A_276 = arith.index_cast %scan3A_109 : i32 to index
          %swap3A_277 = arith.index_cast %swap3A_275 : i32 to index
          %swap3A_278 = arith.constant 48 : index
          %swap3A_279 = tpu.vector_load %arg13[%swap3A_276, %swap3A_277, %swap3A_278] {strides = array<i32>} : memref<25x8x128xi32, #tpu.memory_space<vmem>>, vector<16xi32>,
          tpu.vector_store %arg13[%swap3A_276, %swap3A_277, %swap3A_278], %get3A_239 {strides = array<i32>} : memref<25x8x128xi32, #tpu.memory_space<vmem>>, vector<16xi32>,
          %get3A_280 = arith.index_cast %scan3A_109 : i32 to index
          %get3A_281 = arith.constant 64 : index
          %get3A_282 = tpu.vector_load %arg11[%get3A_280, %get3A_281] {strides = array<i32>} : memref<25x128xi32, #tpu.memory_space<vmem>>, vector<16xi32>,
          %swap3A_283 = arith.constant 0 : i32
          %swap3A_284 = arith.index_cast %scan3A_109 : i32 to index
          %swap3A_285 = arith.index_cast %swap3A_283 : i32 to index
          %swap3A_286 = arith.constant 64 : index
          %swap3A_287 = tpu.vector_load %arg13[%swap3A_284, %swap3A_285, %swap3A_286] {strides = array<i32>} : memref<25x8x128xi32, #tpu.memory_space<vmem>>, vector<16xi32>,
          tpu.vector_store %arg13[%swap3A_284, %swap3A_285, %swap3A_286], %get3A_282 {strides = array<i32>} : memref<25x8x128xi32, #tpu.memory_space<vmem>>, vector<16xi32>,
          %swap3A_288 = arith.constant 1 : i32
          %swap3A_289 = arith.index_cast %scan3A_109 : i32 to index
          %swap3A_290 = arith.index_cast %swap3A_288 : i32 to index
          %swap3A_291 = arith.constant 64 : index
          %swap3A_292 = tpu.vector_load %arg13[%swap3A_289, %swap3A_290, %swap3A_291] {strides = array<i32>} : memref<25x8x128xi32, #tpu.memory_space<vmem>>, vector<16xi32>,
          tpu.vector_store %arg13[%swap3A_289, %swap3A_290, %swap3A_291], %get3A_282 {strides = array<i32>} : memref<25x8x128xi32, #tpu.memory_space<vmem>>, vector<16xi32>,
          %swap3A_293 = arith.constant 2 : i32
          %swap3A_294 = arith.index_cast %scan3A_109 : i32 to index
          %swap3A_295 = arith.index_cast %swap3A_293 : i32 to index
          %swap3A_296 = arith.constant 64 : index
          %swap3A_297 = tpu.vector_load %arg13[%swap3A_294, %swap3A_295, %swap3A_296] {strides = array<i32>} : memref<25x8x128xi32, #tpu.memory_space<vmem>>, vector<16xi32>,
          tpu.vector_store %arg13[%swap3A_294, %swap3A_295, %swap3A_296], %get3A_282 {strides = array<i32>} : memref<25x8x128xi32, #tpu.memory_space<vmem>>, vector<16xi32>,
          %swap3A_298 = arith.constant 3 : i32
          %swap3A_299 = arith.index_cast %scan3A_109 : i32 to index
          %swap3A_300 = arith.index_cast %swap3A_298 : i32 to index
          %swap3A_301 = arith.constant 64 : index
          %swap3A_302 = tpu.vector_load %arg13[%swap3A_299, %swap3A_300, %swap3A_301] {strides = array<i32>} : memref<25x8x128xi32, #tpu.memory_space<vmem>>, vector<16xi32>,
          tpu.vector_store %arg13[%swap3A_299, %swap3A_300, %swap3A_301], %get3A_282 {strides = array<i32>} : memref<25x8x128xi32, #tpu.memory_space<vmem>>, vector<16xi32>,
          %swap3A_303 = arith.constant 4 : i32
          %swap3A_304 = arith.index_cast %scan3A_109 : i32 to index
          %swap3A_305 = arith.index_cast %swap3A_303 : i32 to index
          %swap3A_306 = arith.constant 64 : index
          %swap3A_307 = tpu.vector_load %arg13[%swap3A_304, %swap3A_305, %swap3A_306] {strides = array<i32>} : memref<25x8x128xi32, #tpu.memory_space<vmem>>, vector<16xi32>,
          tpu.vector_store %arg13[%swap3A_304, %swap3A_305, %swap3A_306], %get3A_282 {strides = array<i32>} : memref<25x8x128xi32, #tpu.memory_space<vmem>>, vector<16xi32>,
          %swap3A_308 = arith.constant 5 : i32
          %swap3A_309 = arith.index_cast %scan3A_109 : i32 to index
          %swap3A_310 = arith.index_cast %swap3A_308 : i32 to index
          %swap3A_311 = arith.constant 64 : index
          %swap3A_312 = tpu.vector_load %arg13[%swap3A_309, %swap3A_310, %swap3A_311] {strides = array<i32>} : memref<25x8x128xi32, #tpu.memory_space<vmem>>, vector<16xi32>,
          tpu.vector_store %arg13[%swap3A_309, %swap3A_310, %swap3A_311], %get3A_282 {strides = array<i32>} : memref<25x8x128xi32, #tpu.memory_space<vmem>>, vector<16xi32>,
          %swap3A_313 = arith.constant 6 : i32
          %swap3A_314 = arith.index_cast %scan3A_109 : i32 to index
          %swap3A_315 = arith.index_cast %swap3A_313 : i32 to index
          %swap3A_316 = arith.constant 64 : index
          %swap3A_317 = tpu.vector_load %arg13[%swap3A_314, %swap3A_315, %swap3A_316] {strides = array<i32>} : memref<25x8x128xi32, #tpu.memory_space<vmem>>, vector<16xi32>,
          tpu.vector_store %arg13[%swap3A_314, %swap3A_315, %swap3A_316], %get3A_282 {strides = array<i32>} : memref<25x8x128xi32, #tpu.memory_space<vmem>>, vector<16xi32>,
          %swap3A_318 = arith.constant 7 : i32
          %swap3A_319 = arith.index_cast %scan3A_109 : i32 to index
          %swap3A_320 = arith.index_cast %swap3A_318 : i32 to index
          %swap3A_321 = arith.constant 64 : index
          %swap3A_322 = tpu.vector_load %arg13[%swap3A_319, %swap3A_320, %swap3A_321] {strides = array<i32>} : memref<25x8x128xi32, #tpu.memory_space<vmem>>, vector<16xi32>,
          tpu.vector_store %arg13[%swap3A_319, %swap3A_320, %swap3A_321], %get3A_282 {strides = array<i32>} : memref<25x8x128xi32, #tpu.memory_space<vmem>>, vector<16xi32>,
          %get3A_323 = arith.index_cast %scan3A_109 : i32 to index
          %get3A_324 = arith.constant 80 : index
          %get3A_325 = tpu.vector_load %arg11[%get3A_323, %get3A_324] {strides = array<i32>} : memref<25x128xi32, #tpu.memory_space<vmem>>, vector<16xi32>,
          %swap3A_326 = arith.constant 0 : i32
          %swap3A_327 = arith.index_cast %scan3A_109 : i32 to index
          %swap3A_328 = arith.index_cast %swap3A_326 : i32 to index
          %swap3A_329 = arith.constant 80 : index
          %swap3A_330 = tpu.vector_load %arg13[%swap3A_327, %swap3A_328, %swap3A_329] {strides = array<i32>} : memref<25x8x128xi32, #tpu.memory_space<vmem>>, vector<16xi32>,
          tpu.vector_store %arg13[%swap3A_327, %swap3A_328, %swap3A_329], %get3A_325 {strides = array<i32>} : memref<25x8x128xi32, #tpu.memory_space<vmem>>, vector<16xi32>,
          %swap3A_331 = arith.constant 1 : i32
          %swap3A_332 = arith.index_cast %scan3A_109 : i32 to index
          %swap3A_333 = arith.index_cast %swap3A_331 : i32 to index
          %swap3A_334 = arith.constant 80 : index
          %swap3A_335 = tpu.vector_load %arg13[%swap3A_332, %swap3A_333, %swap3A_334] {strides = array<i32>} : memref<25x8x128xi32, #tpu.memory_space<vmem>>, vector<16xi32>,
          tpu.vector_store %arg13[%swap3A_332, %swap3A_333, %swap3A_334], %get3A_325 {strides = array<i32>} : memref<25x8x128xi32, #tpu.memory_space<vmem>>, vector<16xi32>,
          %swap3A_336 = arith.constant 2 : i32
          %swap3A_337 = arith.index_cast %scan3A_109 : i32 to index
          %swap3A_338 = arith.index_cast %swap3A_336 : i32 to index
          %swap3A_339 = arith.constant 80 : index
          %swap3A_340 = tpu.vector_load %arg13[%swap3A_337, %swap3A_338, %swap3A_339] {strides = array<i32>} : memref<25x8x128xi32, #tpu.memory_space<vmem>>, vector<16xi32>,
          tpu.vector_store %arg13[%swap3A_337, %swap3A_338, %swap3A_339], %get3A_325 {strides = array<i32>} : memref<25x8x128xi32, #tpu.memory_space<vmem>>, vector<16xi32>,
          %swap3A_341 = arith.constant 3 : i32
          %swap3A_342 = arith.index_cast %scan3A_109 : i32 to index
          %swap3A_343 = arith.index_cast %swap3A_341 : i32 to index
          %swap3A_344 = arith.constant 80 : index
          %swap3A_345 = tpu.vector_load %arg13[%swap3A_342, %swap3A_343, %swap3A_344] {strides = array<i32>} : memref<25x8x128xi32, #tpu.memory_space<vmem>>, vector<16xi32>,
          tpu.vector_store %arg13[%swap3A_342, %swap3A_343, %swap3A_344], %get3A_325 {strides = array<i32>} : memref<25x8x128xi32, #tpu.memory_space<vmem>>, vector<16xi32>,
          %swap3A_346 = arith.constant 4 : i32
          %swap3A_347 = arith.index_cast %scan3A_109 : i32 to index
          %swap3A_348 = arith.index_cast %swap3A_346 : i32 to index
          %swap3A_349 = arith.constant 80 : index
          %swap3A_350 = tpu.vector_load %arg13[%swap3A_347, %swap3A_348, %swap3A_349] {strides = array<i32>} : memref<25x8x128xi32, #tpu.memory_space<vmem>>, vector<16xi32>,
          tpu.vector_store %arg13[%swap3A_347, %swap3A_348, %swap3A_349], %get3A_325 {strides = array<i32>} : memref<25x8x128xi32, #tpu.memory_space<vmem>>, vector<16xi32>,
          %swap3A_351 = arith.constant 5 : i32
          %swap3A_352 = arith.index_cast %scan3A_109 : i32 to index
          %swap3A_353 = arith.index_cast %swap3A_351 : i32 to index
          %swap3A_354 = arith.constant 80 : index
          %swap3A_355 = tpu.vector_load %arg13[%swap3A_352, %swap3A_353, %swap3A_354] {strides = array<i32>} : memref<25x8x128xi32, #tpu.memory_space<vmem>>, vector<16xi32>,
          tpu.vector_store %arg13[%swap3A_352, %swap3A_353, %swap3A_354], %get3A_325 {strides = array<i32>} : memref<25x8x128xi32, #tpu.memory_space<vmem>>, vector<16xi32>,
          %swap3A_356 = arith.constant 6 : i32
          %swap3A_357 = arith.index_cast %scan3A_109 : i32 to index
          %swap3A_358 = arith.index_cast %swap3A_356 : i32 to index
          %swap3A_359 = arith.constant 80 : index
          %swap3A_360 = tpu.vector_load %arg13[%swap3A_357, %swap3A_358, %swap3A_359] {strides = array<i32>} : memref<25x8x128xi32, #tpu.memory_space<vmem>>, vector<16xi32>,
          tpu.vector_store %arg13[%swap3A_357, %swap3A_358, %swap3A_359], %get3A_325 {strides = array<i32>} : memref<25x8x128xi32, #tpu.memory_space<vmem>>, vector<16xi32>,
          %swap3A_361 = arith.constant 7 : i32
          %swap3A_362 = arith.index_cast %scan3A_109 : i32 to index
          %swap3A_363 = arith.index_cast %swap3A_361 : i32 to index
          %swap3A_364 = arith.constant 80 : index
          %swap3A_365 = tpu.vector_load %arg13[%swap3A_362, %swap3A_363, %swap3A_364] {strides = array<i32>} : memref<25x8x128xi32, #tpu.memory_space<vmem>>, vector<16xi32>,
          tpu.vector_store %arg13[%swap3A_362, %swap3A_363, %swap3A_364], %get3A_325 {strides = array<i32>} : memref<25x8x128xi32, #tpu.memory_space<vmem>>, vector<16xi32>,
          %get3A_366 = arith.index_cast %scan3A_109 : i32 to index
          %get3A_367 = arith.constant 96 : index
          %get3A_368 = tpu.vector_load %arg11[%get3A_366, %get3A_367] {strides = array<i32>} : memref<25x128xi32, #tpu.memory_space<vmem>>, vector<16xi32>,
          %swap3A_369 = arith.constant 0 : i32
          %swap3A_370 = arith.index_cast %scan3A_109 : i32 to index
          %swap3A_371 = arith.index_cast %swap3A_369 : i32 to index
          %swap3A_372 = arith.constant 96 : index
          %swap3A_373 = tpu.vector_load %arg13[%swap3A_370, %swap3A_371, %swap3A_372] {strides = array<i32>} : memref<25x8x128xi32, #tpu.memory_space<vmem>>, vector<16xi32>,
          tpu.vector_store %arg13[%swap3A_370, %swap3A_371, %swap3A_372], %get3A_368 {strides = array<i32>} : memref<25x8x128xi32, #tpu.memory_space<vmem>>, vector<16xi32>,
          %swap3A_374 = arith.constant 1 : i32
          %swap3A_375 = arith.index_cast %scan3A_109 : i32 to index
          %swap3A_376 = arith.index_cast %swap3A_374 : i32 to index
          %swap3A_377 = arith.constant 96 : index
          %swap3A_378 = tpu.vector_load %arg13[%swap3A_375, %swap3A_376, %swap3A_377] {strides = array<i32>} : memref<25x8x128xi32, #tpu.memory_space<vmem>>, vector<16xi32>,
          tpu.vector_store %arg13[%swap3A_375, %swap3A_376, %swap3A_377], %get3A_368 {strides = array<i32>} : memref<25x8x128xi32, #tpu.memory_space<vmem>>, vector<16xi32>,
          %swap3A_379 = arith.constant 2 : i32
          %swap3A_380 = arith.index_cast %scan3A_109 : i32 to index
          %swap3A_381 = arith.index_cast %swap3A_379 : i32 to index
          %swap3A_382 = arith.constant 96 : index
          %swap3A_383 = tpu.vector_load %arg13[%swap3A_380, %swap3A_381, %swap3A_382] {strides = array<i32>} : memref<25x8x128xi32, #tpu.memory_space<vmem>>, vector<16xi32>,
          tpu.vector_store %arg13[%swap3A_380, %swap3A_381, %swap3A_382], %get3A_368 {strides = array<i32>} : memref<25x8x128xi32, #tpu.memory_space<vmem>>, vector<16xi32>,
          %swap3A_384 = arith.constant 3 : i32
          %swap3A_385 = arith.index_cast %scan3A_109 : i32 to index
          %swap3A_386 = arith.index_cast %swap3A_384 : i32 to index
          %swap3A_387 = arith.constant 96 : index
          %swap3A_388 = tpu.vector_load %arg13[%swap3A_385, %swap3A_386, %swap3A_387] {strides = array<i32>} : memref<25x8x128xi32, #tpu.memory_space<vmem>>, vector<16xi32>,
          tpu.vector_store %arg13[%swap3A_385, %swap3A_386, %swap3A_387], %get3A_368 {strides = array<i32>} : memref<25x8x128xi32, #tpu.memory_space<vmem>>, vector<16xi32>,
          %swap3A_389 = arith.constant 4 : i32
          %swap3A_390 = arith.index_cast %scan3A_109 : i32 to index
          %swap3A_391 = arith.index_cast %swap3A_389 : i32 to index
          %swap3A_392 = arith.constant 96 : index
          %swap3A_393 = tpu.vector_load %arg13[%swap3A_390, %swap3A_391, %swap3A_392] {strides = array<i32>} : memref<25x8x128xi32, #tpu.memory_space<vmem>>, vector<16xi32>,
          tpu.vector_store %arg13[%swap3A_390, %swap3A_391, %swap3A_392], %get3A_368 {strides = array<i32>} : memref<25x8x128xi32, #tpu.memory_space<vmem>>, vector<16xi32>,
          %swap3A_394 = arith.constant 5 : i32
          %swap3A_395 = arith.index_cast %scan3A_109 : i32 to index
          %swap3A_396 = arith.index_cast %swap3A_394 : i32 to index
          %swap3A_397 = arith.constant 96 : index
          %swap3A_398 = tpu.vector_load %arg13[%swap3A_395, %swap3A_396, %swap3A_397] {strides = array<i32>} : memref<25x8x128xi32, #tpu.memory_space<vmem>>, vector<16xi32>,
          tpu.vector_store %arg13[%swap3A_395, %swap3A_396, %swap3A_397], %get3A_368 {strides = array<i32>} : memref<25x8x128xi32, #tpu.memory_space<vmem>>, vector<16xi32>,
          %swap3A_399 = arith.constant 6 : i32
          %swap3A_400 = arith.index_cast %scan3A_109 : i32 to index
          %swap3A_401 = arith.index_cast %swap3A_399 : i32 to index
          %swap3A_402 = arith.constant 96 : index
          %swap3A_403 = tpu.vector_load %arg13[%swap3A_400, %swap3A_401, %swap3A_402] {strides = array<i32>} : memref<25x8x128xi32, #tpu.memory_space<vmem>>, vector<16xi32>,
          tpu.vector_store %arg13[%swap3A_400, %swap3A_401, %swap3A_402], %get3A_368 {strides = array<i32>} : memref<25x8x128xi32, #tpu.memory_space<vmem>>, vector<16xi32>,
          %swap3A_404 = arith.constant 7 : i32
          %swap3A_405 = arith.index_cast %scan3A_109 : i32 to index
          %swap3A_406 = arith.index_cast %swap3A_404 : i32 to index
          %swap3A_407 = arith.constant 96 : index
          %swap3A_408 = tpu.vector_load %arg13[%swap3A_405, %swap3A_406, %swap3A_407] {strides = array<i32>} : memref<25x8x128xi32, #tpu.memory_space<vmem>>, vector<16xi32>,
          tpu.vector_store %arg13[%swap3A_405, %swap3A_406, %swap3A_407], %get3A_368 {strides = array<i32>} : memref<25x8x128xi32, #tpu.memory_space<vmem>>, vector<16xi32>,
          %get3A_409 = arith.index_cast %scan3A_109 : i32 to index
          %get3A_410 = arith.constant 112 : index
          %get3A_411 = tpu.vector_load %arg11[%get3A_409, %get3A_410] {strides = array<i32>} : memref<25x128xi32, #tpu.memory_space<vmem>>, vector<16xi32>,
          %swap3A_412 = arith.constant 0 : i32
          %swap3A_413 = arith.index_cast %scan3A_109 : i32 to index
          %swap3A_414 = arith.index_cast %swap3A_412 : i32 to index
          %swap3A_415 = arith.constant 112 : index
          %swap3A_416 = tpu.vector_load %arg13[%swap3A_413, %swap3A_414, %swap3A_415] {strides = array<i32>} : memref<25x8x128xi32, #tpu.memory_space<vmem>>, vector<16xi32>,
          tpu.vector_store %arg13[%swap3A_413, %swap3A_414, %swap3A_415], %get3A_411 {strides = array<i32>} : memref<25x8x128xi32, #tpu.memory_space<vmem>>, vector<16xi32>,
          %swap3A_417 = arith.constant 1 : i32
          %swap3A_418 = arith.index_cast %scan3A_109 : i32 to index
          %swap3A_419 = arith.index_cast %swap3A_417 : i32 to index
          %swap3A_420 = arith.constant 112 : index
          %swap3A_421 = tpu.vector_load %arg13[%swap3A_418, %swap3A_419, %swap3A_420] {strides = array<i32>} : memref<25x8x128xi32, #tpu.memory_space<vmem>>, vector<16xi32>,
          tpu.vector_store %arg13[%swap3A_418, %swap3A_419, %swap3A_420], %get3A_411 {strides = array<i32>} : memref<25x8x128xi32, #tpu.memory_space<vmem>>, vector<16xi32>,
          %swap3A_422 = arith.constant 2 : i32
          %swap3A_423 = arith.index_cast %scan3A_109 : i32 to index
          %swap3A_424 = arith.index_cast %swap3A_422 : i32 to index
          %swap3A_425 = arith.constant 112 : index
          %swap3A_426 = tpu.vector_load %arg13[%swap3A_423, %swap3A_424, %swap3A_425] {strides = array<i32>} : memref<25x8x128xi32, #tpu.memory_space<vmem>>, vector<16xi32>,
          tpu.vector_store %arg13[%swap3A_423, %swap3A_424, %swap3A_425], %get3A_411 {strides = array<i32>} : memref<25x8x128xi32, #tpu.memory_space<vmem>>, vector<16xi32>,
          %swap3A_427 = arith.constant 3 : i32
          %swap3A_428 = arith.index_cast %scan3A_109 : i32 to index
          %swap3A_429 = arith.index_cast %swap3A_427 : i32 to index
          %swap3A_430 = arith.constant 112 : index
          %swap3A_431 = tpu.vector_load %arg13[%swap3A_428, %swap3A_429, %swap3A_430] {strides = array<i32>} : memref<25x8x128xi32, #tpu.memory_space<vmem>>, vector<16xi32>,
          tpu.vector_store %arg13[%swap3A_428, %swap3A_429, %swap3A_430], %get3A_411 {strides = array<i32>} : memref<25x8x128xi32, #tpu.memory_space<vmem>>, vector<16xi32>,
          %swap3A_432 = arith.constant 4 : i32
          %swap3A_433 = arith.index_cast %scan3A_109 : i32 to index
          %swap3A_434 = arith.index_cast %swap3A_432 : i32 to index
          %swap3A_435 = arith.constant 112 : index
          %swap3A_436 = tpu.vector_load %arg13[%swap3A_433, %swap3A_434, %swap3A_435] {strides = array<i32>} : memref<25x8x128xi32, #tpu.memory_space<vmem>>, vector<16xi32>,
          tpu.vector_store %arg13[%swap3A_433, %swap3A_434, %swap3A_435], %get3A_411 {strides = array<i32>} : memref<25x8x128xi32, #tpu.memory_space<vmem>>, vector<16xi32>,
          %swap3A_437 = arith.constant 5 : i32
          %swap3A_438 = arith.index_cast %scan3A_109 : i32 to index
          %swap3A_439 = arith.index_cast %swap3A_437 : i32 to index
          %swap3A_440 = arith.constant 112 : index
          %swap3A_441 = tpu.vector_load %arg13[%swap3A_438, %swap3A_439, %swap3A_440] {strides = array<i32>} : memref<25x8x128xi32, #tpu.memory_space<vmem>>, vector<16xi32>,
          tpu.vector_store %arg13[%swap3A_438, %swap3A_439, %swap3A_440], %get3A_411 {strides = array<i32>} : memref<25x8x128xi32, #tpu.memory_space<vmem>>, vector<16xi32>,
          %swap3A_442 = arith.constant 6 : i32
          %swap3A_443 = arith.index_cast %scan3A_109 : i32 to index
          %swap3A_444 = arith.index_cast %swap3A_442 : i32 to index
          %swap3A_445 = arith.constant 112 : index
          %swap3A_446 = tpu.vector_load %arg13[%swap3A_443, %swap3A_444, %swap3A_445] {strides = array<i32>} : memref<25x8x128xi32, #tpu.memory_space<vmem>>, vector<16xi32>,
          tpu.vector_store %arg13[%swap3A_443, %swap3A_444, %swap3A_445], %get3A_411 {strides = array<i32>} : memref<25x8x128xi32, #tpu.memory_space<vmem>>, vector<16xi32>,
          %swap3A_447 = arith.constant 7 : i32
          %swap3A_448 = arith.index_cast %scan3A_109 : i32 to index
          %swap3A_449 = arith.index_cast %swap3A_447 : i32 to index
          %swap3A_450 = arith.constant 112 : index
          %swap3A_451 = tpu.vector_load %arg13[%swap3A_448, %swap3A_449, %swap3A_450] {strides = array<i32>} : memref<25x8x128xi32, #tpu.memory_space<vmem>>, vector<16xi32>,
          tpu.vector_store %arg13[%swap3A_448, %swap3A_449, %swap3A_450], %get3A_411 {strides = array<i32>} : memref<25x8x128xi32, #tpu.memory_space<vmem>>, vector<16xi32>,
        }
        %scan3A_91 = arith.constant 25 : i32
        %mul3A_92 = arith.constant 25 : i32
        %mul3A_93 = arith.muli %add3A_66, %mul3A_92 : i32
        %add3A_94 = arith.addi %mul3A_4, %mul3A_93 : i32
        %dma_start3A = arith.constant 0 : i32
        %dma_start3A_95 = arith.constant 0 : i32
        %dma_start3A_96 = tpu.memref_slice %arg4[%add3A_94, %shift_right_arithmetic3A_1, %dma_start3A, %dma_start3A_95] : memref<2500x8x8x128xi32, #tpu.memory_space<hbm>> -> memref<25x1x8x128xi32, #tpu.memory_space<hbm>>
        %dma_start3A_97 = tpu.memref_squeeze %dma_start3A_96 : memref<25x1x8x128xi32, #tpu.memory_space<hbm>> -> memref<25x8x128xi32, #tpu.memory_space<hbm>>
        %dma_start3A_98 = arith.constant 0 : i32
        %dma_start3A_99 = arith.constant 0 : i32
        %dma_start3A_100 = tpu.memref_slice %arg4[%add3A_94, %shift_right_arithmetic3A_1, %dma_start3A_98, %dma_start3A_99] : memref<2500x8x8x128xi32, #tpu.memory_space<hbm>> -> memref<25x1x8x128xi32, #tpu.memory_space<hbm>>
        %dma_start3A_101 = tpu.memref_squeeze %dma_start3A_100 : memref<25x1x8x128xi32, #tpu.memory_space<hbm>> -> memref<25x8x128xi32, #tpu.memory_space<hbm>>
        tpu.enqueue_dma source(%arg13 : memref<25x8x128xi32, #tpu.memory_space<vmem>>) target(%dma_start3A_101 : memref<25x8x128xi32, #tpu.memory_space<hbm>>) target_semaphore(%arg15 : memref<!tpu.dma_semaphore, #tpu.memory_space<semaphore_mem>>)
        %add3A_102 = arith.constant 2 : i32
        %add3A_103 = arith.addi %add3A_66, %add3A_102 : i32
        %lt3A_104 = arith.constant 25 : i32
        %lt3A_105 = arith.cmpi slt, %add3A_103, %lt3A_104 : i32
        %convert_element_type3A_106 = arith.extui %lt3A_105 : i1 to i32
        %cond3A_107 = arith.constant 0 : i32
        %cond3A_108 = arith.cmpi ne, %convert_element_type3A_106, %cond3A_107 : i32
        scf.if %cond3A_108 {
          %add3A_109 = arith.constant 2 : i32
          %add3A_110 = arith.addi %add3A_66, %add3A_109 : i32
          %scan3A_111 = arith.constant 0 : i32
          %scan3A_112 = arith.constant 0 : i32
          %scan3A_113 = arith.constant 25 : i32
          %scan3A_114 = arith.addi %scan3A_112, %scan3A_113 : i32
          %scan3A_115 = arith.constant 1 : i32
          scf.for %scan3A_117 = %scan3A_112 to %scan3A_114 step %scan3A_115  : i32 {
            %mul3A_118 = arith.constant 25 : i32
            %mul3A_119 = arith.muli %add3A_110, %mul3A_118 : i32
            %add3A_120 = arith.addi %mul3A_4, %mul3A_119 : i32
            %add3A_121 = arith.addi %add3A_120, %scan3A_117 : i32
            %jit3A = arith.constant 50 : i32
            %div3A = arith.divsi %add3A_121, %jit3A : i32
            %sign3A = arith.constant 0 : i32
            %sign3A_122 = arith.cmpi sgt, %add3A_121, %sign3A : i32
            %sign3A_123 = arith.extui %sign3A_122 : i1 to i32
            %sign3A_124 = arith.constant 0 : i32
            %sign3A_125 = arith.cmpi slt, %add3A_121, %sign3A_124 : i32
            %sign3A_126 = arith.extui %sign3A_125 : i1 to i32
            %sign3A_127 = arith.subi %sign3A_123, %sign3A_126 : i32
            %sign3A_128 = arith.constant 0 : i32
            %sign3A_129 = arith.cmpi sgt, %jit3A, %sign3A_128 : i32
            %sign3A_130 = arith.extui %sign3A_129 : i1 to i32
            %sign3A_131 = arith.constant 0 : i32
            %sign3A_132 = arith.cmpi slt, %jit3A, %sign3A_131 : i32
            %sign3A_133 = arith.extui %sign3A_132 : i1 to i32
            %sign3A_134 = arith.subi %sign3A_130, %sign3A_133 : i32
            %ne3A = arith.cmpi ne, %sign3A_127, %sign3A_134 : i32
            %rem3A = arith.remsi %add3A_121, %jit3A : i32
            %ne3A_135 = arith.constant 0 : i32
            %ne3A_136 = arith.cmpi ne, %rem3A, %ne3A_135 : i32
            %and3A_137 = arith.andi %ne3A, %ne3A_136 : i1
            %sub3A = arith.constant 1 : i32
            %sub3A_138 = arith.subi %div3A, %sub3A : i32
            %select_n3A = arith.select %and3A_137, %sub3A_138, %div3A : i32
            %mul3A_139 = arith.constant 50 : i32
            %mul3A_140 = arith.muli %select_n3A, %mul3A_139 : i32
            %sub3A_141 = arith.subi %add3A_121, %mul3A_140 : i32
            %mul3A_142 = arith.constant 128 : i32
            %mul3A_143 = arith.muli %select_n3A, %mul3A_142 : i32
            %add3A_144 = arith.constant 0 : i32
            %add3A_145 = arith.addi %mul3A_143, %add3A_144 : i32
            %get3A = arith.index_cast %add3A_145 : i32 to index
            %get3A_146 = tpu.vector_load %arg6[%get3A] {strides = array<i32>} : memref<6400xi32, #tpu.memory_space<vmem>>, vector<16xi32>,
            %mul3A_147 = arith.constant 128 : i32
            %mul3A_148 = arith.muli %sub3A_141, %mul3A_147 : i32
            %add3A_149 = arith.constant 0 : i32
            %add3A_150 = arith.addi %mul3A_148, %add3A_149 : i32
            %get3A_151 = arith.index_cast %add3A_150 : i32 to index
            %get3A_152 = tpu.vector_load %arg7[%get3A_151] {strides = array<i32>} : memref<6400xi32, #tpu.memory_space<vmem>>, vector<16xi32>,
            %add3A_153 = arith.addi %get3A_146, %get3A_152 : vector<16xi32>
            %swap3A = arith.index_cast %scan3A_117 : i32 to index
            %swap3A_154 = arith.constant 0 : index
            %swap3A_155 = tpu.vector_load %arg9[%swap3A, %swap3A_154] {strides = array<i32>} : memref<25x128xi32, #tpu.memory_space<vmem>>, vector<16xi32>,
            tpu.vector_store %arg9[%swap3A, %swap3A_154], %add3A_153 {strides = array<i32>} : memref<25x128xi32, #tpu.memory_space<vmem>>, vector<16xi32>,
            %mul3A_156 = arith.constant 128 : i32
            %mul3A_157 = arith.muli %select_n3A, %mul3A_156 : i32
            %add3A_158 = arith.constant 16 : i32
            %add3A_159 = arith.addi %mul3A_157, %add3A_158 : i32
            %get3A_160 = arith.index_cast %add3A_159 : i32 to index
            %get3A_161 = tpu.vector_load %arg6[%get3A_160] {strides = array<i32>} : memref<6400xi32, #tpu.memory_space<vmem>>, vector<16xi32>,
            %mul3A_162 = arith.constant 128 : i32
            %mul3A_163 = arith.muli %sub3A_141, %mul3A_162 : i32
            %add3A_164 = arith.constant 16 : i32
            %add3A_165 = arith.addi %mul3A_163, %add3A_164 : i32
            %get3A_166 = arith.index_cast %add3A_165 : i32 to index
            %get3A_167 = tpu.vector_load %arg7[%get3A_166] {strides = array<i32>} : memref<6400xi32, #tpu.memory_space<vmem>>, vector<16xi32>,
            %add3A_168 = arith.addi %get3A_161, %get3A_167 : vector<16xi32>
            %swap3A_169 = arith.index_cast %scan3A_117 : i32 to index
            %swap3A_170 = arith.constant 16 : index
            %swap3A_171 = tpu.vector_load %arg9[%swap3A_169, %swap3A_170] {strides = array<i32>} : memref<25x128xi32, #tpu.memory_space<vmem>>, vector<16xi32>,
            tpu.vector_store %arg9[%swap3A_169, %swap3A_170], %add3A_168 {strides = array<i32>} : memref<25x128xi32, #tpu.memory_space<vmem>>, vector<16xi32>,
            %mul3A_172 = arith.constant 128 : i32
            %mul3A_173 = arith.muli %select_n3A, %mul3A_172 : i32
            %add3A_174 = arith.constant 32 : i32
            %add3A_175 = arith.addi %mul3A_173, %add3A_174 : i32
            %get3A_176 = arith.index_cast %add3A_175 : i32 to index
            %get3A_177 = tpu.vector_load %arg6[%get3A_176] {strides = array<i32>} : memref<6400xi32, #tpu.memory_space<vmem>>, vector<16xi32>,
            %mul3A_178 = arith.constant 128 : i32
            %mul3A_179 = arith.muli %sub3A_141, %mul3A_178 : i32
            %add3A_180 = arith.constant 32 : i32
            %add3A_181 = arith.addi %mul3A_179, %add3A_180 : i32
            %get3A_182 = arith.index_cast %add3A_181 : i32 to index
            %get3A_183 = tpu.vector_load %arg7[%get3A_182] {strides = array<i32>} : memref<6400xi32, #tpu.memory_space<vmem>>, vector<16xi32>,
            %add3A_184 = arith.addi %get3A_177, %get3A_183 : vector<16xi32>
            %swap3A_185 = arith.index_cast %scan3A_117 : i32 to index
            %swap3A_186 = arith.constant 32 : index
            %swap3A_187 = tpu.vector_load %arg9[%swap3A_185, %swap3A_186] {strides = array<i32>} : memref<25x128xi32, #tpu.memory_space<vmem>>, vector<16xi32>,
            tpu.vector_store %arg9[%swap3A_185, %swap3A_186], %add3A_184 {strides = array<i32>} : memref<25x128xi32, #tpu.memory_space<vmem>>, vector<16xi32>,
            %mul3A_188 = arith.constant 128 : i32
            %mul3A_189 = arith.muli %select_n3A, %mul3A_188 : i32
            %add3A_190 = arith.constant 48 : i32
            %add3A_191 = arith.addi %mul3A_189, %add3A_190 : i32
            %get3A_192 = arith.index_cast %add3A_191 : i32 to index
            %get3A_193 = tpu.vector_load %arg6[%get3A_192] {strides = array<i32>} : memref<6400xi32, #tpu.memory_space<vmem>>, vector<16xi32>,
            %mul3A_194 = arith.constant 128 : i32
            %mul3A_195 = arith.muli %sub3A_141, %mul3A_194 : i32
            %add3A_196 = arith.constant 48 : i32
            %add3A_197 = arith.addi %mul3A_195, %add3A_196 : i32
            %get3A_198 = arith.index_cast %add3A_197 : i32 to index
            %get3A_199 = tpu.vector_load %arg7[%get3A_198] {strides = array<i32>} : memref<6400xi32, #tpu.memory_space<vmem>>, vector<16xi32>,
            %add3A_200 = arith.addi %get3A_193, %get3A_199 : vector<16xi32>
            %swap3A_201 = arith.index_cast %scan3A_117 : i32 to index
            %swap3A_202 = arith.constant 48 : index
            %swap3A_203 = tpu.vector_load %arg9[%swap3A_201, %swap3A_202] {strides = array<i32>} : memref<25x128xi32, #tpu.memory_space<vmem>>, vector<16xi32>,
            tpu.vector_store %arg9[%swap3A_201, %swap3A_202], %add3A_200 {strides = array<i32>} : memref<25x128xi32, #tpu.memory_space<vmem>>, vector<16xi32>,
            %mul3A_204 = arith.constant 128 : i32
            %mul3A_205 = arith.muli %select_n3A, %mul3A_204 : i32
            %add3A_206 = arith.constant 64 : i32
            %add3A_207 = arith.addi %mul3A_205, %add3A_206 : i32
            %get3A_208 = arith.index_cast %add3A_207 : i32 to index
            %get3A_209 = tpu.vector_load %arg6[%get3A_208] {strides = array<i32>} : memref<6400xi32, #tpu.memory_space<vmem>>, vector<16xi32>,
            %mul3A_210 = arith.constant 128 : i32
            %mul3A_211 = arith.muli %sub3A_141, %mul3A_210 : i32
            %add3A_212 = arith.constant 64 : i32
            %add3A_213 = arith.addi %mul3A_211, %add3A_212 : i32
            %get3A_214 = arith.index_cast %add3A_213 : i32 to index
            %get3A_215 = tpu.vector_load %arg7[%get3A_214] {strides = array<i32>} : memref<6400xi32, #tpu.memory_space<vmem>>, vector<16xi32>,
            %add3A_216 = arith.addi %get3A_209, %get3A_215 : vector<16xi32>
            %swap3A_217 = arith.index_cast %scan3A_117 : i32 to index
            %swap3A_218 = arith.constant 64 : index
            %swap3A_219 = tpu.vector_load %arg9[%swap3A_217, %swap3A_218] {strides = array<i32>} : memref<25x128xi32, #tpu.memory_space<vmem>>, vector<16xi32>,
            tpu.vector_store %arg9[%swap3A_217, %swap3A_218], %add3A_216 {strides = array<i32>} : memref<25x128xi32, #tpu.memory_space<vmem>>, vector<16xi32>,
            %mul3A_220 = arith.constant 128 : i32
            %mul3A_221 = arith.muli %select_n3A, %mul3A_220 : i32
            %add3A_222 = arith.constant 80 : i32
            %add3A_223 = arith.addi %mul3A_221, %add3A_222 : i32
            %get3A_224 = arith.index_cast %add3A_223 : i32 to index
            %get3A_225 = tpu.vector_load %arg6[%get3A_224] {strides = array<i32>} : memref<6400xi32, #tpu.memory_space<vmem>>, vector<16xi32>,
            %mul3A_226 = arith.constant 128 : i32
            %mul3A_227 = arith.muli %sub3A_141, %mul3A_226 : i32
            %add3A_228 = arith.constant 80 : i32
            %add3A_229 = arith.addi %mul3A_227, %add3A_228 : i32
            %get3A_230 = arith.index_cast %add3A_229 : i32 to index
            %get3A_231 = tpu.vector_load %arg7[%get3A_230] {strides = array<i32>} : memref<6400xi32, #tpu.memory_space<vmem>>, vector<16xi32>,
            %add3A_232 = arith.addi %get3A_225, %get3A_231 : vector<16xi32>
            %swap3A_233 = arith.index_cast %scan3A_117 : i32 to index
            %swap3A_234 = arith.constant 80 : index
            %swap3A_235 = tpu.vector_load %arg9[%swap3A_233, %swap3A_234] {strides = array<i32>} : memref<25x128xi32, #tpu.memory_space<vmem>>, vector<16xi32>,
            tpu.vector_store %arg9[%swap3A_233, %swap3A_234], %add3A_232 {strides = array<i32>} : memref<25x128xi32, #tpu.memory_space<vmem>>, vector<16xi32>,
            %mul3A_236 = arith.constant 128 : i32
            %mul3A_237 = arith.muli %select_n3A, %mul3A_236 : i32
            %add3A_238 = arith.constant 96 : i32
            %add3A_239 = arith.addi %mul3A_237, %add3A_238 : i32
            %get3A_240 = arith.index_cast %add3A_239 : i32 to index
            %get3A_241 = tpu.vector_load %arg6[%get3A_240] {strides = array<i32>} : memref<6400xi32, #tpu.memory_space<vmem>>, vector<16xi32>,
            %mul3A_242 = arith.constant 128 : i32
            %mul3A_243 = arith.muli %sub3A_141, %mul3A_242 : i32
            %add3A_244 = arith.constant 96 : i32
            %add3A_245 = arith.addi %mul3A_243, %add3A_244 : i32
            %get3A_246 = arith.index_cast %add3A_245 : i32 to index
            %get3A_247 = tpu.vector_load %arg7[%get3A_246] {strides = array<i32>} : memref<6400xi32, #tpu.memory_space<vmem>>, vector<16xi32>,
            %add3A_248 = arith.addi %get3A_241, %get3A_247 : vector<16xi32>
            %swap3A_249 = arith.index_cast %scan3A_117 : i32 to index
            %swap3A_250 = arith.constant 96 : index
            %swap3A_251 = tpu.vector_load %arg9[%swap3A_249, %swap3A_250] {strides = array<i32>} : memref<25x128xi32, #tpu.memory_space<vmem>>, vector<16xi32>,
            tpu.vector_store %arg9[%swap3A_249, %swap3A_250], %add3A_248 {strides = array<i32>} : memref<25x128xi32, #tpu.memory_space<vmem>>, vector<16xi32>,
            %mul3A_252 = arith.constant 128 : i32
            %mul3A_253 = arith.muli %select_n3A, %mul3A_252 : i32
            %add3A_254 = arith.constant 112 : i32
            %add3A_255 = arith.addi %mul3A_253, %add3A_254 : i32
            %get3A_256 = arith.index_cast %add3A_255 : i32 to index
            %get3A_257 = tpu.vector_load %arg6[%get3A_256] {strides = array<i32>} : memref<6400xi32, #tpu.memory_space<vmem>>, vector<16xi32>,
            %mul3A_258 = arith.constant 128 : i32
            %mul3A_259 = arith.muli %sub3A_141, %mul3A_258 : i32
            %add3A_260 = arith.constant 112 : i32
            %add3A_261 = arith.addi %mul3A_259, %add3A_260 : i32
            %get3A_262 = arith.index_cast %add3A_261 : i32 to index
            %get3A_263 = tpu.vector_load %arg7[%get3A_262] {strides = array<i32>} : memref<6400xi32, #tpu.memory_space<vmem>>, vector<16xi32>,
            %add3A_264 = arith.addi %get3A_257, %get3A_263 : vector<16xi32>
            %swap3A_265 = arith.index_cast %scan3A_117 : i32 to index
            %swap3A_266 = arith.constant 112 : index
            %swap3A_267 = tpu.vector_load %arg9[%swap3A_265, %swap3A_266] {strides = array<i32>} : memref<25x128xi32, #tpu.memory_space<vmem>>, vector<16xi32>,
            tpu.vector_store %arg9[%swap3A_265, %swap3A_266], %add3A_264 {strides = array<i32>} : memref<25x128xi32, #tpu.memory_space<vmem>>, vector<16xi32>,
            %dma_start3A_268 = arith.constant 0 : i32
            %dma_start3A_269 = tpu.memref_slice %arg11[%scan3A_117, %dma_start3A_268] : memref<25x128xi32, #tpu.memory_space<vmem>> -> memref<1x128xi32, #tpu.memory_space<vmem>>
            %dma_start3A_270 = tpu.memref_squeeze %dma_start3A_269 : memref<1x128xi32, #tpu.memory_space<vmem>> -> memref<128xi32, #tpu.memory_space<vmem>>
            %dma_start3A_271 = arith.constant 0 : i32
            %dma_start3A_272 = tpu.memref_slice %arg9[%scan3A_117, %dma_start3A_271] : memref<25x128xi32, #tpu.memory_space<vmem>> -> memref<1x128xi32, #tpu.memory_space<vmem>>
            %dma_start3A_273 = tpu.memref_squeeze %dma_start3A_272 : memref<1x128xi32, #tpu.memory_space<vmem>> -> memref<128xi32, #tpu.memory_space<vmem>>
            %dma_start3A_274 = arith.constant 0 : i32
            %dma_start3A_275 = tpu.memref_slice %arg3[%dma_start3A_274] : memref<100000000xi32, #tpu.memory_space<hbm>> -> memref<100000000xi32, #tpu.memory_space<hbm>>
            tpu.enqueue_indirect_dma source(%dma_start3A_275 : memref<100000000xi32, #tpu.memory_space<hbm>>) target(%dma_start3A_270 : memref<128xi32, #tpu.memory_space<vmem>>) offsets(%dma_start3A_273 : memref<128xi32, #tpu.memory_space<vmem>>) semaphore(%arg14 : memref<!tpu.dma_semaphore, #tpu.memory_space<semaphore_mem>>)
          }
          %scan3A_116 = arith.constant 25 : i32
        } else {
        }
      } else {
      }
    }
    %scan3A_34 = arith.constant 13 : i32
    %dma_wait3A = arith.constant 0 : i32
    %dma_wait3A_35 = arith.constant 0 : i32
    %dma_wait3A_36 = arith.constant 0 : i32
    %dma_wait3A_37 = arith.constant 0 : i32
    %dma_wait3A_38 = tpu.memref_slice %arg4[%dma_wait3A_35, %dma_wait3A, %dma_wait3A_36, %dma_wait3A_37] : memref<2500x8x8x128xi32, #tpu.memory_space<hbm>> -> memref<25x1x8x128xi32, #tpu.memory_space<hbm>>
    %dma_wait3A_39 = tpu.memref_squeeze %dma_wait3A_38 : memref<25x1x8x128xi32, #tpu.memory_space<hbm>> -> memref<25x8x128xi32, #tpu.memory_space<hbm>>
    %dma_wait3A_40 = arith.constant 0 : i32
    %dma_wait3A_41 = arith.constant 0 : i32
    %dma_wait3A_42 = arith.constant 0 : i32
    %dma_wait3A_43 = tpu.memref_slice %arg4[%dma_wait3A_40, %dma_wait3A, %dma_wait3A_41, %dma_wait3A_42] : memref<2500x8x8x128xi32, #tpu.memory_space<hbm>> -> memref<25x1x8x128xi32, #tpu.memory_space<hbm>>
    %dma_wait3A_44 = tpu.memref_squeeze %dma_wait3A_43 : memref<25x1x8x128xi32, #tpu.memory_space<hbm>> -> memref<25x8x128xi32, #tpu.memory_space<hbm>>
    tpu.wait_dma2 semaphore(%arg15 : memref<!tpu.dma_semaphore, #tpu.memory_space<semaphore_mem>>) src(%arg12 : memref<25x8x128xi32, #tpu.memory_space<vmem>>) dst(%dma_wait3A_44 : memref<25x8x128xi32, #tpu.memory_space<hbm>>)
    %dma_wait3A_45 = arith.constant 0 : i32
    %dma_wait3A_46 = arith.constant 0 : i32
    %dma_wait3A_47 = arith.constant 0 : i32
    %dma_wait3A_48 = arith.constant 0 : i32
    %dma_wait3A_49 = tpu.memref_slice %arg4[%dma_wait3A_46, %dma_wait3A_45, %dma_wait3A_47, %dma_wait3A_48] : memref<2500x8x8x128xi32, #tpu.memory_space<hbm>> -> memref<25x1x8x128xi32, #tpu.memory_space<hbm>>
    %dma_wait3A_50 = tpu.memref_squeeze %dma_wait3A_49 : memref<25x1x8x128xi32, #tpu.memory_space<hbm>> -> memref<25x8x128xi32, #tpu.memory_space<hbm>>
    %dma_wait3A_51 = arith.constant 0 : i32
    %dma_wait3A_52 = arith.constant 0 : i32
    %dma_wait3A_53 = arith.constant 0 : i32
    %dma_wait3A_54 = tpu.memref_slice %arg4[%dma_wait3A_51, %dma_wait3A_45, %dma_wait3A_52, %dma_wait3A_53] : memref<2500x8x8x128xi32, #tpu.memory_space<hbm>> -> memref<25x1x8x128xi32, #tpu.memory_space<hbm>>
    %dma_wait3A_55 = tpu.memref_squeeze %dma_wait3A_54 : memref<25x1x8x128xi32, #tpu.memory_space<hbm>> -> memref<25x8x128xi32, #tpu.memory_space<hbm>>
    tpu.wait_dma2 semaphore(%arg15 : memref<!tpu.dma_semaphore, #tpu.memory_space<semaphore_mem>>) src(%arg13 : memref<25x8x128xi32, #tpu.memory_space<vmem>>) dst(%dma_wait3A_55 : memref<25x8x128xi32, #tpu.memory_space<hbm>>)
    return
  }
}

</mosaic_0001>

<sc_bundles>
// kernel: _sc_call.3.cloned.1.call-start
scs
__scs_entry_jumppad:
0x0: {  	(pc) =	sbr.rel $0x88, $3  }
0x1: {  	(tag) =	ssettag $0x0;
	lr =	simm.s32 $0x1  }
0x2: {  	[smem:$0x3F9F] =	sst lr;
	_ =	strace $0xD0000000  }
0x3: {  	_ = 	snop  }
0x4: {  	_ = 	snop  }
0x5: {  	_ = 	snop  }
0x6: {  	_ = 	snop  }
0x7: {  	_ = 	snop  }
__scs_overlays_trampoline_lowered:
0x8: {  	[smem:$0x3FAE] =	sst s0  }
0x9: {  	[smem:$0x3FAF] =	sst s1  }
0xa: {  	[smem:$0x3FB0] =	sst s2  }
0xb: {  	[smem:$0x3FB1] =	sst s3  }
0xc: {  	[smem:$0x3FB2] =	sst s4  }
0xd: {  	[smem:$0x3FB3] =	sst s5  }
0xe: {  	[smem:$0x3FB4] =	sst s6  }
0xf: {  	[smem:$0x3FB5] =	sst s7  }
0x10: {  	[smem:$0x3FB6] =	sst s8  }
0x11: {  	[smem:$0x3FB7] =	sst s9;
	s0 =	simm.s32 @!p0 $0x0  }
0x12: {  	s1 =	sld [smem:$0x3F9D];
	s0 =	simm.s32 @p0 $0x1  }
0x13: {  	[smem:$0x3FB8] =	sst s0;
	s0 =	simm.s32 @!p1 $0x0  }
0x14: {  	s2 =	sld [smem:$0x3F9C];
	s0 =	simm.s32 @p1 $0x1  }
0x15: {  	[smem:$0x3FB9] =	sst s0;
	s0 =	simm.s32 @!p2 $0x0  }
0x16: {  	s3 =	sld [smem:$0x3FDB];
	s0 =	simm.s32 @p2 $0x1  }
0x17: {  	s4 =	simm.s32 $0x1BF5;
	[smem:$0x3FBB] =	sst s0  }
0x18: {  	s0 =	sld [smem:$0x3F9E];
	_ =	swait.ge [sflag:s4], $0x0  }
0x19: {  	s7 =	sld [smem:$0x3F9F]  }
0x1a: {  	s8 =	sadd.s32 $0xFFFFE003, lr  }
0x1b: {  	s9 =	sadd.s32 $0xFFFFFEF7, lr;
	s5 =	simm.s32 $0xFFFFFFFF;
	p2 =	slt.u32 s8, $0xFFFFF086  }
0x1c: {  	p1 =	slt.u32 s9, $0xF7A;
	s5 =	simm.s32 @!p2 $0x0  }
0x1d: {  	s5 =	simm.s32 @p1 $0x1;
	p0 =	seq.s32 s7, s2  }
0x1e: {  	s7 =	smul.u32 @!p0 $0xF7A, s2;
	p2 =	seq.s32 @!p0 s5, $0x0  }
0x1f: {  	s9 =	smul.u32 $0xF7A, s1;
	s8 =	simm.s32 @!p0 $0x1BF5;
	p2 =	por !p2, p0  }
0x20: {  	[sflag:s8] =	ssyncset.s32 @!p0 $0xFFFFF086;
	s6 =	sadd.s32 @!p0 s3, s7;
	s7 =	simm.s32 @!p0 $0x108  }
0x21: {  	s3 =	sadd.s32 s3, s9;
	s6 =	sadd.s32 @!p0 $0x88, s6;
	s7 =	simm.s32 @p2 $0x1082  }
0x22: {  	[simem:s7], [sflag:s8] =	dma.local @!p0 [hbm:s6], $0xF7A  }
0x23: {  	s9 =	sor.u32 $0xD0000000, s2;
	s6 =	simm.s32 $0x108;
	_ =	swait.ge @!p0 [sflag:s8], $0x0  }
0x24: {  	s3 =	sadd.s32 $0x88, s3;
	s6 =	simm.s32 @!p1 $0x1082;
	[sflag:s4] =	ssyncset.s32 $0xFFFFF086  }
0x25: {  	[simem:s6], [sflag:s4] =	dma.local [hbm:s3], $0xF7A  }
0x26: {  	[smem:$0x3F9F] =	sst s1;
	(tag) =	ssettag s2;
	_ =	strace s9  }
0x27: {  	s1 =	sld [smem:$0x3FAF]  }
0x28: {  	s2 =	sld [smem:$0x3FB0]  }
0x29: {  	s4 =	sld [smem:$0x3FB2]  }
0x2a: {  	p0 =	seq.s32 s5, $0x0;
	s5 =	sld [smem:$0x3FB3]  }
0x2b: {  	s6 =	sld [smem:$0x3FB4]  }
0x2c: {  	s7 =	sld [smem:$0x3FB5]  }
0x2d: {  	s3 =	simm.s32 $0x108;
	s8 =	sld [smem:$0x3FB6]  }
0x2e: {  	s3 =	simm.s32 @!p0 $0x1082;
	s9 =	sld [smem:$0x3FB7]  }
0x2f: {  	lr =	sadd.s32 s0, s3;
	s0 =	sld [smem:$0x3FAE]  }
0x30: {  	s3 =	sld [smem:$0x3FB1]  }
0x31: {  	[smem:$0x3FBA] =	sst s10  }
0x32: {  	s10 =	sld [smem:$0x3FB8];
	_ =	sdelay $0x3  }
0x33: {  	p0 =	seq.s32 s10, $0x1;
	s10 =	sld [smem:$0x3FBA];
	_ =	sdelay $0x3  }
0x34: {  	[smem:$0x3FBA] =	sst s10  }
0x35: {  	s10 =	sld [smem:$0x3FB9];
	_ =	sdelay $0x3  }
0x36: {  	p1 =	seq.s32 s10, $0x1;
	s10 =	sld [smem:$0x3FBA];
	_ =	sdelay $0x3  }
0x37: {  	[smem:$0x3FBA] =	sst s10  }
0x38: {  	s10 =	sld [smem:$0x3FBB]  }
0x39: {  	_ = 	snop;
	(pc) =	sbr.ind lr, $3  }
0x3a: {  	_ = 	snop  }
0x3b: {  	_ = 	snop  }
0x3c: {  	p2 =	seq.s32 s10, $0x1;
	s10 =	sld [smem:$0x3FBA]  }
0x3d: {  	_ =	shalt  }
0x3e: {  	_ =	shalt  }
0x3f: {  	_ =	shalt  }
0x40: {  	_ =	shalt  }
0x41: {  	_ =	shalt  }
0x42: {  	_ =	shalt  }
0x43: {  	_ =	shalt  }
0x44: {  	_ =	shalt  }
0x45: {  	_ =	shalt  }
0x46: {  	_ =	shalt  }
0x47: {  	_ =	shalt  }
0x48: {  	_ =	shalt  }
0x49: {  	_ =	shalt  }
0x4a: {  	_ =	shalt  }
0x4b: {  	_ =	shalt  }
0x4c: {  	_ =	shalt  }
0x4d: {  	_ =	shalt  }
0x4e: {  	_ =	shalt  }
0x4f: {  	_ =	shalt  }
0x50: {  	_ =	shalt  }
0x51: {  	_ =	shalt  }
0x52: {  	_ =	shalt  }
0x53: {  	_ =	shalt  }
0x54: {  	_ =	shalt  }
0x55: {  	_ =	shalt  }
0x56: {  	_ =	shalt  }
0x57: {  	_ =	shalt  }
0x58: {  	_ =	shalt  }
0x59: {  	_ =	shalt  }
0x5a: {  	_ =	shalt  }
0x5b: {  	_ =	shalt  }
0x5c: {  	_ =	shalt  }
0x5d: {  	_ =	shalt  }
0x5e: {  	_ =	shalt  }
0x5f: {  	_ =	shalt  }
0x60: {  	_ =	shalt  }
0x61: {  	_ =	shalt  }
0x62: {  	_ =	shalt  }
0x63: {  	_ =	shalt  }
0x64: {  	_ =	shalt  }
0x65: {  	_ =	shalt  }
0x66: {  	_ =	shalt  }
0x67: {  	_ =	shalt  }
0x68: {  	_ =	shalt  }
0x69: {  	_ =	shalt  }
0x6a: {  	_ =	shalt  }
0x6b: {  	_ =	shalt  }
0x6c: {  	_ =	shalt  }
0x6d: {  	_ =	shalt  }
0x6e: {  	_ =	shalt  }
0x6f: {  	_ =	shalt  }
0x70: {  	_ =	shalt  }
0x71: {  	_ =	shalt  }
0x72: {  	_ =	shalt  }
0x73: {  	_ =	shalt  }
0x74: {  	_ =	shalt  }
0x75: {  	_ =	shalt  }
0x76: {  	_ =	shalt  }
0x77: {  	_ =	shalt  }
0x78: {  	_ =	shalt  }
0x79: {  	_ =	shalt  }
0x7a: {  	_ =	shalt  }
0x7b: {  	_ =	shalt  }
0x7c: {  	_ =	shalt  }
0x7d: {  	_ =	shalt  }
0x7e: {  	_ =	shalt  }
0x7f: {  	_ =	shalt  }
0x80: {  	_ =	shalt  }
0x81: {  	_ =	shalt  }
0x82: {  	_ =	shalt  }
0x83: {  	_ =	shalt  }
0x84: {  	_ =	shalt  }
0x85: {  	_ =	shalt  }
0x86: {  	_ =	shalt  }
0x87: {  	_ =	shalt  }
.Lfunc_end0:
.L_simem_size_0:
called_computation_lowered:
.L_overlay_start_0:
0x88: {  	s2 =	sld [smem:$0x3FD9]  }
0x89: {  	s3 =	sld [smem:$0x3FFE];
	_ =	sdelay $0x1  }
0x8a: {  	s1 =	srdreg.scid  }
0x8b: {  	s0 =	sand.u32 $0x1, s1  }
0x8c: {  	s18 =	sshll.u32 s0, $0xA;
	s2 =	sadd.s32 s3, s2  }
0x8d: {  	s2 =	sadd.s32 s2, s18  }
0x8e: {  	[smem:$0x3FC6] =	sst s2  }
0x8f: {  	_ = 	snop  }
0x90: {  	s2 =	sld [smem:$0x3FC9]  }
0x91: {  	s19 =	sld [smem:$0x3FC8]  }
0x92: {  	s4 =	sld [smem:$0x3FD0];
	(tm) =	ssettm $0x1  }
0x93: {  	s5 =	sld [smem:$0x3FFB];
	_ =	sdelay $0x3  }
0x94: {  	_ =	strace s5  }
0x95: {  	s5 =	sld [smem:$0x3FFC];
	_ =	sdelay $0x3  }
0x96: {  	_ =	strace s5  }
0x97: {  	s5 =	sld [smem:$0x3FFD];
	_ =	sdelay $0x3  }
0x98: {  	_ =	strace s5  }
0x99: {  	_ =	strace $0x8FFFFFFF  }
0x9a: {  	s20 =	sld [smem:$0x3FDB];
	_ =	sdelay $0x1  }
0x9b: {  	s6 =	simm.s32 $_scs_section_size  }
0x9c: {  	s7 =	simm.s32 $_size__tile_overlayer_lowered;
	s8 =	simm.s32 $_tile_overlayer_lowered  }
0x9d: {  	s23 =	simm.s32 $0x1BFF;
	s22 =	sshll.u32 s8, $0x1;
	s5 =	sadd.s32 s6, s20  }
0x9e: {  	s9 =	simm.s32 $0x0;
	s21 =	sshll.u32 s7, $0x1;
	s7 =	sadd.s32 s22, s5  }
0x9f: {  	[timem:s9], [sflag:s23] =	dma.local [hbm:s7], s21  }
0xa0: {  	_ =	swait.ge [sflag:s23], s21  }
0xa1: {  	s6 =	ssub.s32 $0x0, s21;
	[sflag:s23] =	ssyncset.done $0x0  }
0xa2: {  	[sflag:s23] =	ssyncadd.s32 s6;
	_ =	sdelay $0x1  }
0xa3: {  	s24 =	simm.s32 $0x1B8B  }
0xa4: {  	_ =	swait.ge [sflag:s24], $0x1  }
0xa5: {  	[sflag:s24] =	ssyncset.done $0x0  }
0xa6: {  	s25 =	simm.s32 $0x1B8E;
	[sflag:s24] =	ssyncadd.s32 $0xFFFFFFFF  }
0xa7: {  	s26 =	simm.s32 $execute0_lowered;
	[smem:$0x3FD2] =	sst s25  }
0xa8: {  	s6 =	sshll.u32 s26, $0x1;
	_ =	strace $0x80000046;
	[dreg:$0x1] =	wrdreg $0xFFFFFFFF  }
0xa9: {  	s28 =	simm.s32 $_size_execute0_lowered;
	s5 =	sadd.s32 s5, s6;
	[dreg:$0x0] =	wrdreg $0x0  }
0xaa: {  	s6 =	sshll.u32 s28, $0x1;
	[dreg:$0x2] =	wrdreg s5  }
0xab: {  	[dreg:$0x3] =	wrdreg s6  }
0xac: {  	[dreg:$0x4] =	wrdreg $0xC0  }
0xad: {  	_ =	task [dreg:s9], $0x5FFFF  }
0xae: {  	[dreg:$0x1] =	wrdreg $0xFFFFFFFF  }
0xaf: {  	[dreg:$0x0] =	wrdreg $0x60  }
0xb0: {  	[dreg:$0x2] =	wrdreg s2  }
0xb1: {  	[dreg:$0x3] =	wrdreg s19  }
0xb2: {  	[dreg:$0x4] =	wrdreg s4  }
0xb3: {  	[dreg:$0x5] =	wrdreg $0x9  }
0xb4: {  	_ =	task.clear_ibuf [dreg:s9], $0x6FFFF;
	_ =	strace $0x90000046  }
0xb5: {  	s29 =	simm.s32 $0x9;
	_ =	strace $0x80000048  }
0xb6: {  	_ =	swait.ge [sflag:s29], $0x1  }
0xb7: {  	[sflag:s29] =	ssyncadd.s32 $0xFFFFFFFF  }
0xb8: {  	_ =	strace $0x90000048  }
0xb9: {  	_ =	sfence  }
0xba: {  	s30 =	sld [smem:$0x0];
	_ =	sdelay $0x2  }
0xbb: {  	s31 =	sshll.u32 s1, $0xD;
	s1 =	sshrl.u32 s1, $0x2  }
0xbc: {  	s3 =	sand.u32 $0x4000, s31;
	s1 =	sadd.s32 s1, s30  }
0xbd: {  	s0 =	sor.u32 s3, s0;
	s1 =	sshll.u32 s1, $0x11  }
0xbe: {  	s0 =	sor.u32 s1, s0  }
0xbf: {  	s0 =	sadd.s32 $0x8F2B, s0  }
0xc0: {  	[sflag:s0] =	ssyncadd.remote.s32 $0x1  }
0xc1: {  	_ =	sfence.sel $0xFFFF  }
0xc2: {  	[dreg:$0x0] =	wrdreg $0xFFFFFFFF;
	(pc) =	sbr.abs _section_cstart, $3  }
0xc3: {  	[dreg:$0x1] =	wrdreg $0xFFFFFFFF  }
0xc4: {  	_ =	task.clear_ibuf [dreg:s9], $0x2FFFF;
	_ =	strace $0x9FFFFFFF  }
0xc5: {  	(tm) =	ssettm $0x7FFFFFFF  }
tec
execute0_lowered:
.L_overlay_start_1:
0x0: {  	(tag) =	ssettag $0x1  }
0x1: {  	s0 =	rddreg [dreg:$0x0]  }
0x2: {  	s1 =	rddreg [dreg:$0x1]  }
0x3: {  	s2 =	rddreg [dreg:$0x2];
	s5 =	simm.s32 $0x0;
	s4 =	srdreg.scid  }
0x4: {  	s3 =	stileid.u32;
	[smem:$0x7FF] =	sst s5  }
0x5: {  	s6 =	sand.u32 $0x1, s4;
	s7 =	sshrl.u32 s3, $0x1;
	s15 =	sshll.u32 s3, $0x1  }
0x6: {  	s9 =	sand.u32 $0x1, s3;
	s3 =	simm.s32 $0x0;
	s8 =	smul.u32 $0x320, s7  }
0x7: {  	s16 =	ssub.s32 $0x2, s6;
	s4 =	sand.u32 $0x2, s15;
	s10 =	smul.u32 $0x9C400, s9  }
0x8: {  	_ =	strace $0x80000047;
	s17 =	sshll.u32 s7, $0x7;
	s20 =	smul.u32 $0x4E2, s9  }
0x9: {  	s11 =	sshrl.u32 s16, $0x1;
	s12 =	sor.u32 s6, s4;
	s4 =	smul.u32 $0x4E200, s6  }
0xa: {  	s6 =	smul.u32 $0x271, s6;
	s11 =	ssub.s32 s16, s11;
	s0 =	sadd.s32 s0, s8  }
0xb: {  	s5 =	smul.u32 $0x271, s12;
	[dreg:$0xa] =	wrdreg s0;
	s18 =	sadd.s32 s4, s10  }
0xc: {  	s21 =	sshrl.u32 s10, $0x2;
	s22 =	smax.u32 s11, $0x1;
	[dreg:$0xb] =	wrdreg s18  }
0xd: {  	s8 =	sadd.s32 s2, s17;
	s23 =	sadd.s32 $0x5780, s21;
	[dreg:$0xc] =	wrdreg s22  }
0xe: {  	s2 =	sadd.s32 s6, s20;
	s24 =	sadd.s32 $0x5790, s21;
	[dreg:$0x4] =	wrdreg s23  }
0xf: {  	s26 =	sadd.s32 $0x57A0, s21;
	s13 =	sadd.s32 $0x3200, s21;
	[dreg:$0x5] =	wrdreg s24  }
0x10: {  	s28 =	sadd.s32 $0x57B0, s21;
	s30 =	sadd.s32 $0x57C0, s21;
	[dreg:$0x6] =	wrdreg s26  }
0x11: {  	s31 =	sadd.s32 $0x57D0, s21;
	s16 =	sadd.s32 $0x57E0, s21;
	[dreg:$0x7] =	wrdreg s28  }
0x12: {  	s17 =	sadd.s32 $0x57F0, s21;
	s20 =	simm.s32 $0x1;
	[dreg:$0xe] =	wrdreg s2  }
0x13: {  	s21 =	simm.s32 $0x400;
	s19 =	sor.u32 $0x1C0, s18;
	[dreg:$0x8] =	wrdreg s30  }
.Ltmp0:
0x14: {  	s25 =	sadd.s32 $0x19, s2;
	[dreg:$0x9] =	wrdreg s31;
	(pc) =	sbr.rel .LBB2_1-.Ltmp0, $4  }
0x15: {  	s29 =	sadd.s32 $0x32, s2;
	s2 =	sadd.s32 $0x4B, s2;
	[dreg:$0xf] =	wrdreg s25  }
0x16: {  	s22 =	simm.s32 $0x2000;
	s0 =	sshrl.u32 s19, $0x2;
	[dreg:$0x10] =	wrdreg s29  }
0x17: {  	v0 =	vlaneseq.u32;
	s23 =	simm.s32 $0x8B00;
	[dreg:$0x11] =	wrdreg s2;
	s0 =	sadd.s32 $0x3200, s0  }
0x18: {  	v0 =	vmul.u32 $0x32, v0;
	s26 =	simm.s32 $0xEF00;
	s19 =	simm.s32 $0x80;
	[dreg:$0xd] =	wrdreg s0  }
.LBB2_21:
0x19: {  	s2 =	simm.s32 $0x2  }
0x1a: {  	_ =	swait.ge [sflag:s2], $0x6400  }
0x1b: {  	[sflag:s2] =	ssyncset.done $0x0  }
0x1c: {  	[sflag:s2] =	ssyncadd.s32 $0xFFFF9C00  }
0x1d: {  	_ =	swait.ge [sflag:s2], $0x6400  }
0x1e: {  	s3 =	rddreg [dreg:$0x12]  }
0x1f: {  	s0 =	rddreg [dreg:$0xc];
	s3 =	sadd.s32 $0x1, s3  }
0x20: {  	p0 =	sne.s32 s3, s0  }
.Ltmp1:
0x21: {  	_ = 	snop;
	(pc) =	sbr.rel @!p0 .LBB2_22-.Ltmp1, $3  }
0x22: {  	_ =	sdelay $0x1  }
0x23: {  	[sflag:s2] =	ssyncset.done $0x0  }
0x24: {  	[sflag:s2] =	ssyncadd.s32 $0xFFFF9C00  }
.LBB2_1:
0x25: {  	[dreg:$0x12] =	wrdreg s3;
	s15 =	simm.s32 $0x0  }
0x26: {  	s0 =	rddreg [dreg:$0xa];
	s18 =	simm.s32 $0x3;
	v1 =	vadd.s32 s15, v0  }
0x27: {  	[tilespmem:s15], [sflag:$0x3] =	stream.linear.gather [hbm4b:s0+s15], $0x1900, $0x38;
	[tilespmem:$0x15300] =	vst v63  }
0x28: {  	_ =	swait.ge [sflag:s18], $0x1900  }
0x29: {  	[sflag:s18] =	ssyncset.done $0x0  }
0x2a: {  	[sflag:s18] =	ssyncadd.s32 $0xFFFFE700  }
0x2b: {  	v1 =	vld.idx.msk [tilespmem:v1+s15+$0x0], $0xffff;
	_ =	sdelay $0x2  }
0x2c: {  	s24 =	simm.s32 $0x320  }
0x2d: {  	v2 =	vadd.s32 s24, v0  }
0x2e: {  	v3 =	vmul.u32 $0x2710, v1  }
0x2f: {  	s2 =	simm.s32 $0x1940  }
0x30: {  	s0 =	simm.s32 $0x3240;
	[tilespmem:s2+$0xFFFFFFC0] =	vst v3  }
0x31: {  	[tilespmem:s0+$0xFFFFFFC0] =	vst v1  }
0x32: {  	v1 =	vld.idx.msk [tilespmem:v2+s15+$0x0], $0xffff;
	_ =	sdelay $0x2  }
0x33: {  	s6 =	simm.s32 $0x640  }
0x34: {  	v2 =	vadd.s32 s6, v0  }
0x35: {  	v3 =	vmul.u32 $0x2710, v1;
	_ =	sdelay $0x1  }
0x36: {  	[tilespmem:s2+$0xFFFFFFD0] =	vst v3  }
0x37: {  	[tilespmem:s0+$0xFFFFFFD0] =	vst v1  }
0x38: {  	v1 =	vld.idx.msk [tilespmem:v2+s15+$0x0], $0xffff;
	_ =	sdelay $0x2  }
0x39: {  	s25 =	simm.s32 $0x960  }
0x3a: {  	v2 =	vadd.s32 s25, v0  }
0x3b: {  	v3 =	vmul.u32 $0x2710, v1;
	_ =	sdelay $0x1  }
0x3c: {  	[tilespmem:s2+$0xFFFFFFE0] =	vst v3  }
0x3d: {  	[tilespmem:s0+$0xFFFFFFE0] =	vst v1  }
0x3e: {  	v1 =	vld.idx.msk [tilespmem:v2+s15+$0x0], $0xffff;
	_ =	sdelay $0x2  }
0x3f: {  	s28 =	simm.s32 $0xC80  }
0x40: {  	v2 =	vadd.s32 s28, v0  }
0x41: {  	v3 =	vmul.u32 $0x2710, v1;
	_ =	sdelay $0x1  }
0x42: {  	[tilespmem:s2+$0xFFFFFFF0] =	vst v3  }
0x43: {  	[tilespmem:s0+$0xFFFFFFF0] =	vst v1  }
0x44: {  	v1 =	vld.idx.msk [tilespmem:v2+s15+$0x0], $0xffff;
	_ =	sdelay $0x2  }
0x45: {  	s29 =	simm.s32 $0xFA0  }
0x46: {  	v2 =	vadd.s32 s29, v0  }
0x47: {  	v3 =	vmul.u32 $0x2710, v1;
	_ =	sdelay $0x1  }
0x48: {  	[tilespmem:s2+$0x0] =	vst v3  }
0x49: {  	[tilespmem:s0+$0x0] =	vst v1  }
0x4a: {  	v1 =	vld.idx.msk [tilespmem:v2+s15+$0x0], $0xffff;
	_ =	sdelay $0x2  }
0x4b: {  	s30 =	simm.s32 $0x12C0  }
0x4c: {  	v2 =	vadd.s32 s30, v0  }
0x4d: {  	v3 =	vmul.u32 $0x2710, v1;
	_ =	sdelay $0x1  }
0x4e: {  	[tilespmem:s2+$0x10] =	vst v3  }
0x4f: {  	[tilespmem:s0+$0x10] =	vst v1  }
0x50: {  	v1 =	vld.idx.msk [tilespmem:v2+s15+$0x0], $0xffff;
	_ =	sdelay $0x2  }
0x51: {  	s31 =	simm.s32 $0x15E0  }
0x52: {  	v2 =	vadd.s32 s31, v0  }
0x53: {  	v3 =	vmul.u32 $0x2710, v1;
	_ =	sdelay $0x1  }
0x54: {  	[tilespmem:s2+$0x20] =	vst v3  }
0x55: {  	[tilespmem:s0+$0x20] =	vst v1  }
0x56: {  	v1 =	vld.idx.msk [tilespmem:v2+s15+$0x0], $0xffff;
	_ =	sdelay $0x3  }
0x57: {  	s9 =	simm.s32 $0x1  }
0x58: {  	v2 =	vadd.s32 s9, v0;
	v3 =	vmul.u32 $0x2710, v1;
	_ =	sdelay $0x1  }
0x59: {  	s12 =	simm.s32 $0x2;
	s6 =	simm.s32 $0x0;
	[tilespmem:s2+$0x30] =	vst v3;
	s2 =	simm.s32 $0x19C0  }
.LBB2_2:
0x5a: {  	s10 =	simm.s32 $0x0  }
0x5b: {  	[tilespmem:s0+$0x30] =	vst v1;
	s0 =	sadd.s32 $0x80, s0;
	s14 =	smov.u32 s12;
	s7 =	sadd.s32 $0x1, s12  }
0x5c: {  	p0 =	sne.s32 s12, $0x31;
	v1 =	vld.idx.msk [tilespmem:v2+s6+$0x0], $0xffff;
	_ =	sdelay $0x3  }
0x5d: {  	s12 =	sadd.s32 $0x320, s9  }
0x5e: {  	v2 =	vadd.s32 s12, v0  }
0x5f: {  	v3 =	vmul.u32 $0x2710, v1;
	_ =	sdelay $0x1  }
0x60: {  	[tilespmem:s2+$0xFFFFFFC0] =	vst v3  }
0x61: {  	[tilespmem:s0+$0xFFFFFFC0] =	vst v1  }
0x62: {  	v1 =	vld.idx.msk [tilespmem:v2+s6+$0x0], $0xffff;
	_ =	sdelay $0x3  }
0x63: {  	s12 =	sadd.s32 $0x640, s9  }
0x64: {  	v2 =	vadd.s32 s12, v0  }
0x65: {  	v3 =	vmul.u32 $0x2710, v1;
	_ =	sdelay $0x1  }
0x66: {  	[tilespmem:s2+$0xFFFFFFD0] =	vst v3  }
0x67: {  	[tilespmem:s0+$0xFFFFFFD0] =	vst v1  }
0x68: {  	v1 =	vld.idx.msk [tilespmem:v2+s6+$0x0], $0xffff;
	_ =	sdelay $0x3  }
0x69: {  	s12 =	sadd.s32 $0x960, s9  }
0x6a: {  	v2 =	vadd.s32 s12, v0  }
0x6b: {  	v3 =	vmul.u32 $0x2710, v1;
	_ =	sdelay $0x1  }
0x6c: {  	[tilespmem:s2+$0xFFFFFFE0] =	vst v3  }
0x6d: {  	[tilespmem:s0+$0xFFFFFFE0] =	vst v1  }
0x6e: {  	v1 =	vld.idx.msk [tilespmem:v2+s6+$0x0], $0xffff;
	_ =	sdelay $0x3  }
0x6f: {  	s12 =	sadd.s32 $0xC80, s9  }
0x70: {  	v2 =	vadd.s32 s12, v0  }
0x71: {  	v3 =	vmul.u32 $0x2710, v1;
	_ =	sdelay $0x1  }
0x72: {  	[tilespmem:s2+$0xFFFFFFF0] =	vst v3  }
0x73: {  	[tilespmem:s0+$0xFFFFFFF0] =	vst v1  }
0x74: {  	v1 =	vld.idx.msk [tilespmem:v2+s6+$0x0], $0xffff;
	_ =	sdelay $0x3  }
0x75: {  	s12 =	sadd.s32 $0xFA0, s9  }
0x76: {  	v2 =	vadd.s32 s12, v0  }
0x77: {  	v3 =	vmul.u32 $0x2710, v1;
	_ =	sdelay $0x1  }
0x78: {  	[tilespmem:s2+$0x0] =	vst v3  }
0x79: {  	[tilespmem:s0+$0x0] =	vst v1  }
0x7a: {  	v1 =	vld.idx.msk [tilespmem:v2+s6+$0x0], $0xffff;
	_ =	sdelay $0x3  }
0x7b: {  	s12 =	sadd.s32 $0x12C0, s9  }
0x7c: {  	v2 =	vadd.s32 s12, v0  }
0x7d: {  	v3 =	vmul.u32 $0x2710, v1;
	_ =	sdelay $0x1  }
0x7e: {  	[tilespmem:s2+$0x10] =	vst v3  }
0x7f: {  	[tilespmem:s0+$0x10] =	vst v1  }
0x80: {  	v1 =	vld.idx.msk [tilespmem:v2+s6+$0x0], $0xffff;
	_ =	sdelay $0x3  }
0x81: {  	s12 =	sadd.s32 $0x15E0, s9;
	s9 =	smov.u32 s14  }
0x82: {  	v2 =	vadd.s32 s12, v0  }
0x83: {  	v3 =	vmul.u32 $0x2710, v1;
	_ =	sdelay $0x1  }
0x84: {  	[tilespmem:s2+$0x20] =	vst v3  }
0x85: {  	[tilespmem:s0+$0x20] =	vst v1  }
0x86: {  	v1 =	vld.idx.msk [tilespmem:v2+s6+$0x0], $0xffff;
	s6 =	smov.u32 s10;
	_ =	sdelay $0x3  }
.Ltmp2:
0x87: {  	(pc) =	sbr.rel @p0 .LBB2_2-.Ltmp2, $3  }
0x88: {  	v2 =	vadd.s32 s9, v0  }
0x89: {  	v3 =	vmul.u32 $0x2710, v1;
	_ =	sdelay $0x1  }
0x8a: {  	s12 =	smov.u32 s7;
	[tilespmem:s2+$0x30] =	vst v3;
	s2 =	sadd.s32 $0x80, s2  }
0x8b: {  	_ =	sdelay $0x2  }
0x8c: {  	[tilespmem:s0+$0x30] =	vst v1  }
0x8d: {  	v1 =	vld.idx.msk [tilespmem:v2+s6+$0x0], $0xffff;
	_ =	sdelay $0x2  }
0x8e: {  	s7 =	sadd.s32 $0x320, s9  }
0x8f: {  	v2 =	vadd.s32 s7, v0  }
0x90: {  	v3 =	vmul.u32 $0x2710, v1;
	_ =	sdelay $0x1  }
0x91: {  	s11 =	sadd.s32 $0x80, s0;
	[tilespmem:s2+$0xFFFFFFC0] =	vst v3  }
0x92: {  	[tilespmem:s11+$0xFFFFFFC0] =	vst v1  }
0x93: {  	v1 =	vld.idx.msk [tilespmem:v2+s6+$0x0], $0xffff;
	_ =	sdelay $0x2  }
0x94: {  	s12 =	sadd.s32 $0x640, s9  }
0x95: {  	v2 =	vadd.s32 s12, v0  }
0x96: {  	v3 =	vmul.u32 $0x2710, v1;
	_ =	sdelay $0x1  }
0x97: {  	[tilespmem:s2+$0xFFFFFFD0] =	vst v3  }
0x98: {  	[tilespmem:s11+$0xFFFFFFD0] =	vst v1  }
0x99: {  	v1 =	vld.idx.msk [tilespmem:v2+s6+$0x0], $0xffff;
	_ =	sdelay $0x2  }
0x9a: {  	s14 =	sadd.s32 $0x960, s9  }
0x9b: {  	v2 =	vadd.s32 s14, v0  }
0x9c: {  	v3 =	vmul.u32 $0x2710, v1;
	_ =	sdelay $0x1  }
0x9d: {  	[tilespmem:s2+$0xFFFFFFE0] =	vst v3  }
0x9e: {  	[tilespmem:s11+$0xFFFFFFE0] =	vst v1  }
0x9f: {  	v1 =	vld.idx.msk [tilespmem:v2+s6+$0x0], $0xffff;
	_ =	sdelay $0x2  }
0xa0: {  	s15 =	sadd.s32 $0xC80, s9  }
0xa1: {  	v2 =	vadd.s32 s15, v0  }
0xa2: {  	v3 =	vmul.u32 $0x2710, v1;
	_ =	sdelay $0x1  }
0xa3: {  	[tilespmem:s2+$0xFFFFFFF0] =	vst v3  }
0xa4: {  	[tilespmem:s11+$0xFFFFFFF0] =	vst v1  }
0xa5: {  	v1 =	vld.idx.msk [tilespmem:v2+s6+$0x0], $0xffff;
	_ =	sdelay $0x2  }
0xa6: {  	s18 =	sadd.s32 $0xFA0, s9  }
0xa7: {  	v2 =	vadd.s32 s18, v0  }
0xa8: {  	v3 =	vmul.u32 $0x2710, v1;
	_ =	sdelay $0x1  }
0xa9: {  	[tilespmem:s2+$0x0] =	vst v3  }
0xaa: {  	[tilespmem:s11+$0x0] =	vst v1  }
0xab: {  	v1 =	vld.idx.msk [tilespmem:v2+s6+$0x0], $0xffff;
	_ =	sdelay $0x2  }
0xac: {  	s24 =	sadd.s32 $0x12C0, s9  }
0xad: {  	v2 =	vadd.s32 s24, v0  }
0xae: {  	v3 =	vmul.u32 $0x2710, v1;
	_ =	sdelay $0x1  }
0xaf: {  	[tilespmem:s2+$0x10] =	vst v3  }
0xb0: {  	[tilespmem:s11+$0x10] =	vst v1  }
0xb1: {  	v1 =	vld.idx.msk [tilespmem:v2+s6+$0x0], $0xffff;
	_ =	sdelay $0x2  }
0xb2: {  	s25 =	sadd.s32 $0x15E0, s9  }
0xb3: {  	v2 =	vadd.s32 s25, v0  }
0xb4: {  	v3 =	vmul.u32 $0x2710, v1;
	_ =	sdelay $0x1  }
0xb5: {  	[tilespmem:s2+$0x20] =	vst v3  }
0xb6: {  	[tilespmem:s11+$0x20] =	vst v1  }
0xb7: {  	v1 =	vld.idx.msk [tilespmem:v2+s6+$0x0], $0xffff;
	_ =	sdelay $0x1  }
0xb8: {  	s10 =	rddreg [dreg:$0xe]  }
0xb9: {  	s28 =	smulhi.u32 $0x51EB851F, s10;
	_ =	sdelay $0x1  }
0xba: {  	s29 =	sshrl.u32 s28, $0x4;
	v2 =	vmul.u32 $0x2710, v1  }
0xbb: {  	s7 =	smul.u32 $0xFFFF9C00, s29  }
0xbc: {  	s30 =	sshll.u32 s28, $0x3;
	[tilespmem:s2+$0x30] =	vst v2  }
0xbd: {  	s9 =	rddreg [dreg:$0xd];
	s31 =	sshra.s32 s7, $0x2;
	s6 =	sand.u32 $0x3FFFFF80, s30;
	[tilespmem:s11+$0x30] =	vst v1  }
0xbe: {  	s0 =	sadd.s32 s31, s9;
	v1 =	vld [tilespmem:s6+$0x1900]  }
0xbf: {  	v2 =	vld [tilespmem:s0+$0xFFFFFF90];
	_ =	sdelay $0x4  }
0xc0: {  	s2 =	simm.s32 $0x0;
	v1 =	vadd.s32 v1, v2  }
0xc1: {  	[tilespmem:s2+$0x4B00] =	vst v1  }
0xc2: {  	v1 =	vld [tilespmem:s6+$0x1910]  }
0xc3: {  	v2 =	vld [tilespmem:s0+$0xFFFFFFA0];
	_ =	sdelay $0x4  }
0xc4: {  	v1 =	vadd.s32 v1, v2  }
0xc5: {  	[tilespmem:s2+$0x4B10] =	vst v1  }
0xc6: {  	v1 =	vld [tilespmem:s6+$0x1920]  }
0xc7: {  	v2 =	vld [tilespmem:s0+$0xFFFFFFB0];
	_ =	sdelay $0x4  }
0xc8: {  	v1 =	vadd.s32 v1, v2  }
0xc9: {  	[tilespmem:s2+$0x4B20] =	vst v1  }
0xca: {  	v1 =	vld [tilespmem:s6+$0x1930]  }
0xcb: {  	v2 =	vld [tilespmem:s0+$0xFFFFFFC0];
	_ =	sdelay $0x4  }
0xcc: {  	v1 =	vadd.s32 v1, v2  }
0xcd: {  	[tilespmem:s2+$0x4B30] =	vst v1  }
0xce: {  	v1 =	vld [tilespmem:s6+$0x1940]  }
0xcf: {  	v2 =	vld [tilespmem:s0+$0xFFFFFFD0];
	_ =	sdelay $0x4  }
0xd0: {  	v1 =	vadd.s32 v1, v2  }
0xd1: {  	[tilespmem:s2+$0x4B40] =	vst v1  }
0xd2: {  	v1 =	vld [tilespmem:s6+$0x1950]  }
0xd3: {  	v2 =	vld [tilespmem:s0+$0xFFFFFFE0];
	_ =	sdelay $0x4  }
0xd4: {  	v1 =	vadd.s32 v1, v2  }
0xd5: {  	[tilespmem:s2+$0x4B50] =	vst v1  }
0xd6: {  	v1 =	vld [tilespmem:s6+$0x1960]  }
0xd7: {  	s7 =	simm.s32 $0x200;
	v2 =	vld [tilespmem:s0+$0xFFFFFFF0]  }
.LBB2_4:
0xd8: {  	_ =	sdelay $0x2  }
0xd9: {  	p0 =	sne.s32 s7, $0x3000;
	s9 =	sadd.s32 $0x80, s9;
	s10 =	sadd.s32 $0x1, s10  }
0xda: {  	s12 =	smov.u32 s7;
	s7 =	sadd.s32 $0x200, s7;
	v1 =	vadd.s32 v1, v2  }
0xdb: {  	s14 =	smulhi.u32 $0x51EB851F, s10;
	[tilespmem:s2+$0x4B60] =	vst v1  }
0xdc: {  	v1 =	vld [tilespmem:s6+$0x1970]  }
0xdd: {  	s6 =	sshrl.u32 s14, $0x4;
	s14 =	sshll.u32 s14, $0x3;
	v2 =	vld [tilespmem:s0+$0x0]  }
0xde: {  	s0 =	smul.u32 $0xFFFF9C00, s6;
	_ =	sdelay $0x1  }
0xdf: {  	s0 =	sshra.s32 s0, $0x2  }
0xe0: {  	s15 =	sadd.s32 $0x4B00, s2;
	s18 =	sadd.s32 $0x6B00, s2;
	s0 =	sadd.s32 s0, s9  }
0xe1: {  	s6 =	sand.u32 $0x3FFFFF80, s14;
	v1 =	vadd.s32 v1, v2  }
0xe2: {  	[tilespmem:s2+$0x4B70] =	vst v1  }
0xe3: {  	[tilespmem:s18], [sflag:$0x1] =	stream.indirect.gather [hbm4b:s1+s19], $0x1, s15, s19, $0xb8;
	[tilespmem:$0x15300] =	vst v63  }
0xe4: {  	v1 =	vld [tilespmem:s6+$0x1900]  }
0xe5: {  	v2 =	vld [tilespmem:s0+$0xFFFFFF90];
	_ =	sdelay $0x4  }
0xe6: {  	s2 =	sshra.s32 s12, $0x2;
	v1 =	vadd.s32 v1, v2  }
0xe7: {  	[tilespmem:s2+$0x4B00] =	vst v1  }
0xe8: {  	v1 =	vld [tilespmem:s6+$0x1910]  }
0xe9: {  	v2 =	vld [tilespmem:s0+$0xFFFFFFA0];
	_ =	sdelay $0x4  }
0xea: {  	v1 =	vadd.s32 v1, v2  }
0xeb: {  	[tilespmem:s2+$0x4B10] =	vst v1  }
0xec: {  	v1 =	vld [tilespmem:s6+$0x1920]  }
0xed: {  	v2 =	vld [tilespmem:s0+$0xFFFFFFB0];
	_ =	sdelay $0x4  }
0xee: {  	v1 =	vadd.s32 v1, v2  }
0xef: {  	[tilespmem:s2+$0x4B20] =	vst v1  }
0xf0: {  	v1 =	vld [tilespmem:s6+$0x1930]  }
0xf1: {  	v2 =	vld [tilespmem:s0+$0xFFFFFFC0];
	_ =	sdelay $0x4  }
0xf2: {  	v1 =	vadd.s32 v1, v2  }
0xf3: {  	[tilespmem:s2+$0x4B30] =	vst v1  }
0xf4: {  	v1 =	vld [tilespmem:s6+$0x1940]  }
0xf5: {  	v2 =	vld [tilespmem:s0+$0xFFFFFFD0];
	_ =	sdelay $0x4  }
0xf6: {  	v1 =	vadd.s32 v1, v2  }
0xf7: {  	[tilespmem:s2+$0x4B40] =	vst v1  }
0xf8: {  	v1 =	vld [tilespmem:s6+$0x1950]  }
0xf9: {  	v2 =	vld [tilespmem:s0+$0xFFFFFFE0];
	_ =	sdelay $0x3  }
.Ltmp3:
0xfa: {  	(pc) =	sbr.rel @p0 .LBB2_4-.Ltmp3, $4  }
0xfb: {  	v1 =	vadd.s32 v1, v2  }
0xfc: {  	[tilespmem:s2+$0x4B50] =	vst v1  }
0xfd: {  	v1 =	vld [tilespmem:s6+$0x1960]  }
0xfe: {  	v2 =	vld [tilespmem:s0+$0xFFFFFFF0]  }
0xff: {  	_ =	sdelay $0x3  }
0x100: {  	v1 =	vadd.s32 v1, v2  }
0x101: {  	[tilespmem:s2+$0x4B60] =	vst v1  }
0x102: {  	v1 =	vld [tilespmem:s6+$0x1970]  }
0x103: {  	s10 =	rddreg [dreg:$0xf];
	v2 =	vld [tilespmem:s0+$0x0]  }
0x104: {  	s28 =	smulhi.u32 $0x51EB851F, s10;
	_ =	sdelay $0x1  }
0x105: {  	s29 =	sshrl.u32 s28, $0x4  }
0x106: {  	s30 =	smul.u32 $0xFFFF9C00, s29  }
0x107: {  	s7 =	sadd.s32 $0x4B00, s2;
	s9 =	sadd.s32 $0x6B00, s2;
	s31 =	rddreg [dreg:$0xb];
	v1 =	vadd.s32 v1, v2  }
0x108: {  	s0 =	sshll.u32 s28, $0x3;
	s6 =	sshra.s32 s30, $0x2;
	[tilespmem:s2+$0x4B70] =	vst v1;
	s2 =	sshrl.u32 s31, $0x2  }
0x109: {  	[tilespmem:s9], [sflag:$0x1] =	stream.indirect.gather [hbm4b:s1+s19], $0x1, s7, s19, $0xb8;
	[tilespmem:$0x15300] =	vst v63  }
0x10a: {  	s6 =	sadd.s32 s2, s6;
	s9 =	sand.u32 $0x3FFFFF80, s0  }
0x10b: {  	s6 =	sadd.s32 $0x0, s6;
	v1 =	vld [tilespmem:s9+$0x1900]  }
0x10c: {  	v2 =	vld [tilespmem:s6+$0x3E80];
	_ =	sdelay $0x4  }
0x10d: {  	s0 =	simm.s32 $0x0;
	v1 =	vadd.s32 v1, v2  }
0x10e: {  	[tilespmem:s0+$0x5B00] =	vst v1  }
0x10f: {  	v1 =	vld [tilespmem:s9+$0x1910]  }
0x110: {  	v2 =	vld [tilespmem:s6+$0x3E90];
	_ =	sdelay $0x4  }
0x111: {  	v1 =	vadd.s32 v1, v2  }
0x112: {  	[tilespmem:s0+$0x5B10] =	vst v1  }
0x113: {  	v1 =	vld [tilespmem:s9+$0x1920]  }
0x114: {  	v2 =	vld [tilespmem:s6+$0x3EA0];
	_ =	sdelay $0x4  }
0x115: {  	v1 =	vadd.s32 v1, v2  }
0x116: {  	[tilespmem:s0+$0x5B20] =	vst v1  }
0x117: {  	v1 =	vld [tilespmem:s9+$0x1930]  }
0x118: {  	v2 =	vld [tilespmem:s6+$0x3EB0];
	_ =	sdelay $0x4  }
0x119: {  	v1 =	vadd.s32 v1, v2  }
0x11a: {  	[tilespmem:s0+$0x5B30] =	vst v1  }
0x11b: {  	v1 =	vld [tilespmem:s9+$0x1940]  }
0x11c: {  	v2 =	vld [tilespmem:s6+$0x3EC0];
	_ =	sdelay $0x4  }
0x11d: {  	v1 =	vadd.s32 v1, v2  }
0x11e: {  	[tilespmem:s0+$0x5B40] =	vst v1  }
0x11f: {  	v1 =	vld [tilespmem:s9+$0x1950]  }
0x120: {  	v2 =	vld [tilespmem:s6+$0x3ED0];
	_ =	sdelay $0x4  }
0x121: {  	v1 =	vadd.s32 v1, v2  }
0x122: {  	[tilespmem:s0+$0x5B50] =	vst v1  }
0x123: {  	v1 =	vld [tilespmem:s9+$0x1960]  }
0x124: {  	v2 =	vld [tilespmem:s6+$0x3EE0];
	_ =	sdelay $0x1  }
0x125: {  	s7 =	simm.s32 $0x200  }
.LBB2_6:
0x126: {  	p0 =	sne.s32 s7, $0x3000  }
0x127: {  	s10 =	sadd.s32 $0x1, s10;
	s12 =	smov.u32 s7;
	s7 =	sadd.s32 $0x200, s7  }
0x128: {  	s14 =	smulhi.u32 $0x51EB851F, s10;
	v1 =	vadd.s32 v1, v2  }
0x129: {  	[tilespmem:s0+$0x5B60] =	vst v1  }
0x12a: {  	s15 =	sshrl.u32 s14, $0x4;
	s14 =	sshll.u32 s14, $0x3;
	v1 =	vld [tilespmem:s9+$0x1970]  }
0x12b: {  	s9 =	smul.u32 $0xFFFF9C00, s15;
	v2 =	vld [tilespmem:s6+$0x3EF0];
	_ =	sdelay $0x1  }
0x12c: {  	s6 =	sshra.s32 s9, $0x2  }
0x12d: {  	s12 =	sshra.s32 s12, $0x2;
	s6 =	sadd.s32 s2, s6  }
0x12e: {  	s18 =	sadd.s32 $0x7B00, s0;
	s15 =	sadd.s32 $0x5B00, s0;
	s6 =	sadd.s32 s12, s6  }
0x12f: {  	s9 =	sand.u32 $0x3FFFFF80, s14;
	v1 =	vadd.s32 v1, v2  }
0x130: {  	[tilespmem:s0+$0x5B70] =	vst v1;
	s0 =	smov.u32 s12  }
0x131: {  	[tilespmem:s18], [sflag:$0x1] =	stream.indirect.gather [hbm4b:s1+s19], $0x1, s15, s19, $0xb8;
	[tilespmem:$0x15300] =	vst v63  }
0x132: {  	v1 =	vld [tilespmem:s9+$0x1900]  }
0x133: {  	v2 =	vld [tilespmem:s6+$0x3E80];
	_ =	sdelay $0x4  }
0x134: {  	v1 =	vadd.s32 v1, v2  }
0x135: {  	[tilespmem:s0+$0x5B00] =	vst v1  }
0x136: {  	v1 =	vld [tilespmem:s9+$0x1910]  }
0x137: {  	v2 =	vld [tilespmem:s6+$0x3E90];
	_ =	sdelay $0x4  }
0x138: {  	v1 =	vadd.s32 v1, v2  }
0x139: {  	[tilespmem:s0+$0x5B10] =	vst v1  }
0x13a: {  	v1 =	vld [tilespmem:s9+$0x1920]  }
0x13b: {  	v2 =	vld [tilespmem:s6+$0x3EA0];
	_ =	sdelay $0x4  }
0x13c: {  	v1 =	vadd.s32 v1, v2  }
0x13d: {  	[tilespmem:s0+$0x5B20] =	vst v1  }
0x13e: {  	v1 =	vld [tilespmem:s9+$0x1930]  }
0x13f: {  	v2 =	vld [tilespmem:s6+$0x3EB0];
	_ =	sdelay $0x4  }
0x140: {  	v1 =	vadd.s32 v1, v2  }
0x141: {  	[tilespmem:s0+$0x5B30] =	vst v1  }
0x142: {  	v1 =	vld [tilespmem:s9+$0x1940]  }
0x143: {  	v2 =	vld [tilespmem:s6+$0x3EC0];
	_ =	sdelay $0x4  }
0x144: {  	v1 =	vadd.s32 v1, v2  }
0x145: {  	[tilespmem:s0+$0x5B40] =	vst v1  }
0x146: {  	v1 =	vld [tilespmem:s9+$0x1950]  }
0x147: {  	v2 =	vld [tilespmem:s6+$0x3ED0];
	_ =	sdelay $0x4  }
0x148: {  	v1 =	vadd.s32 v1, v2  }
0x149: {  	[tilespmem:s0+$0x5B50] =	vst v1  }
.Ltmp4:
0x14a: {  	v1 =	vld [tilespmem:s9+$0x1960];
	(pc) =	sbr.rel @p0 .LBB2_6-.Ltmp4, $2  }
0x14b: {  	v2 =	vld [tilespmem:s6+$0x3EE0];
	_ =	sdelay $0x2  }
0x14c: {  	s28 =	simm.s32 $0x0  }
0x14d: {  	_ = 	snop  }
0x14e: {  	v1 =	vadd.s32 v1, v2  }
0x14f: {  	[tilespmem:s0+$0x5B60] =	vst v1  }
0x150: {  	v1 =	vld [tilespmem:s9+$0x1970]  }
0x151: {  	v2 =	vld [tilespmem:s6+$0x3EF0];
	_ =	sdelay $0x2  }
.Ltmp5:
0x152: {  	_ = 	snop;
	(pc) =	sbr.rel .LBB2_8-.Ltmp5, $4  }
0x153: {  	_ = 	snop  }
0x154: {  	s2 =	sadd.s32 $0x5B00, s0;
	s29 =	rddreg [dreg:$0x11];
	v1 =	vadd.s32 v1, v2  }
0x155: {  	s25 =	sadd.s32 $0x7B00, s0;
	s30 =	rddreg [dreg:$0x10];
	s31 =	simm.s32 $0x0;
	[tilespmem:s0+$0x5B70] =	vst v1  }
0x156: {  	[tilespmem:s25], [sflag:$0x1] =	stream.indirect.gather [hbm4b:s1+s19], $0x1, s2, s19, $0xb8;
	[tilespmem:$0x15300] =	vst v63  }
.LBB2_20:
0x157: {  	s31 =	sadd.s32 $0x1, s31  }
0x158: {  	p0 =	sne.s32 s31, $0xD  }
.Ltmp6:
0x159: {  	_ = 	snop;
	(pc) =	sbr.rel @!p0 .LBB2_21-.Ltmp6, $2  }
0x15a: {  	_ =	sdelay $0x2  }
0x15b: {  	s28 =	sadd.s32 $0x6400, s28;
	s30 =	sadd.s32 $0x32, s30;
	s29 =	sadd.s32 $0x32, s29  }
.LBB2_8:
0x15c: {  	_ =	swait.ge [sflag:s20], $0xC80  }
0x15d: {  	p0 =	seq.s32 s31, $0x0;
	[sflag:s20] =	ssyncset.done $0x0  }
0x15e: {  	s0 =	simm.s32 @!p0 $0x2;
	[sflag:s20] =	ssyncadd.s32 $0xFFFFF380  }
0x15f: {  	_ =	swait.ge @!p0 [sflag:s0], $0x6400  }
0x160: {  	[sflag:s0] =	ssyncset.done @!p0 $0x0  }
0x161: {  	s6 =	simm.s32 $0x0;
	[sflag:s0] =	ssyncadd.s32 @!p0 $0xFFFF9C00  }
0x162: {  	v1 =	vld [tilespmem:s6+$0x6B00];
	_ =	sdelay $0x3  }
0x163: {  	s2 =	simm.s32 $0x8D00  }
0x164: {  	[tilespmem:s2+$0x180] =	vst v1  }
0x165: {  	[tilespmem:s2+$0x100] =	vst v1  }
0x166: {  	[tilespmem:s2+$0x80] =	vst v1  }
0x167: {  	[tilespmem:s2+$0x0] =	vst v1  }
0x168: {  	[tilespmem:s2+$0xFFFFFF80] =	vst v1  }
0x169: {  	[tilespmem:s2+$0xFFFFFF00] =	vst v1  }
0x16a: {  	[tilespmem:s2+$0xFFFFFE00] =	vst v1  }
0x16b: {  	[tilespmem:s2+$0xFFFFFE80] =	vst v1  }
0x16c: {  	v1 =	vld [tilespmem:s6+$0x6B10];
	_ =	sdelay $0x4  }
0x16d: {  	[tilespmem:s2+$0x190] =	vst v1  }
0x16e: {  	[tilespmem:s2+$0x110] =	vst v1  }
0x16f: {  	[tilespmem:s2+$0xFFFFFE90] =	vst v1  }
0x170: {  	[tilespmem:s2+$0x90] =	vst v1  }
0x171: {  	[tilespmem:s2+$0x10] =	vst v1  }
0x172: {  	[tilespmem:s2+$0xFFFFFF10] =	vst v1  }
0x173: {  	[tilespmem:s2+$0xFFFFFF90] =	vst v1  }
0x174: {  	[tilespmem:s2+$0xFFFFFE10] =	vst v1  }
0x175: {  	v1 =	vld [tilespmem:s6+$0x6B20];
	_ =	sdelay $0x4  }
0x176: {  	[tilespmem:s2+$0x1A0] =	vst v1  }
0x177: {  	[tilespmem:s2+$0x120] =	vst v1  }
0x178: {  	[tilespmem:s2+$0xFFFFFEA0] =	vst v1  }
0x179: {  	[tilespmem:s2+$0xFFFFFF20] =	vst v1  }
0x17a: {  	[tilespmem:s2+$0xFFFFFFA0] =	vst v1  }
0x17b: {  	[tilespmem:s2+$0xA0] =	vst v1  }
0x17c: {  	[tilespmem:s2+$0xFFFFFE20] =	vst v1  }
0x17d: {  	[tilespmem:s2+$0x20] =	vst v1  }
0x17e: {  	v1 =	vld [tilespmem:s6+$0x6B30];
	_ =	sdelay $0x4  }
0x17f: {  	[tilespmem:s2+$0x1B0] =	vst v1  }
0x180: {  	[tilespmem:s2+$0x130] =	vst v1  }
0x181: {  	s9 =	simm.s32 $0x200;
	s14 =	simm.s32 $0x8D00;
	s0 =	sshll.u32 s31, $0x1;
	[tilespmem:s2+$0xFFFFFF30] =	vst v1  }
.LBB2_9:
0x182: {  	p1 =	sne.s32 s9, $0x3000  }
0x183: {  	[tilespmem:s2+$0xB0] =	vst v1;
	s14 =	sadd.s32 $0x400, s14;
	s7 =	smov.u32 s9;
	s9 =	sadd.s32 $0x200, s9  }
0x184: {  	[tilespmem:s2+$0xFFFFFFB0] =	vst v1  }
0x185: {  	[tilespmem:s2+$0xFFFFFEB0] =	vst v1  }
0x186: {  	[tilespmem:s2+$0x30] =	vst v1  }
0x187: {  	[tilespmem:s2+$0xFFFFFE30] =	vst v1  }
0x188: {  	v1 =	vld [tilespmem:s6+$0x6B40];
	_ =	sdelay $0x4  }
0x189: {  	[tilespmem:s2+$0x1C0] =	vst v1  }
0x18a: {  	[tilespmem:s2+$0x140] =	vst v1  }
0x18b: {  	[tilespmem:s2+$0xFFFFFF40] =	vst v1  }
0x18c: {  	[tilespmem:s2+$0xFFFFFEC0] =	vst v1  }
0x18d: {  	[tilespmem:s2+$0xFFFFFFC0] =	vst v1  }
0x18e: {  	[tilespmem:s2+$0xC0] =	vst v1  }
0x18f: {  	[tilespmem:s2+$0xFFFFFE40] =	vst v1  }
0x190: {  	[tilespmem:s2+$0x40] =	vst v1  }
0x191: {  	v1 =	vld [tilespmem:s6+$0x6B50];
	_ =	sdelay $0x4  }
0x192: {  	[tilespmem:s2+$0x1D0] =	vst v1  }
0x193: {  	[tilespmem:s2+$0xD0] =	vst v1  }
0x194: {  	[tilespmem:s2+$0x150] =	vst v1  }
0x195: {  	[tilespmem:s2+$0xFFFFFF50] =	vst v1  }
0x196: {  	[tilespmem:s2+$0x50] =	vst v1  }
0x197: {  	[tilespmem:s2+$0xFFFFFFD0] =	vst v1  }
0x198: {  	[tilespmem:s2+$0xFFFFFED0] =	vst v1  }
0x199: {  	[tilespmem:s2+$0xFFFFFE50] =	vst v1  }
0x19a: {  	v1 =	vld [tilespmem:s6+$0x6B60];
	_ =	sdelay $0x4  }
0x19b: {  	[tilespmem:s2+$0x1E0] =	vst v1  }
0x19c: {  	[tilespmem:s2+$0x160] =	vst v1  }
0x19d: {  	[tilespmem:s2+$0xE0] =	vst v1  }
0x19e: {  	[tilespmem:s2+$0x60] =	vst v1  }
0x19f: {  	[tilespmem:s2+$0xFFFFFEE0] =	vst v1  }
0x1a0: {  	[tilespmem:s2+$0xFFFFFF60] =	vst v1  }
0x1a1: {  	[tilespmem:s2+$0xFFFFFE60] =	vst v1  }
0x1a2: {  	[tilespmem:s2+$0xFFFFFFE0] =	vst v1  }
0x1a3: {  	v1 =	vld [tilespmem:s6+$0x6B70];
	_ =	sdelay $0x4  }
0x1a4: {  	[tilespmem:s2+$0xFFFFFE70] =	vst v1  }
0x1a5: {  	[tilespmem:s2+$0xFFFFFF70] =	vst v1  }
0x1a6: {  	[tilespmem:s2+$0x1F0] =	vst v1  }
0x1a7: {  	[tilespmem:s2+$0x70] =	vst v1  }
0x1a8: {  	[tilespmem:s2+$0xF0] =	vst v1  }
0x1a9: {  	[tilespmem:s2+$0xFFFFFEF0] =	vst v1  }
0x1aa: {  	[tilespmem:s2+$0x170] =	vst v1  }
0x1ab: {  	s6 =	sshra.s32 s7, $0x2;
	[tilespmem:s2+$0xFFFFFFF0] =	vst v1;
	s2 =	smov.u32 s14  }
0x1ac: {  	v1 =	vld [tilespmem:s6+$0x6B00];
	_ =	sdelay $0x4  }
0x1ad: {  	[tilespmem:s14+$0x180] =	vst v1  }
0x1ae: {  	[tilespmem:s14+$0x100] =	vst v1  }
0x1af: {  	[tilespmem:s14+$0x80] =	vst v1  }
0x1b0: {  	[tilespmem:s14+$0x0] =	vst v1  }
0x1b1: {  	[tilespmem:s14+$0xFFFFFF80] =	vst v1  }
0x1b2: {  	[tilespmem:s14+$0xFFFFFF00] =	vst v1  }
0x1b3: {  	[tilespmem:s14+$0xFFFFFE00] =	vst v1  }
0x1b4: {  	[tilespmem:s14+$0xFFFFFE80] =	vst v1  }
0x1b5: {  	v1 =	vld [tilespmem:s6+$0x6B10];
	_ =	sdelay $0x4  }
0x1b6: {  	[tilespmem:s14+$0x190] =	vst v1  }
0x1b7: {  	[tilespmem:s14+$0x110] =	vst v1  }
0x1b8: {  	[tilespmem:s14+$0xFFFFFE90] =	vst v1  }
0x1b9: {  	[tilespmem:s14+$0x90] =	vst v1  }
0x1ba: {  	[tilespmem:s14+$0x10] =	vst v1  }
0x1bb: {  	[tilespmem:s14+$0xFFFFFF10] =	vst v1  }
0x1bc: {  	[tilespmem:s14+$0xFFFFFF90] =	vst v1  }
0x1bd: {  	[tilespmem:s14+$0xFFFFFE10] =	vst v1  }
0x1be: {  	v1 =	vld [tilespmem:s6+$0x6B20];
	_ =	sdelay $0x4  }
0x1bf: {  	[tilespmem:s14+$0x1A0] =	vst v1  }
0x1c0: {  	[tilespmem:s14+$0x120] =	vst v1  }
0x1c1: {  	[tilespmem:s14+$0xFFFFFEA0] =	vst v1  }
0x1c2: {  	[tilespmem:s14+$0xFFFFFF20] =	vst v1  }
0x1c3: {  	[tilespmem:s14+$0xFFFFFFA0] =	vst v1  }
0x1c4: {  	[tilespmem:s14+$0xA0] =	vst v1  }
0x1c5: {  	[tilespmem:s14+$0xFFFFFE20] =	vst v1  }
0x1c6: {  	[tilespmem:s14+$0x20] =	vst v1  }
0x1c7: {  	v1 =	vld [tilespmem:s6+$0x6B30];
	_ =	sdelay $0x2  }
.Ltmp7:
0x1c8: {  	(pc) =	sbr.rel @p1 .LBB2_9-.Ltmp7, $4  }
0x1c9: {  	_ = 	snop  }
0x1ca: {  	[tilespmem:s14+$0x1B0] =	vst v1  }
0x1cb: {  	[tilespmem:s14+$0x130] =	vst v1  }
0x1cc: {  	[tilespmem:s14+$0xFFFFFF30] =	vst v1  }
0x1cd: {  	[tilespmem:s2+$0xB0] =	vst v1  }
0x1ce: {  	[tilespmem:s2+$0xFFFFFFB0] =	vst v1  }
0x1cf: {  	[tilespmem:s2+$0xFFFFFEB0] =	vst v1  }
0x1d0: {  	[tilespmem:s2+$0x30] =	vst v1  }
0x1d1: {  	[tilespmem:s2+$0xFFFFFE30] =	vst v1  }
0x1d2: {  	v1 =	vld [tilespmem:s6+$0x6B40];
	_ =	sdelay $0x4  }
0x1d3: {  	[tilespmem:s2+$0x1C0] =	vst v1  }
0x1d4: {  	[tilespmem:s2+$0x140] =	vst v1  }
0x1d5: {  	[tilespmem:s2+$0xFFFFFF40] =	vst v1  }
0x1d6: {  	[tilespmem:s2+$0xFFFFFEC0] =	vst v1  }
0x1d7: {  	[tilespmem:s2+$0xFFFFFFC0] =	vst v1  }
0x1d8: {  	[tilespmem:s2+$0xC0] =	vst v1  }
0x1d9: {  	[tilespmem:s2+$0xFFFFFE40] =	vst v1  }
0x1da: {  	[tilespmem:s2+$0x40] =	vst v1  }
0x1db: {  	v1 =	vld [tilespmem:s6+$0x6B50];
	_ =	sdelay $0x4  }
0x1dc: {  	[tilespmem:s2+$0x1D0] =	vst v1  }
0x1dd: {  	[tilespmem:s2+$0xD0] =	vst v1  }
0x1de: {  	[tilespmem:s2+$0x150] =	vst v1  }
0x1df: {  	[tilespmem:s2+$0xFFFFFF50] =	vst v1  }
0x1e0: {  	[tilespmem:s2+$0x50] =	vst v1  }
0x1e1: {  	[tilespmem:s2+$0xFFFFFFD0] =	vst v1  }
0x1e2: {  	[tilespmem:s2+$0xFFFFFED0] =	vst v1  }
0x1e3: {  	[tilespmem:s2+$0xFFFFFE50] =	vst v1  }
0x1e4: {  	v1 =	vld [tilespmem:s6+$0x6B60];
	_ =	sdelay $0x4  }
0x1e5: {  	[tilespmem:s2+$0x1E0] =	vst v1  }
0x1e6: {  	[tilespmem:s2+$0x160] =	vst v1  }
0x1e7: {  	[tilespmem:s2+$0xE0] =	vst v1  }
0x1e8: {  	[tilespmem:s2+$0x60] =	vst v1  }
0x1e9: {  	[tilespmem:s2+$0xFFFFFEE0] =	vst v1  }
0x1ea: {  	[tilespmem:s2+$0xFFFFFF60] =	vst v1  }
0x1eb: {  	[tilespmem:s2+$0xFFFFFE60] =	vst v1  }
0x1ec: {  	[tilespmem:s2+$0xFFFFFFE0] =	vst v1  }
0x1ed: {  	v1 =	vld [tilespmem:s6+$0x6B70];
	_ =	sdelay $0x4  }
0x1ee: {  	[tilespmem:s2+$0xFFFFFE70] =	vst v1  }
0x1ef: {  	[tilespmem:s2+$0xFFFFFF70] =	vst v1  }
0x1f0: {  	[tilespmem:s2+$0x1F0] =	vst v1  }
0x1f1: {  	s24 =	smul.u32 $0x32, s31;
	p1 =	seq.s32 s31, $0xC;
	[tilespmem:s2+$0x70] =	vst v1  }
.Ltmp8:
0x1f2: {  	[tilespmem:s2+$0xF0] =	vst v1;
	(pc) =	sbr.rel @p1 .LBB2_21-.Ltmp8, $4  }
0x1f3: {  	s6 =	sadd.s32 s5, s24;
	[tilespmem:s2+$0xFFFFFEF0] =	vst v1  }
0x1f4: {  	s6 =	sshll.u32 s6, $0xA;
	[tilespmem:s2+$0x170] =	vst v1  }
0x1f5: {  	s25 =	sadd.s32 s6, s8;
	[tilespmem:s2+$0xFFFFFFF0] =	vst v1  }
0x1f6: {  	[hbm4b:s25+s21] =	stream.strided.scatter [tilespmem:s23], [sflag:$0x2], $0x6400, s22, s21, $0x38;
	[tilespmem:$0x15300] =	vst v63  }
0x1f7: {  	s6 =	smulhi.u32 $0x51EB851F, s30;
	_ =	sdelay $0x1  }
0x1f8: {  	s2 =	sshrl.u32 s6, $0x4  }
0x1f9: {  	s2 =	smul.u32 $0xFFFF9C00, s2;
	_ =	sdelay $0x1  }
0x1fa: {  	s2 =	sshra.s32 s2, $0x2  }
0x1fb: {  	s7 =	sadd.s32 s2, s13;
	s2 =	sshrl.u32 s4, $0x2  }
0x1fc: {  	s9 =	sshll.u32 s6, $0x3;
	s6 =	sshra.s32 s28, $0x2;
	s7 =	sadd.s32 s2, s7  }
0x1fd: {  	s15 =	sand.u32 $0x3FFFFF80, s9;
	s7 =	sadd.s32 s6, s7  }
0x1fe: {  	v1 =	vld [tilespmem:s15+$0x1900];
	s14 =	sadd.s32 $0x0, s7  }
0x1ff: {  	v2 =	vld [tilespmem:s14+$0x1900];
	_ =	sdelay $0x4  }
0x200: {  	s9 =	simm.s32 $0x0;
	v1 =	vadd.s32 v1, v2  }
0x201: {  	[tilespmem:s9+$0x4B00] =	vst v1  }
0x202: {  	v1 =	vld [tilespmem:s15+$0x1910]  }
0x203: {  	v2 =	vld [tilespmem:s14+$0x1910];
	_ =	sdelay $0x4  }
0x204: {  	v1 =	vadd.s32 v1, v2  }
0x205: {  	[tilespmem:s9+$0x4B10] =	vst v1  }
0x206: {  	v1 =	vld [tilespmem:s15+$0x1920]  }
0x207: {  	v2 =	vld [tilespmem:s14+$0x1920];
	_ =	sdelay $0x4  }
0x208: {  	v1 =	vadd.s32 v1, v2  }
0x209: {  	[tilespmem:s9+$0x4B20] =	vst v1  }
0x20a: {  	v1 =	vld [tilespmem:s15+$0x1930]  }
0x20b: {  	v2 =	vld [tilespmem:s14+$0x1930];
	_ =	sdelay $0x4  }
0x20c: {  	v1 =	vadd.s32 v1, v2  }
0x20d: {  	[tilespmem:s9+$0x4B30] =	vst v1  }
0x20e: {  	v1 =	vld [tilespmem:s15+$0x1940]  }
0x20f: {  	v2 =	vld [tilespmem:s14+$0x1940];
	_ =	sdelay $0x4  }
0x210: {  	v1 =	vadd.s32 v1, v2  }
0x211: {  	[tilespmem:s9+$0x4B40] =	vst v1  }
0x212: {  	v1 =	vld [tilespmem:s15+$0x1950]  }
0x213: {  	v2 =	vld [tilespmem:s14+$0x1950];
	_ =	sdelay $0x4  }
0x214: {  	v1 =	vadd.s32 v1, v2  }
0x215: {  	[tilespmem:s9+$0x4B50] =	vst v1  }
0x216: {  	v1 =	vld [tilespmem:s15+$0x1960]  }
0x217: {  	v2 =	vld [tilespmem:s14+$0x1960];
	_ =	sdelay $0x1  }
0x218: {  	s18 =	sadd.s32 $0x1, s30  }
0x219: {  	s10 =	simm.s32 $0x400;
	s12 =	smulhi.u32 $0x51EB851F, s18;
	s7 =	simm.s32 $0x200  }
.LBB2_12:
0x21a: {  	p1 =	sne.s32 s10, $0x3000;
	s11 =	smov.u32 s10;
	s10 =	sadd.s32 $0x200, s10  }
0x21b: {  	s24 =	sshrl.u32 s12, $0x4;
	s12 =	sshll.u32 s12, $0x3;
	v1 =	vadd.s32 v1, v2  }
0x21c: {  	s24 =	smul.u32 $0xFFFF9C00, s24;
	[tilespmem:s9+$0x4B60] =	vst v1  }
0x21d: {  	v1 =	vld [tilespmem:s15+$0x1970]  }
0x21e: {  	s15 =	sshra.s32 s24, $0x2;
	v2 =	vld [tilespmem:s14+$0x1970]  }
0x21f: {  	s14 =	sadd.s32 s15, s13  }
0x220: {  	s14 =	sadd.s32 s2, s14  }
0x221: {  	s24 =	sshra.s32 s7, $0x2;
	s7 =	smov.u32 s11;
	s14 =	sadd.s32 s6, s14  }
0x222: {  	s25 =	sadd.s32 $0x6B00, s9;
	s11 =	sadd.s32 $0x4B00, s9;
	s14 =	sadd.s32 s24, s14  }
0x223: {  	s15 =	sand.u32 $0x3FFFFF80, s12;
	v1 =	vadd.s32 v1, v2  }
0x224: {  	[tilespmem:s9+$0x4B70] =	vst v1;
	s9 =	smov.u32 s24  }
0x225: {  	[tilespmem:s25], [sflag:$0x1] =	stream.indirect.gather [hbm4b:s1+s19], $0x1, s11, s19, $0xb8;
	[tilespmem:$0x15300] =	vst v63  }
0x226: {  	v1 =	vld [tilespmem:s15+$0x1900]  }
0x227: {  	v2 =	vld [tilespmem:s14+$0x1900];
	_ =	sdelay $0x4  }
0x228: {  	v1 =	vadd.s32 v1, v2  }
0x229: {  	[tilespmem:s9+$0x4B00] =	vst v1  }
0x22a: {  	v1 =	vld [tilespmem:s15+$0x1910]  }
0x22b: {  	v2 =	vld [tilespmem:s14+$0x1910];
	_ =	sdelay $0x4  }
0x22c: {  	v1 =	vadd.s32 v1, v2  }
0x22d: {  	[tilespmem:s9+$0x4B10] =	vst v1  }
0x22e: {  	v1 =	vld [tilespmem:s15+$0x1920]  }
0x22f: {  	v2 =	vld [tilespmem:s14+$0x1920];
	_ =	sdelay $0x4  }
0x230: {  	v1 =	vadd.s32 v1, v2  }
0x231: {  	[tilespmem:s9+$0x4B20] =	vst v1  }
0x232: {  	v1 =	vld [tilespmem:s15+$0x1930]  }
0x233: {  	v2 =	vld [tilespmem:s14+$0x1930];
	_ =	sdelay $0x4  }
0x234: {  	v1 =	vadd.s32 v1, v2  }
0x235: {  	[tilespmem:s9+$0x4B30] =	vst v1  }
0x236: {  	v1 =	vld [tilespmem:s15+$0x1940]  }
0x237: {  	v2 =	vld [tilespmem:s14+$0x1940];
	_ =	sdelay $0x4  }
0x238: {  	v1 =	vadd.s32 v1, v2  }
0x239: {  	[tilespmem:s9+$0x4B40] =	vst v1  }
0x23a: {  	v1 =	vld [tilespmem:s15+$0x1950]  }
0x23b: {  	v2 =	vld [tilespmem:s14+$0x1950];
	_ =	sdelay $0x4  }
0x23c: {  	v1 =	vadd.s32 v1, v2  }
0x23d: {  	[tilespmem:s9+$0x4B50] =	vst v1  }
.Ltmp9:
0x23e: {  	v1 =	vld [tilespmem:s15+$0x1960];
	(pc) =	sbr.rel @p1 .LBB2_12-.Ltmp9, $3  }
0x23f: {  	v2 =	vld [tilespmem:s14+$0x1960];
	_ =	sdelay $0x1  }
0x240: {  	s18 =	sadd.s32 $0x1, s18  }
0x241: {  	s12 =	smulhi.u32 $0x51EB851F, s18  }
0x242: {  	_ = 	snop  }
0x243: {  	v1 =	vadd.s32 v1, v2  }
0x244: {  	[tilespmem:s9+$0x4B60] =	vst v1  }
0x245: {  	v1 =	vld [tilespmem:s15+$0x1970]  }
0x246: {  	s10 =	sshrl.u32 s12, $0x4;
	v2 =	vld [tilespmem:s14+$0x1970]  }
0x247: {  	s10 =	smul.u32 $0xFFFF9C00, s10;
	_ =	sdelay $0x1  }
0x248: {  	s10 =	sshra.s32 s10, $0x2  }
0x249: {  	s18 =	sadd.s32 $0x4B00, s9;
	s10 =	sadd.s32 s10, s13  }
0x24a: {  	s11 =	sadd.s32 $0x6B00, s9;
	s14 =	sshll.u32 s12, $0x3;
	s2 =	sadd.s32 s2, s10;
	v1 =	vadd.s32 v1, v2  }
0x24b: {  	s15 =	sshra.s32 s7, $0x2;
	s10 =	sand.u32 $0x3FFFFF80, s14;
	s2 =	sadd.s32 s6, s2;
	[tilespmem:s9+$0x4B70] =	vst v1  }
0x24c: {  	[tilespmem:s11], [sflag:$0x1] =	stream.indirect.gather [hbm4b:s1+s19], $0x1, s18, s19, $0xb8;
	[tilespmem:$0x15300] =	vst v63  }
0x24d: {  	s2 =	sadd.s32 s15, s2;
	v1 =	vld [tilespmem:s10+$0x1900]  }
0x24e: {  	v2 =	vld [tilespmem:s2+$0x1900];
	_ =	sdelay $0x4  }
0x24f: {  	v1 =	vadd.s32 v1, v2  }
0x250: {  	[tilespmem:s15+$0x4B00] =	vst v1  }
0x251: {  	v1 =	vld [tilespmem:s10+$0x1910]  }
0x252: {  	v2 =	vld [tilespmem:s2+$0x1910];
	_ =	sdelay $0x4  }
0x253: {  	v1 =	vadd.s32 v1, v2  }
0x254: {  	[tilespmem:s15+$0x4B10] =	vst v1  }
0x255: {  	v1 =	vld [tilespmem:s10+$0x1920]  }
0x256: {  	v2 =	vld [tilespmem:s2+$0x1920];
	_ =	sdelay $0x4  }
0x257: {  	v1 =	vadd.s32 v1, v2  }
0x258: {  	[tilespmem:s15+$0x4B20] =	vst v1  }
0x259: {  	v1 =	vld [tilespmem:s10+$0x1930]  }
0x25a: {  	v2 =	vld [tilespmem:s2+$0x1930];
	_ =	sdelay $0x4  }
0x25b: {  	v1 =	vadd.s32 v1, v2  }
0x25c: {  	[tilespmem:s15+$0x4B30] =	vst v1  }
0x25d: {  	v1 =	vld [tilespmem:s10+$0x1940]  }
0x25e: {  	v2 =	vld [tilespmem:s2+$0x1940];
	_ =	sdelay $0x4  }
0x25f: {  	v1 =	vadd.s32 v1, v2  }
0x260: {  	[tilespmem:s15+$0x4B40] =	vst v1  }
0x261: {  	v1 =	vld [tilespmem:s10+$0x1950]  }
0x262: {  	v2 =	vld [tilespmem:s2+$0x1950];
	_ =	sdelay $0x4  }
0x263: {  	v1 =	vadd.s32 v1, v2  }
0x264: {  	[tilespmem:s15+$0x4B50] =	vst v1  }
0x265: {  	v1 =	vld [tilespmem:s10+$0x1960]  }
0x266: {  	v2 =	vld [tilespmem:s2+$0x1960];
	_ =	sdelay $0x4  }
0x267: {  	v1 =	vadd.s32 v1, v2  }
0x268: {  	[tilespmem:s15+$0x4B60] =	vst v1  }
0x269: {  	v1 =	vld [tilespmem:s10+$0x1970]  }
0x26a: {  	v2 =	vld [tilespmem:s2+$0x1970]  }
0x26b: {  	s0 =	sor.u32 $0x1, s0  }
0x26c: {  	p1 =	sgt.u32 s0, $0x18  }
.Ltmp10:
0x26d: {  	_ = 	snop;
	(pc) =	sbr.rel @p1 .LBB2_20-.Ltmp10, $4  }
0x26e: {  	_ = 	snop  }
0x26f: {  	v1 =	vadd.s32 v1, v2  }
0x270: {  	s24 =	sadd.s32 $0x4B00, s15;
	s25 =	sadd.s32 $0x6B00, s15;
	[tilespmem:s15+$0x4B70] =	vst v1  }
0x271: {  	[tilespmem:s25], [sflag:$0x1] =	stream.indirect.gather [hbm4b:s1+s19], $0x1, s24, s19, $0xb8;
	[tilespmem:$0x15300] =	vst v63  }
0x272: {  	_ =	swait.ge [sflag:s20], $0xC80  }
0x273: {  	[sflag:s20] =	ssyncset.done $0x0  }
0x274: {  	s2 =	simm.s32 @!p0 $0x2;
	[sflag:s20] =	ssyncadd.s32 $0xFFFFF380  }
0x275: {  	_ =	swait.ge @!p0 [sflag:s2], $0x6400  }
0x276: {  	[sflag:s2] =	ssyncset.done @!p0 $0x0  }
0x277: {  	s6 =	simm.s32 $0x0;
	[sflag:s2] =	ssyncadd.s32 @!p0 $0xFFFF9C00  }
0x278: {  	v1 =	vld [tilespmem:s6+$0x7B00];
	_ =	sdelay $0x3  }
0x279: {  	s2 =	simm.s32 $0xF100  }
0x27a: {  	[tilespmem:s2+$0x180] =	vst v1  }
0x27b: {  	[tilespmem:s2+$0x100] =	vst v1  }
0x27c: {  	[tilespmem:s2+$0x80] =	vst v1  }
0x27d: {  	[tilespmem:s2+$0x0] =	vst v1  }
0x27e: {  	[tilespmem:s2+$0xFFFFFF80] =	vst v1  }
0x27f: {  	[tilespmem:s2+$0xFFFFFF00] =	vst v1  }
0x280: {  	[tilespmem:s2+$0xFFFFFE00] =	vst v1  }
0x281: {  	[tilespmem:s2+$0xFFFFFE80] =	vst v1  }
0x282: {  	v1 =	vld [tilespmem:s6+$0x7B10];
	_ =	sdelay $0x4  }
0x283: {  	[tilespmem:s2+$0x190] =	vst v1  }
0x284: {  	[tilespmem:s2+$0x110] =	vst v1  }
0x285: {  	[tilespmem:s2+$0xFFFFFE90] =	vst v1  }
0x286: {  	[tilespmem:s2+$0x90] =	vst v1  }
0x287: {  	[tilespmem:s2+$0x10] =	vst v1  }
0x288: {  	[tilespmem:s2+$0xFFFFFF10] =	vst v1  }
0x289: {  	[tilespmem:s2+$0xFFFFFF90] =	vst v1  }
0x28a: {  	[tilespmem:s2+$0xFFFFFE10] =	vst v1  }
0x28b: {  	v1 =	vld [tilespmem:s6+$0x7B20];
	_ =	sdelay $0x4  }
0x28c: {  	[tilespmem:s2+$0x1A0] =	vst v1  }
0x28d: {  	[tilespmem:s2+$0x120] =	vst v1  }
0x28e: {  	[tilespmem:s2+$0xFFFFFEA0] =	vst v1  }
0x28f: {  	[tilespmem:s2+$0xFFFFFF20] =	vst v1  }
0x290: {  	[tilespmem:s2+$0xFFFFFFA0] =	vst v1  }
0x291: {  	[tilespmem:s2+$0xA0] =	vst v1  }
0x292: {  	[tilespmem:s2+$0xFFFFFE20] =	vst v1  }
0x293: {  	[tilespmem:s2+$0x20] =	vst v1  }
0x294: {  	v1 =	vld [tilespmem:s6+$0x7B30];
	_ =	sdelay $0x4  }
0x295: {  	[tilespmem:s2+$0x1B0] =	vst v1  }
0x296: {  	[tilespmem:s2+$0x130] =	vst v1  }
0x297: {  	s9 =	simm.s32 $0x200;
	s14 =	simm.s32 $0xF100;
	[tilespmem:s2+$0xFFFFFF30] =	vst v1  }
.LBB2_15:
0x298: {  	p0 =	sne.s32 s9, $0x3000  }
0x299: {  	[tilespmem:s2+$0xB0] =	vst v1;
	s14 =	sadd.s32 $0x400, s14;
	s7 =	smov.u32 s9;
	s9 =	sadd.s32 $0x200, s9  }
0x29a: {  	[tilespmem:s2+$0xFFFFFFB0] =	vst v1  }
0x29b: {  	[tilespmem:s2+$0xFFFFFEB0] =	vst v1  }
0x29c: {  	[tilespmem:s2+$0x30] =	vst v1  }
0x29d: {  	[tilespmem:s2+$0xFFFFFE30] =	vst v1  }
0x29e: {  	v1 =	vld [tilespmem:s6+$0x7B40];
	_ =	sdelay $0x4  }
0x29f: {  	[tilespmem:s2+$0x1C0] =	vst v1  }
0x2a0: {  	[tilespmem:s2+$0x140] =	vst v1  }
0x2a1: {  	[tilespmem:s2+$0xFFFFFF40] =	vst v1  }
0x2a2: {  	[tilespmem:s2+$0xFFFFFEC0] =	vst v1  }
0x2a3: {  	[tilespmem:s2+$0xFFFFFFC0] =	vst v1  }
0x2a4: {  	[tilespmem:s2+$0xC0] =	vst v1  }
0x2a5: {  	[tilespmem:s2+$0xFFFFFE40] =	vst v1  }
0x2a6: {  	[tilespmem:s2+$0x40] =	vst v1  }
0x2a7: {  	v1 =	vld [tilespmem:s6+$0x7B50];
	_ =	sdelay $0x4  }
0x2a8: {  	[tilespmem:s2+$0x1D0] =	vst v1  }
0x2a9: {  	[tilespmem:s2+$0xD0] =	vst v1  }
0x2aa: {  	[tilespmem:s2+$0x150] =	vst v1  }
0x2ab: {  	[tilespmem:s2+$0xFFFFFF50] =	vst v1  }
0x2ac: {  	[tilespmem:s2+$0x50] =	vst v1  }
0x2ad: {  	[tilespmem:s2+$0xFFFFFFD0] =	vst v1  }
0x2ae: {  	[tilespmem:s2+$0xFFFFFED0] =	vst v1  }
0x2af: {  	[tilespmem:s2+$0xFFFFFE50] =	vst v1  }
0x2b0: {  	v1 =	vld [tilespmem:s6+$0x7B60];
	_ =	sdelay $0x4  }
0x2b1: {  	[tilespmem:s2+$0x1E0] =	vst v1  }
0x2b2: {  	[tilespmem:s2+$0x160] =	vst v1  }
0x2b3: {  	[tilespmem:s2+$0xE0] =	vst v1  }
0x2b4: {  	[tilespmem:s2+$0x60] =	vst v1  }
0x2b5: {  	[tilespmem:s2+$0xFFFFFEE0] =	vst v1  }
0x2b6: {  	[tilespmem:s2+$0xFFFFFF60] =	vst v1  }
0x2b7: {  	[tilespmem:s2+$0xFFFFFE60] =	vst v1  }
0x2b8: {  	[tilespmem:s2+$0xFFFFFFE0] =	vst v1  }
0x2b9: {  	v1 =	vld [tilespmem:s6+$0x7B70];
	_ =	sdelay $0x4  }
0x2ba: {  	[tilespmem:s2+$0xFFFFFE70] =	vst v1  }
0x2bb: {  	[tilespmem:s2+$0xFFFFFF70] =	vst v1  }
0x2bc: {  	[tilespmem:s2+$0x1F0] =	vst v1  }
0x2bd: {  	[tilespmem:s2+$0x70] =	vst v1  }
0x2be: {  	[tilespmem:s2+$0xF0] =	vst v1  }
0x2bf: {  	[tilespmem:s2+$0xFFFFFEF0] =	vst v1  }
0x2c0: {  	[tilespmem:s2+$0x170] =	vst v1  }
0x2c1: {  	s6 =	sshra.s32 s7, $0x2;
	[tilespmem:s2+$0xFFFFFFF0] =	vst v1;
	s2 =	smov.u32 s14  }
0x2c2: {  	v1 =	vld [tilespmem:s6+$0x7B00];
	_ =	sdelay $0x4  }
0x2c3: {  	[tilespmem:s14+$0x180] =	vst v1  }
0x2c4: {  	[tilespmem:s14+$0x100] =	vst v1  }
0x2c5: {  	[tilespmem:s14+$0x80] =	vst v1  }
0x2c6: {  	[tilespmem:s14+$0x0] =	vst v1  }
0x2c7: {  	[tilespmem:s14+$0xFFFFFF80] =	vst v1  }
0x2c8: {  	[tilespmem:s14+$0xFFFFFF00] =	vst v1  }
0x2c9: {  	[tilespmem:s14+$0xFFFFFE00] =	vst v1  }
0x2ca: {  	[tilespmem:s14+$0xFFFFFE80] =	vst v1  }
0x2cb: {  	v1 =	vld [tilespmem:s6+$0x7B10];
	_ =	sdelay $0x4  }
0x2cc: {  	[tilespmem:s14+$0x190] =	vst v1  }
0x2cd: {  	[tilespmem:s14+$0x110] =	vst v1  }
0x2ce: {  	[tilespmem:s14+$0xFFFFFE90] =	vst v1  }
0x2cf: {  	[tilespmem:s14+$0x90] =	vst v1  }
0x2d0: {  	[tilespmem:s14+$0x10] =	vst v1  }
0x2d1: {  	[tilespmem:s14+$0xFFFFFF10] =	vst v1  }
0x2d2: {  	[tilespmem:s14+$0xFFFFFF90] =	vst v1  }
0x2d3: {  	[tilespmem:s14+$0xFFFFFE10] =	vst v1  }
0x2d4: {  	v1 =	vld [tilespmem:s6+$0x7B20];
	_ =	sdelay $0x4  }
0x2d5: {  	[tilespmem:s14+$0x1A0] =	vst v1  }
0x2d6: {  	[tilespmem:s14+$0x120] =	vst v1  }
0x2d7: {  	[tilespmem:s14+$0xFFFFFEA0] =	vst v1  }
0x2d8: {  	[tilespmem:s14+$0xFFFFFF20] =	vst v1  }
0x2d9: {  	[tilespmem:s14+$0xFFFFFFA0] =	vst v1  }
0x2da: {  	[tilespmem:s14+$0xA0] =	vst v1  }
0x2db: {  	[tilespmem:s14+$0xFFFFFE20] =	vst v1  }
0x2dc: {  	[tilespmem:s14+$0x20] =	vst v1  }
0x2dd: {  	v1 =	vld [tilespmem:s6+$0x7B30];
	_ =	sdelay $0x2  }
.Ltmp11:
0x2de: {  	(pc) =	sbr.rel @p0 .LBB2_15-.Ltmp11, $4  }
0x2df: {  	_ = 	snop  }
0x2e0: {  	[tilespmem:s14+$0x1B0] =	vst v1  }
0x2e1: {  	[tilespmem:s14+$0x130] =	vst v1  }
0x2e2: {  	[tilespmem:s14+$0xFFFFFF30] =	vst v1  }
0x2e3: {  	[tilespmem:s2+$0xB0] =	vst v1  }
0x2e4: {  	[tilespmem:s2+$0xFFFFFFB0] =	vst v1  }
0x2e5: {  	[tilespmem:s2+$0xFFFFFEB0] =	vst v1  }
0x2e6: {  	[tilespmem:s2+$0x30] =	vst v1  }
0x2e7: {  	[tilespmem:s2+$0xFFFFFE30] =	vst v1  }
0x2e8: {  	v1 =	vld [tilespmem:s6+$0x7B40];
	_ =	sdelay $0x4  }
0x2e9: {  	[tilespmem:s2+$0x1C0] =	vst v1  }
0x2ea: {  	[tilespmem:s2+$0x140] =	vst v1  }
0x2eb: {  	[tilespmem:s2+$0xFFFFFF40] =	vst v1  }
0x2ec: {  	[tilespmem:s2+$0xFFFFFEC0] =	vst v1  }
0x2ed: {  	[tilespmem:s2+$0xFFFFFFC0] =	vst v1  }
0x2ee: {  	[tilespmem:s2+$0xC0] =	vst v1  }
0x2ef: {  	[tilespmem:s2+$0xFFFFFE40] =	vst v1  }
0x2f0: {  	[tilespmem:s2+$0x40] =	vst v1  }
0x2f1: {  	v1 =	vld [tilespmem:s6+$0x7B50];
	_ =	sdelay $0x4  }
0x2f2: {  	[tilespmem:s2+$0x1D0] =	vst v1  }
0x2f3: {  	[tilespmem:s2+$0xD0] =	vst v1  }
0x2f4: {  	[tilespmem:s2+$0x150] =	vst v1  }
0x2f5: {  	[tilespmem:s2+$0xFFFFFF50] =	vst v1  }
0x2f6: {  	[tilespmem:s2+$0x50] =	vst v1  }
0x2f7: {  	[tilespmem:s2+$0xFFFFFFD0] =	vst v1  }
0x2f8: {  	[tilespmem:s2+$0xFFFFFED0] =	vst v1  }
0x2f9: {  	[tilespmem:s2+$0xFFFFFE50] =	vst v1  }
0x2fa: {  	v1 =	vld [tilespmem:s6+$0x7B60];
	_ =	sdelay $0x4  }
0x2fb: {  	[tilespmem:s2+$0x1E0] =	vst v1  }
0x2fc: {  	[tilespmem:s2+$0x160] =	vst v1  }
0x2fd: {  	[tilespmem:s2+$0xE0] =	vst v1  }
0x2fe: {  	[tilespmem:s2+$0x60] =	vst v1  }
0x2ff: {  	[tilespmem:s2+$0xFFFFFEE0] =	vst v1  }
0x300: {  	[tilespmem:s2+$0xFFFFFF60] =	vst v1  }
0x301: {  	[tilespmem:s2+$0xFFFFFE60] =	vst v1  }
0x302: {  	[tilespmem:s2+$0xFFFFFFE0] =	vst v1  }
0x303: {  	v1 =	vld [tilespmem:s6+$0x7B70];
	_ =	sdelay $0x4  }
0x304: {  	[tilespmem:s2+$0xFFFFFE70] =	vst v1  }
0x305: {  	[tilespmem:s2+$0xFFFFFF70] =	vst v1  }
0x306: {  	[tilespmem:s2+$0x1F0] =	vst v1  }
0x307: {  	s0 =	smul.u32 $0x19, s0;
	p0 =	sgt.u32 s31, $0xA;
	[tilespmem:s2+$0x70] =	vst v1  }
.Ltmp12:
0x308: {  	[tilespmem:s2+$0xF0] =	vst v1;
	(pc) =	sbr.rel @p0 .LBB2_20-.Ltmp12, $4  }
0x309: {  	s0 =	sadd.s32 s5, s0;
	[tilespmem:s2+$0xFFFFFEF0] =	vst v1  }
0x30a: {  	s0 =	sshll.u32 s0, $0xA;
	[tilespmem:s2+$0x170] =	vst v1  }
0x30b: {  	s0 =	sadd.s32 s0, s8;
	[tilespmem:s2+$0xFFFFFFF0] =	vst v1  }
0x30c: {  	[hbm4b:s0+s21] =	stream.strided.scatter [tilespmem:s26], [sflag:$0x2], $0x6400, s22, s21, $0x38;
	[tilespmem:$0x15300] =	vst v63  }
0x30d: {  	s2 =	smulhi.u32 $0x51EB851F, s29;
	_ =	sdelay $0x1  }
0x30e: {  	s0 =	sshrl.u32 s2, $0x4  }
0x30f: {  	s6 =	smul.u32 $0xFFFF9C00, s0  }
0x310: {  	s7 =	rddreg [dreg:$0x4];
	s0 =	sadd.s32 s28, s4  }
0x311: {  	s2 =	sshll.u32 s2, $0x3;
	s15 =	sadd.s32 $0x0, s0;
	s9 =	sshra.s32 s6, $0x2  }
0x312: {  	s10 =	sshra.s32 s15, $0x2;
	s6 =	sand.u32 $0x3FFFFF80, s2;
	s7 =	sadd.s32 s9, s7  }
0x313: {  	v1 =	vld [tilespmem:s6+$0x1900];
	s18 =	sadd.s32 s10, s7  }
0x314: {  	v2 =	vld [tilespmem:s18+$0x0];
	_ =	sdelay $0x4  }
0x315: {  	s21 =	rddreg [dreg:$0x5];
	s2 =	simm.s32 $0x0;
	v1 =	vadd.s32 v1, v2  }
0x316: {  	s7 =	sadd.s32 s9, s21;
	[tilespmem:s2+$0x5B00] =	vst v1  }
0x317: {  	s7 =	sadd.s32 s10, s7;
	v1 =	vld [tilespmem:s6+$0x1910]  }
0x318: {  	v2 =	vld [tilespmem:s7+$0x0];
	_ =	sdelay $0x4  }
0x319: {  	s22 =	rddreg [dreg:$0x6];
	v1 =	vadd.s32 v1, v2  }
0x31a: {  	s7 =	sadd.s32 s9, s22;
	[tilespmem:s2+$0x5B10] =	vst v1  }
0x31b: {  	s7 =	sadd.s32 s10, s7;
	v1 =	vld [tilespmem:s6+$0x1920]  }
0x31c: {  	v2 =	vld [tilespmem:s7+$0x0];
	_ =	sdelay $0x4  }
0x31d: {  	s23 =	rddreg [dreg:$0x7];
	v1 =	vadd.s32 v1, v2  }
0x31e: {  	s7 =	sadd.s32 s9, s23;
	[tilespmem:s2+$0x5B20] =	vst v1  }
0x31f: {  	s7 =	sadd.s32 s10, s7;
	v1 =	vld [tilespmem:s6+$0x1930]  }
0x320: {  	v2 =	vld [tilespmem:s7+$0x0];
	_ =	sdelay $0x4  }
0x321: {  	s24 =	rddreg [dreg:$0x8];
	v1 =	vadd.s32 v1, v2  }
0x322: {  	s7 =	sadd.s32 s9, s24;
	[tilespmem:s2+$0x5B30] =	vst v1  }
0x323: {  	s7 =	sadd.s32 s10, s7;
	v1 =	vld [tilespmem:s6+$0x1940]  }
0x324: {  	v2 =	vld [tilespmem:s7+$0x0];
	_ =	sdelay $0x4  }
0x325: {  	s25 =	rddreg [dreg:$0x9];
	v1 =	vadd.s32 v1, v2  }
0x326: {  	s7 =	sadd.s32 s9, s25;
	[tilespmem:s2+$0x5B40] =	vst v1  }
0x327: {  	s7 =	sadd.s32 s10, s7;
	v1 =	vld [tilespmem:s6+$0x1950]  }
0x328: {  	v2 =	vld [tilespmem:s7+$0x0];
	_ =	sdelay $0x4  }
0x329: {  	v1 =	vadd.s32 v1, v2  }
0x32a: {  	s26 =	sadd.s32 s9, s16;
	[tilespmem:s2+$0x5B50] =	vst v1  }
0x32b: {  	s11 =	sadd.s32 s9, s17;
	s12 =	sadd.s32 s10, s26;
	v1 =	vld [tilespmem:s6+$0x1960]  }
0x32c: {  	s14 =	smov.u32 s29;
	s9 =	simm.s32 $0x200;
	s7 =	sadd.s32 s10, s11;
	v2 =	vld [tilespmem:s12+$0x0]  }
.LBB2_18:
0x32d: {  	_ =	sdelay $0x3  }
0x32e: {  	v1 =	vadd.s32 v1, v2  }
0x32f: {  	[tilespmem:s2+$0x5B60] =	vst v1  }
0x330: {  	s14 =	sadd.s32 $0x1, s14;
	v1 =	vld [tilespmem:s6+$0x1970]  }
0x331: {  	s10 =	smulhi.u32 $0x51EB851F, s14;
	v2 =	vld [tilespmem:s7+$0x0];
	_ =	sdelay $0x1  }
0x332: {  	s18 =	sshrl.u32 s10, $0x4  }
0x333: {  	s11 =	smov.u32 s9;
	s26 =	smul.u32 $0xFFFF9C00, s18  }
0x334: {  	s25 =	sadd.s32 $0x5B00, s2;
	s3 =	sadd.s32 $0x7B00, s2;
	s23 =	sadd.s32 s11, s0  }
0x335: {  	s10 =	sshll.u32 s10, $0x3;
	s18 =	rddreg [dreg:$0x4];
	s26 =	sshra.s32 s26, $0x2;
	v1 =	vadd.s32 v1, v2  }
0x336: {  	s23 =	sshra.s32 s23, $0x2;
	s6 =	sand.u32 $0x3FFFFF80, s10;
	s18 =	sadd.s32 s26, s18;
	[tilespmem:s2+$0x5B70] =	vst v1  }
0x337: {  	[tilespmem:s3], [sflag:$0x1] =	stream.indirect.gather [hbm4b:s1+s19], $0x1, s25, s19, $0xb8;
	[tilespmem:$0x15300] =	vst v63  }
0x338: {  	s18 =	sadd.s32 s23, s18;
	v1 =	vld [tilespmem:s6+$0x1900]  }
0x339: {  	v2 =	vld [tilespmem:s18+$0x0];
	_ =	sdelay $0x4  }
0x33a: {  	s24 =	rddreg [dreg:$0x5];
	s2 =	sshra.s32 s11, $0x2;
	v1 =	vadd.s32 v1, v2  }
0x33b: {  	s24 =	sadd.s32 s26, s24;
	[tilespmem:s2+$0x5B00] =	vst v1  }
0x33c: {  	s24 =	sadd.s32 s23, s24;
	v1 =	vld [tilespmem:s6+$0x1910]  }
0x33d: {  	v2 =	vld [tilespmem:s24+$0x0];
	_ =	sdelay $0x4  }
0x33e: {  	s21 =	rddreg [dreg:$0x6];
	v1 =	vadd.s32 v1, v2  }
0x33f: {  	s22 =	rddreg [dreg:$0x7];
	s7 =	sadd.s32 s26, s21;
	[tilespmem:s2+$0x5B10] =	vst v1  }
0x340: {  	s21 =	sadd.s32 s26, s22;
	s22 =	sadd.s32 s23, s7;
	v1 =	vld [tilespmem:s6+$0x1920]  }
0x341: {  	v2 =	vld [tilespmem:s22+$0x0];
	_ =	sdelay $0x4  }
0x342: {  	v1 =	vadd.s32 v1, v2  }
0x343: {  	s12 =	rddreg [dreg:$0x9];
	[tilespmem:s2+$0x5B20] =	vst v1  }
0x344: {  	s10 =	sadd.s32 s26, s12;
	s12 =	sadd.s32 s23, s21;
	v1 =	vld [tilespmem:s6+$0x1930]  }
0x345: {  	v2 =	vld [tilespmem:s12+$0x0];
	_ =	sdelay $0x4  }
0x346: {  	s15 =	rddreg [dreg:$0x8];
	v1 =	vadd.s32 v1, v2  }
0x347: {  	s15 =	sadd.s32 s26, s15;
	[tilespmem:s2+$0x5B30] =	vst v1  }
0x348: {  	s15 =	sadd.s32 s23, s15;
	v1 =	vld [tilespmem:s6+$0x1940]  }
0x349: {  	v2 =	vld [tilespmem:s15+$0x0];
	_ =	sdelay $0x4  }
0x34a: {  	v1 =	vadd.s32 v1, v2  }
0x34b: {  	[tilespmem:s2+$0x5B40] =	vst v1  }
0x34c: {  	s21 =	sadd.s32 s23, s10;
	v1 =	vld [tilespmem:s6+$0x1950]  }
0x34d: {  	v2 =	vld [tilespmem:s21+$0x0];
	_ =	sdelay $0x2  }
0x34e: {  	p0 =	sne.s32 s9, $0x3000  }
.Ltmp13:
0x34f: {  	_ = 	snop;
	(pc) =	sbr.rel @p0 .LBB2_18-.Ltmp13, $4  }
0x350: {  	v1 =	vadd.s32 v1, v2  }
0x351: {  	s3 =	sadd.s32 s26, s16;
	[tilespmem:s2+$0x5B50] =	vst v1  }
0x352: {  	s25 =	sadd.s32 s26, s17;
	s26 =	sadd.s32 s23, s3;
	v1 =	vld [tilespmem:s6+$0x1960]  }
0x353: {  	s9 =	sadd.s32 $0x200, s9;
	s7 =	sadd.s32 s23, s25;
	v2 =	vld [tilespmem:s26+$0x0]  }
0x354: {  	_ =	sdelay $0x3  }
0x355: {  	v1 =	vadd.s32 v1, v2  }
0x356: {  	[tilespmem:s2+$0x5B60] =	vst v1  }
0x357: {  	v1 =	vld [tilespmem:s6+$0x1970]  }
0x358: {  	v2 =	vld [tilespmem:s7+$0x0];
	_ =	sdelay $0x2  }
.Ltmp14:
0x359: {  	_ = 	snop;
	(pc) =	sbr.rel .LBB2_20-.Ltmp14, $4  }
0x35a: {  	_ = 	snop  }
0x35b: {  	s0 =	sadd.s32 $0x5B00, s2;
	s3 =	sadd.s32 $0x7B00, s2;
	s21 =	simm.s32 $0x400;
	v1 =	vadd.s32 v1, v2  }
0x35c: {  	s22 =	simm.s32 $0x2000;
	s23 =	simm.s32 $0x8B00;
	s26 =	simm.s32 $0xEF00;
	[tilespmem:s2+$0x5B70] =	vst v1  }
0x35d: {  	[tilespmem:s3], [sflag:$0x1] =	stream.indirect.gather [hbm4b:s1+s19], $0x1, s0, s19, $0xb8;
	[tilespmem:$0x15300] =	vst v63  }
.LBB2_22:
0x35e: {  	_ =	sfence.sel $0x180000  }
0x35f: {  	[bflag:$0x0] =	sbarrier.arrive $0xFFFF  }
0x360: {  	_ =	strace $0x90000047  }
0x361: {  	s0 =	stileid.u32;
	[bflag:$0x2] =	sbarrier.arrive $0xFFFF  }
0x362: {  	p0 =	sne.s32 s0, $0x0;
	s0 =	rddreg [dreg:$0x3]  }
0x363: {  	s0 =	sadd.s32 @!p0 $0x100000, s0  }
0x364: {  	[sflag:s0] =	ssyncadd.tile.s32 @!p0 $0x1;
	_ =	shalt  }
.Lfunc_end2:
_tile_overlayer_lowered:
.L_overlay_start_2:
0x365: {  	(tag) =	ssettag $0x2  }
0x366: {  	s0 =	rddreg [dreg:$0x0];
	s2 =	stileid.u32  }
0x367: {  	s1 =	rddreg [dreg:$0x1];
	p0 =	sne.s32 s2, $0x0  }
0x368: {  	s3 =	rddreg [dreg:$0x2];
	[bflag:$0x3] =	sbarrier.arrive $0xFFFF;
	s2 =	simm.s32 @!p0 $0x1C03  }
0x369: {  	[timem:s3], [sflag:s2] =	dma.local @!p0 [hbm:s0], s1  }
0x36a: {  	s0 =	simm.s32 @!p0 $0x3  }
0x36b: {  	_ =	swait.ge @!p0 [sflag:s0], s1  }
0x36c: {  	s1 =	ssub.s32 @!p0 $0x0, s1;
	[sflag:s0] =	ssyncset.done @!p0 $0x0  }
0x36d: {  	[sflag:s0] =	ssyncadd.s32 @!p0 s1  }
0x36e: {  	[bflag:$0x3] =	sbarrier.arrive $0xFFFF  }
0x36f: {  	_ =	shalt  }

</sc_bundles>
